<compile_context>
chip_gen: v7x
topology: tpu7x:2x2x1
jax: 0.10.2.dev20260603
libtpu: 0.0.44.dev20260713+nightly
codegen_flags: <defaults>
</compile_context>

<pallas_src>
import functools

import jax
import jax.numpy as jnp
from jax import lax
from jax.experimental import pallas as pl
from jax.experimental.pallas import tpu as pltpu
from jax.experimental.pallas import tpu_sc as plsc

N = 131072
D = 32
B = 16
L = 16
NW = 32
PT = N // NW
CH = 512
NCH = PT // CH
EPS = 1e-5
NEG = -3.4e38

_mesh = plsc.VectorSubcoreMesh(core_axis_name="c", subcore_axis_name="s")
_cp = pltpu.CompilerParams(needs_layout_passes=False)


def _lanef(vec, j):
    return jnp.sum(jnp.where(lax.iota(jnp.int32, L) == j, vec, 0.0))


def _lanei(vec, j):
    return jnp.sum(jnp.where(lax.iota(jnp.int32, L) == j, vec, 0))


def _rsqrt_v(v):
    i = plsc.bitcast(v, jnp.int32)
    y = plsc.bitcast(jnp.int32(0x5F3759DF) - (i >> 1), jnp.float32)
    for _ in range(4):
        y = y * (1.5 - 0.5 * v * y * y)
    return y


TCB = 2048


def _tc_k1_body(x_ref, par_ref, p_ref, q_ref, stat_ref):
    i = pl.program_id(0)
    blk = x_ref[...]
    w = par_ref[0, :]
    b1 = par_ref[1, 0]
    h = jnp.sum(blk * w[None, :], axis=1) + b1
    r = jnp.sum(blk, axis=1) * (1.0 / D)
    p_ref[...] = h * r
    q_ref[...] = r
    lane = lax.broadcasted_iota(jnp.int32, (1, 128), 1)
    stat = jnp.where(lane == 0, jnp.sum(h), 0.0) + jnp.where(
        lane == 1, jnp.sum(h * h), 0.0
    )

    @pl.when(i == 0)
    def _():
        stat_ref[...] = jnp.zeros((1, 128), jnp.float32)

    stat_ref[...] = stat_ref[...] + stat


_tc_k1 = pl.pallas_call(
    _tc_k1_body,
    grid=(N // TCB,),
    in_specs=[
        pl.BlockSpec((TCB, D), lambda i: (i, 0)),
        pl.BlockSpec((2, D), lambda i: (0, 0)),
    ],
    out_specs=[
        pl.BlockSpec((TCB,), lambda i: (i,)),
        pl.BlockSpec((TCB,), lambda i: (i,)),
        pl.BlockSpec((1, 128), lambda i: (0, 0)),
    ],
    out_shape=[
        jax.ShapeDtypeStruct((N,), jnp.float32),
        jax.ShapeDtypeStruct((N,), jnp.float32),
        jax.ShapeDtypeStruct((1, 128), jnp.float32),
    ],
)


@functools.partial(
    pl.kernel,
    mesh=_mesh,
    compiler_params=_cp,
    out_type=jax.ShapeDtypeStruct((2 * B, 48), jnp.float32),
    scratch_types=[
        pltpu.VMEM((D, CH), jnp.float32),
        pltpu.VMEM((CH,), jnp.float32),
        pltpu.VMEM((CH,), jnp.float32),
        pltpu.VMEM((48,), jnp.float32),
        pltpu.VMEM((L,), jnp.float32),
        pltpu.VMEM((L,), jnp.int32),
        pltpu.VMEM((D, L), jnp.float32),
        pltpu.VMEM((48,), jnp.float32),
    ],
)
def _sc_k2(
    x_hbm, p_hbm, q_hbm, part_hbm, len_hbm, par_hbm, parts_hbm,
    xb, pb, qb, par, partv, lenv, accv, stg,
):
    c_ = lax.axis_index("c")
    s_ = lax.axis_index("s")
    seg = c_ * 8 + s_ // 2
    half = s_ % 2
    ii = lax.iota(jnp.int32, L)

    pltpu.sync_copy(par_hbm, par)
    pltpu.sync_copy(part_hbm.at[0, pl.ds(0, L)], partv)
    tot = partv[...]
    sh = _lanef(tot, 0)
    sh2 = _lanef(tot, 1)
    rest = par[pl.ds(2 * L, L)]
    gamma = _lanef(rest, 1)
    beta = _lanef(rest, 2)
    mean = sh * (1.0 / N)
    var = sh2 * (1.0 / N) - mean * mean
    rstdv = _rsqrt_v(jnp.full((L,), var + EPS))
    av = gamma * rstdv
    cv = beta - av * mean

    pltpu.sync_copy(len_hbm, lenv)
    lv = lenv[...]
    ends = plsc.cumsum(lv)
    starts = ends - lv
    start_s = _lanei(starts, seg)
    end_s = _lanei(ends, seg)
    len_s = end_s - start_s
    hlen = (len_s + 1) // 2
    lo = start_s + half * hlen
    hi = jnp.where(half == 0, start_s + hlen, end_s)
    lo_al = (lo // CH) * CH
    nch = (hi - lo_al + (CH - 1)) // CH

    s_al = (start_s // CH) * CH
    nch1 = (end_s - s_al + (CH - 1)) // CH

    def max_chunk(ch, gmax):
        off = s_al + ch * CH
        pltpu.sync_copy(p_hbm.at[pl.ds(off, CH)], pb)
        pltpu.sync_copy(q_hbm.at[pl.ds(off, CH)], qb)

        def grp(gi, gmax):
            idxv = off + gi * L + ii
            valid = (idxv >= start_s) & (idxv < end_s)
            g = av * pb[pl.ds(gi * L, L)] + cv * qb[pl.ds(gi * L, L)]
            return jnp.maximum(gmax, jnp.where(valid, g, NEG))

        return lax.fori_loop(0, CH // L, grp, gmax)

    gmax = lax.fori_loop(0, nch1, max_chunk, jnp.full((L,), NEG))
    mv = jnp.full((L,), jnp.max(gmax))

    for j in range(D):
        accv[j] = jnp.full((L,), 0.0)

    def acc_chunk(ch, esum):
        off = lo_al + ch * CH
        pltpu.sync_copy(x_hbm.at[:, pl.ds(off, CH)], xb)
        pltpu.sync_copy(p_hbm.at[pl.ds(off, CH)], pb)
        pltpu.sync_copy(q_hbm.at[pl.ds(off, CH)], qb)

        def grp(gi, esum):
            idxv = off + gi * L + ii
            valid = (idxv >= lo) & (idxv < hi)
            g = av * pb[pl.ds(gi * L, L)] + cv * qb[pl.ds(gi * L, L)]
            e = jnp.where(valid, jnp.exp(jnp.minimum(g - mv, 0.0)), 0.0)
            for j in range(D):
                col = xb[j, pl.ds(gi * L, L)]
                plsc.addupdate(accv.at[j], e * col)
            return esum + e

        return lax.fori_loop(0, CH // L, grp, esum)

    esum = lax.fori_loop(0, nch, acc_chunk, jnp.full((L,), 0.0))
    es = jnp.sum(esum)
    res0 = jnp.full((L,), 0.0)
    res1 = jnp.full((L,), 0.0)
    for j in range(L):
        res0 = res0 + jnp.where(ii == j, jnp.sum(accv[j]), 0.0)
        res1 = res1 + jnp.where(ii == j, jnp.sum(accv[j + L]), 0.0)

    stg[pl.ds(0, L)] = res0
    stg[pl.ds(L, L)] = res1
    stg[pl.ds(2 * L, L)] = jnp.where(ii == 0, es, 0.0)
    pltpu.sync_copy(stg, parts_hbm.at[seg * 2 + half])


@functools.partial(
    pl.kernel,
    mesh=_mesh,
    compiler_params=_cp,
    out_type=jax.ShapeDtypeStruct((B, D), jnp.float32),
    scratch_types=[
        pltpu.VMEM((48,), jnp.float32),
        pltpu.VMEM((48,), jnp.float32),
        pltpu.VMEM((L,), jnp.int32),
        pltpu.VMEM((D,), jnp.float32),
    ],
)
def _sc_k3(parts_hbm, len_hbm, out_hbm, stg, stg2, lenv, rowb):
    c_ = lax.axis_index("c")
    s_ = lax.axis_index("s")
    seg = c_ * 8 + s_ // 2
    half = s_ % 2

    @pl.when(half == 0)
    def _():
        pltpu.sync_copy(parts_hbm.at[seg * 2], stg)
        pltpu.sync_copy(parts_hbm.at[seg * 2 + 1], stg2)
        pltpu.sync_copy(len_hbm, lenv)
        len_s = _lanei(lenv[...], seg)
        tot0 = stg[pl.ds(0, L)] + stg2[pl.ds(0, L)]
        tot1 = stg[pl.ds(L, L)] + stg2[pl.ds(L, L)]
        es_t = _lanef(stg[pl.ds(2 * L, L)], 0) + _lanef(stg2[pl.ds(2 * L, L)], 0)
        yv = _rsqrt_v(jnp.full((L,), es_t * len_s.astype(jnp.float32)))
        invv = yv * yv
        r0 = tot0 * invv
        r1 = tot1 * invv
        n2 = jnp.sum(r0 * r0) + jnp.sum(r1 * r1)
        rn = _rsqrt_v(jnp.full((L,), jnp.maximum(n2, 1e-24)))
        rowb[pl.ds(0, L)] = r0 * rn
        rowb[pl.ds(L, L)] = r1 * rn
        pltpu.sync_copy(rowb, out_hbm.at[seg])


def kernel(x, length, W1, b1, gamma, beta):
    par = jnp.concatenate(
        [W1.reshape(D), b1.reshape(1), gamma.reshape(1), beta.reshape(1),
         jnp.zeros((48 - D - 3,), jnp.float32)]
    )
    par2 = jnp.stack([W1.reshape(D),
                      jnp.concatenate([b1.reshape(1), jnp.zeros((D - 1,), jnp.float32)])])
    xt = x.T
    p, q, stats = _tc_k1(x, par2)
    leni = length.astype(jnp.int32)
    parts = _sc_k2(xt, p, q, stats, leni, par)
    return _sc_k3(parts, leni)

# --- scband reference (transcript-rebuilt; emitter-appended) ---
"""Pipeline reference for scband-fcgf-point-att2-ican-89575837925670 (READ-ONLY COPY).

The authoritative reference and input builder live on the scoring server;
editing this copy changes nothing except your own understanding.
"""

import jax, jax.numpy as jnp
import numpy as np

N_POINTS = 131072
N_SEGS = 16
D = 32
BN_EPS = 1e-5


def setup_inputs(seed: int = 0) -> dict:
    key = jax.random.key(seed)
    k_x, k_len, k_w, k_b = jax.random.split(key, 4)
    x = jax.random.normal(k_x, (N_POINTS, D), dtype=jnp.float32)
    # per-fragment point counts; clamp to >=1 so no segment is empty (mean of empty slice is NaN)
    length = jax.random.randint(k_len, (N_SEGS,), 0, 8192, dtype=jnp.int64 if jax.config.jax_enable_x64 else jnp.int32)
    length = jnp.maximum(length, 1)
    # parameters: Conv1d(32, 1, kernel=1) == pointwise linear; BatchNorm1d(1) affine params
    W1 = jax.random.normal(k_w, (1, D), dtype=jnp.float32) * (1.0 / np.sqrt(D))
    b1 = jax.random.normal(k_b, (1,), dtype=jnp.float32) * (1.0 / np.sqrt(D))
    gamma = jnp.ones((1,), dtype=jnp.float32)
    beta = jnp.zeros((1,), dtype=jnp.float32)
    return {"x": x, "length": length, "W1": W1, "b1": b1, "gamma": gamma, "beta": beta}


def _forward(x, W1, b1, gamma, beta, length):
    # conv1d(32->1, k=1) applied pointwise, then BatchNorm1d(1) in training mode
    h = x @ W1.T + b1                      # [N, 1]
    mean = jnp.mean(h, axis=0, keepdims=True)
    var = jnp.mean((h - mean) ** 2, axis=0, keepdims=True)  # biased var, as torch BN uses for normalization
    out1 = (h - mean) / jnp.sqrt(var + BN_EPS) * gamma + beta  # [N, 1]
    out2 = x
    out3 = x
    n = x.shape[0]
    g = jnp.mean(out2 * out1, axis=1)      # per-point score, [N]
    ends = jnp.cumsum(length)
    starts = ends - length
    idx = jnp.arange(n)
    mask = (idx[None, :] >= starts[:, None]) & (idx[None, :] < ends[:, None])  # [B, N]
    m = jnp.max(jnp.where(mask, g[None, :], -jnp.inf), axis=1, keepdims=True)
    e = jnp.where(mask, jnp.exp(g[None, :] - m), 0.0)
    sft = e / jnp.sum(e, axis=1, keepdims=True)                # [B, N], zero outside segment
    result = (sft @ out3) / length[:, None].astype(out3.dtype) # [B, 32]
    norm = jnp.linalg.norm(result, axis=1, keepdims=True)
    result = result / jnp.maximum(norm, 1e-12)  # F.normalize(p=2, dim=1)
    return result


def reference(x, length, W1, b1, gamma, beta):
    return _forward(x, W1, b1, gamma, beta, length)

if __name__ == "__main__":
    import jax
    _d = setup_inputs()
    print(jax.jit(kernel)(*tuple(_d.values())))

</pallas_src>

<mosaic_0001>
#map = affine_map<(d0, d1) -> (0, 0)>
#map1 = affine_map<(d0, d1) -> (0)>
module attributes {stable_mosaic.version = 14 : i64} {
  func.func @_sc_k2(%arg0: i32, %arg1: i32, %arg2: memref<32x131072xf32, #tpu.memory_space<hbm>>, %arg3: memref<131072xf32, #tpu.memory_space<hbm>>, %arg4: memref<131072xf32, #tpu.memory_space<hbm>>, %arg5: memref<1x128xf32, #tpu.memory_space<hbm>>, %arg6: memref<16xi32, #tpu.memory_space<hbm>>, %arg7: memref<48xf32, #tpu.memory_space<hbm>>, %arg8: memref<32x48xf32, #tpu.memory_space<hbm>>, %arg9: memref<32x512xf32, #tpu.memory_space<vmem>>, %arg10: memref<512xf32, #tpu.memory_space<vmem>>, %arg11: memref<512xf32, #tpu.memory_space<vmem>>, %arg12: memref<48xf32, #tpu.memory_space<vmem>>, %arg13: memref<16xf32, #tpu.memory_space<vmem>>, %arg14: memref<16xi32, #tpu.memory_space<vmem>>, %arg15: memref<32x16xf32, #tpu.memory_space<vmem>>, %arg16: memref<48xf32, #tpu.memory_space<vmem>>) attributes {dimension_semantics = [#tpu.dimension_semantics<core_parallel>, #tpu.dimension_semantics<subcore_parallel>], iteration_bounds = array<i64: 2, 16>, scalar_prefetch = 0 : i64, scratch_operands = 8 : i64, tpu.core_type = #tpu.core_type<sc_vector_subcore>, window_params = [{transform_indices = #map}, {transform_indices = #map1}, {transform_indices = #map1}, {transform_indices = #map}, {transform_indices = #map1}, {transform_indices = #map1}, {transform_indices = #map}]} {
    %mul3A = arith.constant 8 : i32
    %mul3A_0 = arith.muli %arg0, %mul3A : i32
    %jit3A = arith.constant 2 : i32
    %div3A = arith.divsi %arg1, %jit3A : i32
    %sign3A = arith.constant 0 : i32
    %sign3A_1 = arith.cmpi sgt, %arg1, %sign3A : i32
    %sign3A_2 = arith.extui %sign3A_1 : i1 to i32
    %sign3A_3 = arith.constant 0 : i32
    %sign3A_4 = arith.cmpi slt, %arg1, %sign3A_3 : i32
    %sign3A_5 = arith.extui %sign3A_4 : i1 to i32
    %sign3A_6 = arith.subi %sign3A_2, %sign3A_5 : i32
    %sign3A_7 = arith.constant 0 : i32
    %sign3A_8 = arith.cmpi sgt, %jit3A, %sign3A_7 : i32
    %sign3A_9 = arith.extui %sign3A_8 : i1 to i32
    %sign3A_10 = arith.constant 0 : i32
    %sign3A_11 = arith.cmpi slt, %jit3A, %sign3A_10 : i32
    %sign3A_12 = arith.extui %sign3A_11 : i1 to i32
    %sign3A_13 = arith.subi %sign3A_9, %sign3A_12 : i32
    %ne3A = arith.cmpi ne, %sign3A_6, %sign3A_13 : i32
    %rem3A = arith.remsi %arg1, %jit3A : i32
    %ne3A_14 = arith.constant 0 : i32
    %ne3A_15 = arith.cmpi ne, %rem3A, %ne3A_14 : i32
    %and3A = arith.andi %ne3A, %ne3A_15 : i1
    %sub3A = arith.constant 1 : i32
    %sub3A_16 = arith.subi %div3A, %sub3A : i32
    %select_n3A = arith.select %and3A, %sub3A_16, %div3A : i32
    %add3A = arith.addi %mul3A_0, %select_n3A : i32
    %jit3A_17 = arith.constant 2 : i32
    %eq3A = arith.constant 0 : i32
    %eq3A_18 = arith.cmpi eq, %jit3A_17, %eq3A : i32
    %jit3A_19 = arith.constant 1 : i32
    %select_n3A_20 = arith.select %eq3A_18, %jit3A_19, %jit3A_17 : i32
    %rem3A_21 = arith.remsi %arg1, %select_n3A_20 : i32
    %ne3A_22 = arith.constant 0 : i32
    %ne3A_23 = arith.cmpi ne, %rem3A_21, %ne3A_22 : i32
    %lt3A = arith.constant 0 : i32
    %lt3A_24 = arith.cmpi slt, %rem3A_21, %lt3A : i32
    %lt3A_25 = arith.constant 0 : i32
    %lt3A_26 = arith.cmpi slt, %select_n3A_20, %lt3A_25 : i32
    %ne3A_27 = arith.xori %lt3A_24, %lt3A_26 : i1
    %and3A_28 = arith.andi %ne3A_27, %ne3A_23 : i1
    %add3A_29 = arith.addi %rem3A_21, %select_n3A_20 : i32
    %select_n3A_30 = arith.select %and3A_28, %add3A_29, %rem3A_21 : i32
    %iota3A = tpu.iota {dimensions = array<i32: 0>} : vector<16xi32>
    "tpu.region"() ({
      %run_scoped3A_1053 = tpu.sem_alloc : memref<!tpu.dma_semaphore, #tpu.memory_space<semaphore_mem>>
      tpu.enqueue_dma source(%arg7 : memref<48xf32, #tpu.memory_space<hbm>>) target(%arg12 : memref<48xf32, #tpu.memory_space<vmem>>) target_semaphore(%run_scoped3A_1053 : memref<!tpu.dma_semaphore, #tpu.memory_space<semaphore_mem>>)
      tpu.wait_dma2 semaphore(%run_scoped3A_1053 : memref<!tpu.dma_semaphore, #tpu.memory_space<semaphore_mem>>) src(%arg7 : memref<48xf32, #tpu.memory_space<hbm>>) dst(%arg12 : memref<48xf32, #tpu.memory_space<vmem>>)
      tpu.yield
    }) : () -> ()
    %run_scoped3A = arith.constant 0 : i32
    "tpu.region"() ({
      %run_scoped3A_1053 = tpu.sem_alloc : memref<!tpu.dma_semaphore, #tpu.memory_space<semaphore_mem>>
      %dma_start3A = arith.constant 0 : i32
      %dma_start3A_1054 = tpu.memref_slice %arg5[%run_scoped3A, %dma_start3A] : memref<1x128xf32, #tpu.memory_space<hbm>> -> memref<1x16xf32, #tpu.memory_space<hbm>>
      %dma_start3A_1055 = tpu.memref_squeeze %dma_start3A_1054 : memref<1x16xf32, #tpu.memory_space<hbm>> -> memref<16xf32, #tpu.memory_space<hbm>>
      %dma_start3A_1056 = arith.constant 0 : i32
      %dma_start3A_1057 = tpu.memref_slice %arg5[%run_scoped3A, %dma_start3A_1056] : memref<1x128xf32, #tpu.memory_space<hbm>> -> memref<1x16xf32, #tpu.memory_space<hbm>>
      %dma_start3A_1058 = tpu.memref_squeeze %dma_start3A_1057 : memref<1x16xf32, #tpu.memory_space<hbm>> -> memref<16xf32, #tpu.memory_space<hbm>>
      tpu.enqueue_dma source(%dma_start3A_1058 : memref<16xf32, #tpu.memory_space<hbm>>) target(%arg13 : memref<16xf32, #tpu.memory_space<vmem>>) target_semaphore(%run_scoped3A_1053 : memref<!tpu.dma_semaphore, #tpu.memory_space<semaphore_mem>>)
      %dma_wait3A = arith.constant 0 : i32
      %dma_wait3A_1059 = tpu.memref_slice %arg5[%run_scoped3A, %dma_wait3A] : memref<1x128xf32, #tpu.memory_space<hbm>> -> memref<1x16xf32, #tpu.memory_space<hbm>>
      %dma_wait3A_1060 = tpu.memref_squeeze %dma_wait3A_1059 : memref<1x16xf32, #tpu.memory_space<hbm>> -> memref<16xf32, #tpu.memory_space<hbm>>
      %dma_wait3A_1061 = arith.constant 0 : i32
      %dma_wait3A_1062 = tpu.memref_slice %arg5[%run_scoped3A, %dma_wait3A_1061] : memref<1x128xf32, #tpu.memory_space<hbm>> -> memref<1x16xf32, #tpu.memory_space<hbm>>
      %dma_wait3A_1063 = tpu.memref_squeeze %dma_wait3A_1062 : memref<1x16xf32, #tpu.memory_space<hbm>> -> memref<16xf32, #tpu.memory_space<hbm>>
      tpu.wait_dma2 semaphore(%run_scoped3A_1053 : memref<!tpu.dma_semaphore, #tpu.memory_space<semaphore_mem>>) src(%dma_wait3A_1063 : memref<16xf32, #tpu.memory_space<hbm>>) dst(%arg13 : memref<16xf32, #tpu.memory_space<vmem>>)
      tpu.yield
    }) : () -> ()
    %get3A = arith.constant 0 : index
    %get3A_31 = tpu.vector_load %arg13[%get3A] {strides = array<i32>} : memref<16xf32, #tpu.memory_space<vmem>>, vector<16xf32>,
    %iota3A_32 = tpu.iota {dimensions = array<i32: 0>} : vector<16xi32>
    %eq3A_33 = arith.constant 0 : i32
    %eq3A_34 = vector.broadcast %eq3A_33 : i32 to vector<16xi32>
    %eq3A_35 = arith.cmpi eq, %iota3A_32, %eq3A_34 : vector<16xi32>
    %jit3A_36 = arith.constant 0.000000e+00 : f32
    %broadcast_in_dim3A = vector.broadcast %jit3A_36 : f32 to vector<16xf32>
    %select_n3A_37 = arith.select %eq3A_35, %get3A_31, %broadcast_in_dim3A : vector<16xi1>, vector<16xf32>
    %reduce_sum3A = arith.constant true
    %reduce_sum3A_38 = vector.broadcast %reduce_sum3A : i1 to vector<16xi1>
    %reduce_sum3A_39 = tpu.scan <sum>, %select_n3A_37 masked %reduce_sum3A_38 : vector<16xf32>, vector<16xi1> -> vector<16xf32>
    %reduce_sum3A_40 = vector.extract %reduce_sum3A_39[15] : f32 from vector<16xf32>
    %iota3A_41 = tpu.iota {dimensions = array<i32: 0>} : vector<16xi32>
    %eq3A_42 = arith.constant 1 : i32
    %eq3A_43 = vector.broadcast %eq3A_42 : i32 to vector<16xi32>
    %eq3A_44 = arith.cmpi eq, %iota3A_41, %eq3A_43 : vector<16xi32>
    %jit3A_45 = arith.constant 0.000000e+00 : f32
    %broadcast_in_dim3A_46 = vector.broadcast %jit3A_45 : f32 to vector<16xf32>
    %select_n3A_47 = arith.select %eq3A_44, %get3A_31, %broadcast_in_dim3A_46 : vector<16xi1>, vector<16xf32>
    %reduce_sum3A_48 = arith.constant true
    %reduce_sum3A_49 = vector.broadcast %reduce_sum3A_48 : i1 to vector<16xi1>
    %reduce_sum3A_50 = tpu.scan <sum>, %select_n3A_47 masked %reduce_sum3A_49 : vector<16xf32>, vector<16xi1> -> vector<16xf32>
    %reduce_sum3A_51 = vector.extract %reduce_sum3A_50[15] : f32 from vector<16xf32>
    %get3A_52 = arith.constant 32 : index
    %get3A_53 = tpu.vector_load %arg12[%get3A_52] {strides = array<i32>} : memref<48xf32, #tpu.memory_space<vmem>>, vector<16xf32>,
    %iota3A_54 = tpu.iota {dimensions = array<i32: 0>} : vector<16xi32>
    %eq3A_55 = arith.constant 1 : i32
    %eq3A_56 = vector.broadcast %eq3A_55 : i32 to vector<16xi32>
    %eq3A_57 = arith.cmpi eq, %iota3A_54, %eq3A_56 : vector<16xi32>
    %jit3A_58 = arith.constant 0.000000e+00 : f32
    %broadcast_in_dim3A_59 = vector.broadcast %jit3A_58 : f32 to vector<16xf32>
    %select_n3A_60 = arith.select %eq3A_57, %get3A_53, %broadcast_in_dim3A_59 : vector<16xi1>, vector<16xf32>
    %reduce_sum3A_61 = arith.constant true
    %reduce_sum3A_62 = vector.broadcast %reduce_sum3A_61 : i1 to vector<16xi1>
    %reduce_sum3A_63 = tpu.scan <sum>, %select_n3A_60 masked %reduce_sum3A_62 : vector<16xf32>, vector<16xi1> -> vector<16xf32>
    %reduce_sum3A_64 = vector.extract %reduce_sum3A_63[15] : f32 from vector<16xf32>
    %iota3A_65 = tpu.iota {dimensions = array<i32: 0>} : vector<16xi32>
    %eq3A_66 = arith.constant 2 : i32
    %eq3A_67 = vector.broadcast %eq3A_66 : i32 to vector<16xi32>
    %eq3A_68 = arith.cmpi eq, %iota3A_65, %eq3A_67 : vector<16xi32>
    %jit3A_69 = arith.constant 0.000000e+00 : f32
    %broadcast_in_dim3A_70 = vector.broadcast %jit3A_69 : f32 to vector<16xf32>
    %select_n3A_71 = arith.select %eq3A_68, %get3A_53, %broadcast_in_dim3A_70 : vector<16xi1>, vector<16xf32>
    %reduce_sum3A_72 = arith.constant true
    %reduce_sum3A_73 = vector.broadcast %reduce_sum3A_72 : i1 to vector<16xi1>
    %reduce_sum3A_74 = tpu.scan <sum>, %select_n3A_71 masked %reduce_sum3A_73 : vector<16xf32>, vector<16xi1> -> vector<16xf32>
    %reduce_sum3A_75 = vector.extract %reduce_sum3A_74[15] : f32 from vector<16xf32>
    %mul3A_76 = arith.constant 7.62939453E-6 : f32
    %mul3A_77 = arith.mulf %reduce_sum3A_40, %mul3A_76 : f32
    %mul3A_78 = arith.constant 7.62939453E-6 : f32
    %mul3A_79 = arith.mulf %reduce_sum3A_51, %mul3A_78 : f32
    %mul3A_80 = arith.mulf %mul3A_77, %mul3A_77 : f32
    %sub3A_81 = arith.subf %mul3A_79, %mul3A_80 : f32
    %add3A_82 = arith.constant 9.99999974E-6 : f32
    %add3A_83 = arith.addf %sub3A_81, %add3A_82 : f32
    %broadcast_in_dim3A_84 = vector.broadcast %add3A_83 : f32 to vector<16xf32>
    %bitcast3A = vector.bitcast %broadcast_in_dim3A_84 : vector<16xf32> to vector<16xi32>
    %shift_right_arithmetic3A = arith.constant 1 : i32
    %shift_right_arithmetic3A_85 = vector.broadcast %shift_right_arithmetic3A : i32 to vector<16xi32>
    %shift_right_arithmetic3A_86 = arith.shrsi %bitcast3A, %shift_right_arithmetic3A_85 : vector<16xi32>
    %sub3A_87 = arith.constant 1597463007 : i32
    %sub3A_88 = vector.broadcast %sub3A_87 : i32 to vector<16xi32>
    %sub3A_89 = arith.subi %sub3A_88, %shift_right_arithmetic3A_86 : vector<16xi32>
    %bitcast3A_90 = vector.bitcast %sub3A_89 : vector<16xi32> to vector<16xf32>
    %mul3A_91 = arith.constant 5.000000e-01 : f32
    %mul3A_92 = vector.broadcast %mul3A_91 : f32 to vector<16xf32>
    %mul3A_93 = arith.mulf %mul3A_92, %broadcast_in_dim3A_84 : vector<16xf32>
    %mul3A_94 = arith.mulf %mul3A_93, %bitcast3A_90 : vector<16xf32>
    %mul3A_95 = arith.mulf %mul3A_94, %bitcast3A_90 : vector<16xf32>
    %sub3A_96 = arith.constant 1.500000e+00 : f32
    %sub3A_97 = vector.broadcast %sub3A_96 : f32 to vector<16xf32>
    %sub3A_98 = arith.subf %sub3A_97, %mul3A_95 : vector<16xf32>
    %mul3A_99 = arith.mulf %bitcast3A_90, %sub3A_98 : vector<16xf32>
    %mul3A_100 = arith.constant 5.000000e-01 : f32
    %mul3A_101 = vector.broadcast %mul3A_100 : f32 to vector<16xf32>
    %mul3A_102 = arith.mulf %mul3A_101, %broadcast_in_dim3A_84 : vector<16xf32>
    %mul3A_103 = arith.mulf %mul3A_102, %mul3A_99 : vector<16xf32>
    %mul3A_104 = arith.mulf %mul3A_103, %mul3A_99 : vector<16xf32>
    %sub3A_105 = arith.constant 1.500000e+00 : f32
    %sub3A_106 = vector.broadcast %sub3A_105 : f32 to vector<16xf32>
    %sub3A_107 = arith.subf %sub3A_106, %mul3A_104 : vector<16xf32>
    %mul3A_108 = arith.mulf %mul3A_99, %sub3A_107 : vector<16xf32>
    %mul3A_109 = arith.constant 5.000000e-01 : f32
    %mul3A_110 = vector.broadcast %mul3A_109 : f32 to vector<16xf32>
    %mul3A_111 = arith.mulf %mul3A_110, %broadcast_in_dim3A_84 : vector<16xf32>
    %mul3A_112 = arith.mulf %mul3A_111, %mul3A_108 : vector<16xf32>
    %mul3A_113 = arith.mulf %mul3A_112, %mul3A_108 : vector<16xf32>
    %sub3A_114 = arith.constant 1.500000e+00 : f32
    %sub3A_115 = vector.broadcast %sub3A_114 : f32 to vector<16xf32>
    %sub3A_116 = arith.subf %sub3A_115, %mul3A_113 : vector<16xf32>
    %mul3A_117 = arith.mulf %mul3A_108, %sub3A_116 : vector<16xf32>
    %mul3A_118 = arith.constant 5.000000e-01 : f32
    %mul3A_119 = vector.broadcast %mul3A_118 : f32 to vector<16xf32>
    %mul3A_120 = arith.mulf %mul3A_119, %broadcast_in_dim3A_84 : vector<16xf32>
    %mul3A_121 = arith.mulf %mul3A_120, %mul3A_117 : vector<16xf32>
    %mul3A_122 = arith.mulf %mul3A_121, %mul3A_117 : vector<16xf32>
    %sub3A_123 = arith.constant 1.500000e+00 : f32
    %sub3A_124 = vector.broadcast %sub3A_123 : f32 to vector<16xf32>
    %sub3A_125 = arith.subf %sub3A_124, %mul3A_122 : vector<16xf32>
    %mul3A_126 = arith.mulf %mul3A_117, %sub3A_125 : vector<16xf32>
    %mul3A_127 = vector.broadcast %reduce_sum3A_64 : f32 to vector<16xf32>
    %mul3A_128 = arith.mulf %mul3A_127, %mul3A_126 : vector<16xf32>
    %mul3A_129 = vector.broadcast %mul3A_77 : f32 to vector<16xf32>
    %mul3A_130 = arith.mulf %mul3A_128, %mul3A_129 : vector<16xf32>
    %sub3A_131 = vector.broadcast %reduce_sum3A_75 : f32 to vector<16xf32>
    %sub3A_132 = arith.subf %sub3A_131, %mul3A_130 : vector<16xf32>
    "tpu.region"() ({
      %run_scoped3A_1053 = tpu.sem_alloc : memref<!tpu.dma_semaphore, #tpu.memory_space<semaphore_mem>>
      tpu.enqueue_dma source(%arg6 : memref<16xi32, #tpu.memory_space<hbm>>) target(%arg14 : memref<16xi32, #tpu.memory_space<vmem>>) target_semaphore(%run_scoped3A_1053 : memref<!tpu.dma_semaphore, #tpu.memory_space<semaphore_mem>>)
      tpu.wait_dma2 semaphore(%run_scoped3A_1053 : memref<!tpu.dma_semaphore, #tpu.memory_space<semaphore_mem>>) src(%arg6 : memref<16xi32, #tpu.memory_space<hbm>>) dst(%arg14 : memref<16xi32, #tpu.memory_space<vmem>>)
      tpu.yield
    }) : () -> ()
    %get3A_133 = arith.constant 0 : index
    %get3A_134 = tpu.vector_load %arg14[%get3A_133] {strides = array<i32>} : memref<16xi32, #tpu.memory_space<vmem>>, vector<16xi32>,
    %broadcast_in_dim3A_135 = arith.constant true
    %broadcast_in_dim3A_136 = vector.broadcast %broadcast_in_dim3A_135 : i1 to vector<16xi1>
    %masked_cumsum3A = tpu.scan <sum>, %get3A_134 masked %broadcast_in_dim3A_136 : vector<16xi32>, vector<16xi1> -> vector<16xi32>
    %sub3A_137 = arith.subi %masked_cumsum3A, %get3A_134 : vector<16xi32>
    %iota3A_138 = tpu.iota {dimensions = array<i32: 0>} : vector<16xi32>
    %eq3A_139 = vector.broadcast %add3A : i32 to vector<16xi32>
    %eq3A_140 = arith.cmpi eq, %iota3A_138, %eq3A_139 : vector<16xi32>
    %jit3A_141 = arith.constant 0 : i32
    %broadcast_in_dim3A_142 = vector.broadcast %jit3A_141 : i32 to vector<16xi32>
    %select_n3A_143 = arith.select %eq3A_140, %sub3A_137, %broadcast_in_dim3A_142 : vector<16xi1>, vector<16xi32>
    %reduce_sum3A_144 = arith.constant true
    %reduce_sum3A_145 = vector.broadcast %reduce_sum3A_144 : i1 to vector<16xi1>
    %reduce_sum3A_146 = tpu.scan <sum>, %select_n3A_143 masked %reduce_sum3A_145 : vector<16xi32>, vector<16xi1> -> vector<16xi32>
    %reduce_sum3A_147 = vector.extract %reduce_sum3A_146[15] : i32 from vector<16xi32>
    %iota3A_148 = tpu.iota {dimensions = array<i32: 0>} : vector<16xi32>
    %eq3A_149 = vector.broadcast %add3A : i32 to vector<16xi32>
    %eq3A_150 = arith.cmpi eq, %iota3A_148, %eq3A_149 : vector<16xi32>
    %jit3A_151 = arith.constant 0 : i32
    %broadcast_in_dim3A_152 = vector.broadcast %jit3A_151 : i32 to vector<16xi32>
    %select_n3A_153 = arith.select %eq3A_150, %masked_cumsum3A, %broadcast_in_dim3A_152 : vector<16xi1>, vector<16xi32>
    %reduce_sum3A_154 = arith.constant true
    %reduce_sum3A_155 = vector.broadcast %reduce_sum3A_154 : i1 to vector<16xi1>
    %reduce_sum3A_156 = tpu.scan <sum>, %select_n3A_153 masked %reduce_sum3A_155 : vector<16xi32>, vector<16xi1> -> vector<16xi32>
    %reduce_sum3A_157 = vector.extract %reduce_sum3A_156[15] : i32 from vector<16xi32>
    %sub3A_158 = arith.subi %reduce_sum3A_157, %reduce_sum3A_147 : i32
    %add3A_159 = arith.constant 1 : i32
    %add3A_160 = arith.addi %sub3A_158, %add3A_159 : i32
    %jit3A_161 = arith.constant 2 : i32
    %div3A_162 = arith.divsi %add3A_160, %jit3A_161 : i32
    %sign3A_163 = arith.constant 0 : i32
    %sign3A_164 = arith.cmpi sgt, %add3A_160, %sign3A_163 : i32
    %sign3A_165 = arith.extui %sign3A_164 : i1 to i32
    %sign3A_166 = arith.constant 0 : i32
    %sign3A_167 = arith.cmpi slt, %add3A_160, %sign3A_166 : i32
    %sign3A_168 = arith.extui %sign3A_167 : i1 to i32
    %sign3A_169 = arith.subi %sign3A_165, %sign3A_168 : i32
    %sign3A_170 = arith.constant 0 : i32
    %sign3A_171 = arith.cmpi sgt, %jit3A_161, %sign3A_170 : i32
    %sign3A_172 = arith.extui %sign3A_171 : i1 to i32
    %sign3A_173 = arith.constant 0 : i32
    %sign3A_174 = arith.cmpi slt, %jit3A_161, %sign3A_173 : i32
    %sign3A_175 = arith.extui %sign3A_174 : i1 to i32
    %sign3A_176 = arith.subi %sign3A_172, %sign3A_175 : i32
    %ne3A_177 = arith.cmpi ne, %sign3A_169, %sign3A_176 : i32
    %rem3A_178 = arith.remsi %add3A_160, %jit3A_161 : i32
    %ne3A_179 = arith.constant 0 : i32
    %ne3A_180 = arith.cmpi ne, %rem3A_178, %ne3A_179 : i32
    %and3A_181 = arith.andi %ne3A_177, %ne3A_180 : i1
    %sub3A_182 = arith.constant 1 : i32
    %sub3A_183 = arith.subi %div3A_162, %sub3A_182 : i32
    %select_n3A_184 = arith.select %and3A_181, %sub3A_183, %div3A_162 : i32
    %mul3A_185 = arith.muli %select_n3A_30, %select_n3A_184 : i32
    %add3A_186 = arith.addi %reduce_sum3A_147, %mul3A_185 : i32
    %eq3A_187 = arith.constant 0 : i32
    %eq3A_188 = arith.cmpi eq, %select_n3A_30, %eq3A_187 : i32
    %add3A_189 = arith.addi %reduce_sum3A_147, %select_n3A_184 : i32
    %select_n3A_190 = arith.select %eq3A_188, %add3A_189, %reduce_sum3A_157 : i32
    %jit3A_191 = arith.constant 512 : i32
    %div3A_192 = arith.divsi %add3A_186, %jit3A_191 : i32
    %sign3A_193 = arith.constant 0 : i32
    %sign3A_194 = arith.cmpi sgt, %add3A_186, %sign3A_193 : i32
    %sign3A_195 = arith.extui %sign3A_194 : i1 to i32
    %sign3A_196 = arith.constant 0 : i32
    %sign3A_197 = arith.cmpi slt, %add3A_186, %sign3A_196 : i32
    %sign3A_198 = arith.extui %sign3A_197 : i1 to i32
    %sign3A_199 = arith.subi %sign3A_195, %sign3A_198 : i32
    %sign3A_200 = arith.constant 0 : i32
    %sign3A_201 = arith.cmpi sgt, %jit3A_191, %sign3A_200 : i32
    %sign3A_202 = arith.extui %sign3A_201 : i1 to i32
    %sign3A_203 = arith.constant 0 : i32
    %sign3A_204 = arith.cmpi slt, %jit3A_191, %sign3A_203 : i32
    %sign3A_205 = arith.extui %sign3A_204 : i1 to i32
    %sign3A_206 = arith.subi %sign3A_202, %sign3A_205 : i32
    %ne3A_207 = arith.cmpi ne, %sign3A_199, %sign3A_206 : i32
    %rem3A_208 = arith.remsi %add3A_186, %jit3A_191 : i32
    %ne3A_209 = arith.constant 0 : i32
    %ne3A_210 = arith.cmpi ne, %rem3A_208, %ne3A_209 : i32
    %and3A_211 = arith.andi %ne3A_207, %ne3A_210 : i1
    %sub3A_212 = arith.constant 1 : i32
    %sub3A_213 = arith.subi %div3A_192, %sub3A_212 : i32
    %select_n3A_214 = arith.select %and3A_211, %sub3A_213, %div3A_192 : i32
    %mul3A_215 = arith.constant 512 : i32
    %mul3A_216 = arith.muli %select_n3A_214, %mul3A_215 : i32
    %sub3A_217 = arith.subi %select_n3A_190, %mul3A_216 : i32
    %add3A_218 = arith.constant 511 : i32
    %add3A_219 = arith.addi %sub3A_217, %add3A_218 : i32
    %jit3A_220 = arith.constant 512 : i32
    %div3A_221 = arith.divsi %add3A_219, %jit3A_220 : i32
    %sign3A_222 = arith.constant 0 : i32
    %sign3A_223 = arith.cmpi sgt, %add3A_219, %sign3A_222 : i32
    %sign3A_224 = arith.extui %sign3A_223 : i1 to i32
    %sign3A_225 = arith.constant 0 : i32
    %sign3A_226 = arith.cmpi slt, %add3A_219, %sign3A_225 : i32
    %sign3A_227 = arith.extui %sign3A_226 : i1 to i32
    %sign3A_228 = arith.subi %sign3A_224, %sign3A_227 : i32
    %sign3A_229 = arith.constant 0 : i32
    %sign3A_230 = arith.cmpi sgt, %jit3A_220, %sign3A_229 : i32
    %sign3A_231 = arith.extui %sign3A_230 : i1 to i32
    %sign3A_232 = arith.constant 0 : i32
    %sign3A_233 = arith.cmpi slt, %jit3A_220, %sign3A_232 : i32
    %sign3A_234 = arith.extui %sign3A_233 : i1 to i32
    %sign3A_235 = arith.subi %sign3A_231, %sign3A_234 : i32
    %ne3A_236 = arith.cmpi ne, %sign3A_228, %sign3A_235 : i32
    %rem3A_237 = arith.remsi %add3A_219, %jit3A_220 : i32
    %ne3A_238 = arith.constant 0 : i32
    %ne3A_239 = arith.cmpi ne, %rem3A_237, %ne3A_238 : i32
    %and3A_240 = arith.andi %ne3A_236, %ne3A_239 : i1
    %sub3A_241 = arith.constant 1 : i32
    %sub3A_242 = arith.subi %div3A_221, %sub3A_241 : i32
    %select_n3A_243 = arith.select %and3A_240, %sub3A_242, %div3A_221 : i32
    %jit3A_244 = arith.constant 512 : i32
    %div3A_245 = arith.divsi %reduce_sum3A_147, %jit3A_244 : i32
    %sign3A_246 = arith.constant 0 : i32
    %sign3A_247 = arith.cmpi sgt, %reduce_sum3A_147, %sign3A_246 : i32
    %sign3A_248 = arith.extui %sign3A_247 : i1 to i32
    %sign3A_249 = arith.constant 0 : i32
    %sign3A_250 = arith.cmpi slt, %reduce_sum3A_147, %sign3A_249 : i32
    %sign3A_251 = arith.extui %sign3A_250 : i1 to i32
    %sign3A_252 = arith.subi %sign3A_248, %sign3A_251 : i32
    %sign3A_253 = arith.constant 0 : i32
    %sign3A_254 = arith.cmpi sgt, %jit3A_244, %sign3A_253 : i32
    %sign3A_255 = arith.extui %sign3A_254 : i1 to i32
    %sign3A_256 = arith.constant 0 : i32
    %sign3A_257 = arith.cmpi slt, %jit3A_244, %sign3A_256 : i32
    %sign3A_258 = arith.extui %sign3A_257 : i1 to i32
    %sign3A_259 = arith.subi %sign3A_255, %sign3A_258 : i32
    %ne3A_260 = arith.cmpi ne, %sign3A_252, %sign3A_259 : i32
    %rem3A_261 = arith.remsi %reduce_sum3A_147, %jit3A_244 : i32
    %ne3A_262 = arith.constant 0 : i32
    %ne3A_263 = arith.cmpi ne, %rem3A_261, %ne3A_262 : i32
    %and3A_264 = arith.andi %ne3A_260, %ne3A_263 : i1
    %sub3A_265 = arith.constant 1 : i32
    %sub3A_266 = arith.subi %div3A_245, %sub3A_265 : i32
    %select_n3A_267 = arith.select %and3A_264, %sub3A_266, %div3A_245 : i32
    %mul3A_268 = arith.constant 512 : i32
    %mul3A_269 = arith.muli %select_n3A_267, %mul3A_268 : i32
    %sub3A_270 = arith.subi %reduce_sum3A_157, %mul3A_269 : i32
    %add3A_271 = arith.constant 511 : i32
    %add3A_272 = arith.addi %sub3A_270, %add3A_271 : i32
    %jit3A_273 = arith.constant 512 : i32
    %div3A_274 = arith.divsi %add3A_272, %jit3A_273 : i32
    %sign3A_275 = arith.constant 0 : i32
    %sign3A_276 = arith.cmpi sgt, %add3A_272, %sign3A_275 : i32
    %sign3A_277 = arith.extui %sign3A_276 : i1 to i32
    %sign3A_278 = arith.constant 0 : i32
    %sign3A_279 = arith.cmpi slt, %add3A_272, %sign3A_278 : i32
    %sign3A_280 = arith.extui %sign3A_279 : i1 to i32
    %sign3A_281 = arith.subi %sign3A_277, %sign3A_280 : i32
    %sign3A_282 = arith.constant 0 : i32
    %sign3A_283 = arith.cmpi sgt, %jit3A_273, %sign3A_282 : i32
    %sign3A_284 = arith.extui %sign3A_283 : i1 to i32
    %sign3A_285 = arith.constant 0 : i32
    %sign3A_286 = arith.cmpi slt, %jit3A_273, %sign3A_285 : i32
    %sign3A_287 = arith.extui %sign3A_286 : i1 to i32
    %sign3A_288 = arith.subi %sign3A_284, %sign3A_287 : i32
    %ne3A_289 = arith.cmpi ne, %sign3A_281, %sign3A_288 : i32
    %rem3A_290 = arith.remsi %add3A_272, %jit3A_273 : i32
    %ne3A_291 = arith.constant 0 : i32
    %ne3A_292 = arith.cmpi ne, %rem3A_290, %ne3A_291 : i32
    %and3A_293 = arith.andi %ne3A_289, %ne3A_292 : i1
    %sub3A_294 = arith.constant 1 : i32
    %sub3A_295 = arith.subi %div3A_274, %sub3A_294 : i32
    %select_n3A_296 = arith.select %and3A_293, %sub3A_295, %div3A_274 : i32
    %broadcast_in_dim3A_297 = arith.constant -3.400000e+38 : f32
    %broadcast_in_dim3A_298 = vector.broadcast %broadcast_in_dim3A_297 : f32 to vector<16xf32>
    %while3A = arith.constant 0 : i32
    %while3A_299 = arith.subi %select_n3A_296, %while3A : i32
    %while3A_300 = arith.addi %while3A, %while3A_299 : i32
    %while3A_301 = arith.constant 1 : i32
    %while3A_302 = arith.divsi %while3A_299, %while3A_301 : i32
    %while3A_303 = arith.muli %while3A_302, %while3A_301 : i32
    %while3A_304 = arith.addi %while3A, %while3A_303 : i32
    %while3A_305 = arith.constant 1 : i32
    %while3A_306 = scf.for %while3A_1053 = %while3A to %while3A_304 step %while3A_305 iter_args(%while3A_1054 = %broadcast_in_dim3A_298) -> (vector<16xf32>)  : i32 {
      %mul3A_1055 = arith.constant 512 : i32
      %mul3A_1056 = arith.muli %while3A_1053, %mul3A_1055 : i32
      %add3A_1057 = arith.addi %mul3A_269, %mul3A_1056 : i32
      "tpu.region"() ({
        %run_scoped3A_1063 = tpu.sem_alloc : memref<!tpu.dma_semaphore, #tpu.memory_space<semaphore_mem>>
        %dma_start3A = tpu.memref_slice %arg3[%add3A_1057] : memref<131072xf32, #tpu.memory_space<hbm>> -> memref<512xf32, #tpu.memory_space<hbm>>
        %dma_start3A_1064 = tpu.memref_slice %arg3[%add3A_1057] : memref<131072xf32, #tpu.memory_space<hbm>> -> memref<512xf32, #tpu.memory_space<hbm>>
        tpu.enqueue_dma source(%dma_start3A_1064 : memref<512xf32, #tpu.memory_space<hbm>>) target(%arg10 : memref<512xf32, #tpu.memory_space<vmem>>) target_semaphore(%run_scoped3A_1063 : memref<!tpu.dma_semaphore, #tpu.memory_space<semaphore_mem>>)
        %dma_wait3A = tpu.memref_slice %arg3[%add3A_1057] : memref<131072xf32, #tpu.memory_space<hbm>> -> memref<512xf32, #tpu.memory_space<hbm>>
        %dma_wait3A_1065 = tpu.memref_slice %arg3[%add3A_1057] : memref<131072xf32, #tpu.memory_space<hbm>> -> memref<512xf32, #tpu.memory_space<hbm>>
        tpu.wait_dma2 semaphore(%run_scoped3A_1063 : memref<!tpu.dma_semaphore, #tpu.memory_space<semaphore_mem>>) src(%dma_wait3A_1065 : memref<512xf32, #tpu.memory_space<hbm>>) dst(%arg10 : memref<512xf32, #tpu.memory_space<vmem>>)
        tpu.yield
      }) : () -> ()
      "tpu.region"() ({
        %run_scoped3A_1063 = tpu.sem_alloc : memref<!tpu.dma_semaphore, #tpu.memory_space<semaphore_mem>>
        %dma_start3A = tpu.memref_slice %arg4[%add3A_1057] : memref<131072xf32, #tpu.memory_space<hbm>> -> memref<512xf32, #tpu.memory_space<hbm>>
        %dma_start3A_1064 = tpu.memref_slice %arg4[%add3A_1057] : memref<131072xf32, #tpu.memory_space<hbm>> -> memref<512xf32, #tpu.memory_space<hbm>>
        tpu.enqueue_dma source(%dma_start3A_1064 : memref<512xf32, #tpu.memory_space<hbm>>) target(%arg11 : memref<512xf32, #tpu.memory_space<vmem>>) target_semaphore(%run_scoped3A_1063 : memref<!tpu.dma_semaphore, #tpu.memory_space<semaphore_mem>>)
        %dma_wait3A = tpu.memref_slice %arg4[%add3A_1057] : memref<131072xf32, #tpu.memory_space<hbm>> -> memref<512xf32, #tpu.memory_space<hbm>>
        %dma_wait3A_1065 = tpu.memref_slice %arg4[%add3A_1057] : memref<131072xf32, #tpu.memory_space<hbm>> -> memref<512xf32, #tpu.memory_space<hbm>>
        tpu.wait_dma2 semaphore(%run_scoped3A_1063 : memref<!tpu.dma_semaphore, #tpu.memory_space<semaphore_mem>>) src(%dma_wait3A_1065 : memref<512xf32, #tpu.memory_space<hbm>>) dst(%arg11 : memref<512xf32, #tpu.memory_space<vmem>>)
        tpu.yield
      }) : () -> ()
      %scan3A = arith.constant 0 : i32
      %scan3A_1058 = arith.constant 32 : i32
      %scan3A_1059 = arith.addi %scan3A, %scan3A_1058 : i32
      %scan3A_1060 = arith.constant 1 : i32
      %scan3A_1061 = scf.for %scan3A_1063 = %scan3A to %scan3A_1059 step %scan3A_1060 iter_args(%scan3A_1064 = %while3A_1054) -> (vector<16xf32>)  : i32 {
        %mul3A_1065 = arith.constant 16 : i32
        %mul3A_1066 = arith.muli %scan3A_1063, %mul3A_1065 : i32
        %add3A_1067 = arith.addi %add3A_1057, %mul3A_1066 : i32
        %add3A_1068 = vector.broadcast %add3A_1067 : i32 to vector<16xi32>
        %add3A_1069 = arith.addi %add3A_1068, %iota3A : vector<16xi32>
        %ge3A = vector.broadcast %reduce_sum3A_147 : i32 to vector<16xi32>
        %ge3A_1070 = arith.cmpi sge, %add3A_1069, %ge3A : vector<16xi32>
        %lt3A_1071 = vector.broadcast %reduce_sum3A_157 : i32 to vector<16xi32>
        %lt3A_1072 = arith.cmpi slt, %add3A_1069, %lt3A_1071 : vector<16xi32>
        %and3A_1073 = arith.andi %ge3A_1070, %lt3A_1072 : vector<16xi1>
        %mul3A_1074 = arith.constant 16 : i32
        %mul3A_1075 = arith.muli %scan3A_1063, %mul3A_1074 : i32
        %get3A_1076 = arith.index_cast %mul3A_1075 : i32 to index
        %get3A_1077 = tpu.vector_load %arg10[%get3A_1076] {strides = array<i32>} : memref<512xf32, #tpu.memory_space<vmem>>, vector<16xf32>,
        %mul3A_1078 = arith.mulf %mul3A_128, %get3A_1077 : vector<16xf32>
        %mul3A_1079 = arith.constant 16 : i32
        %mul3A_1080 = arith.muli %scan3A_1063, %mul3A_1079 : i32
        %get3A_1081 = arith.index_cast %mul3A_1080 : i32 to index
        %get3A_1082 = tpu.vector_load %arg11[%get3A_1081] {strides = array<i32>} : memref<512xf32, #tpu.memory_space<vmem>>, vector<16xf32>,
        %mul3A_1083 = arith.mulf %sub3A_132, %get3A_1082 : vector<16xf32>
        %add3A_1084 = arith.addf %mul3A_1078, %mul3A_1083 : vector<16xf32>
        %jit3A_1085 = arith.constant -3.400000e+38 : f32
        %broadcast_in_dim3A_1086 = vector.broadcast %jit3A_1085 : f32 to vector<16xf32>
        %select_n3A_1087 = arith.select %and3A_1073, %add3A_1084, %broadcast_in_dim3A_1086 : vector<16xi1>, vector<16xf32>
        %max3A = arith.maximumf %scan3A_1064, %select_n3A_1087 : vector<16xf32>
        scf.yield %max3A : vector<16xf32>
      }
      %scan3A_1062 = arith.constant 32 : i32
      scf.yield %scan3A_1061 : vector<16xf32>
    }
    %while3A_307 = arith.constant 1 : i32
    %while3A_308 = scf.for %while3A_1053 = %while3A_304 to %while3A_300 step %while3A_307 iter_args(%while3A_1054 = %while3A_306) -> (vector<16xf32>)  : i32 {
      %mul3A_1055 = arith.constant 512 : i32
      %mul3A_1056 = arith.muli %while3A_1053, %mul3A_1055 : i32
      %add3A_1057 = arith.addi %mul3A_269, %mul3A_1056 : i32
      "tpu.region"() ({
        %run_scoped3A_1063 = tpu.sem_alloc : memref<!tpu.dma_semaphore, #tpu.memory_space<semaphore_mem>>
        %dma_start3A = tpu.memref_slice %arg3[%add3A_1057] : memref<131072xf32, #tpu.memory_space<hbm>> -> memref<512xf32, #tpu.memory_space<hbm>>
        %dma_start3A_1064 = tpu.memref_slice %arg3[%add3A_1057] : memref<131072xf32, #tpu.memory_space<hbm>> -> memref<512xf32, #tpu.memory_space<hbm>>
        tpu.enqueue_dma source(%dma_start3A_1064 : memref<512xf32, #tpu.memory_space<hbm>>) target(%arg10 : memref<512xf32, #tpu.memory_space<vmem>>) target_semaphore(%run_scoped3A_1063 : memref<!tpu.dma_semaphore, #tpu.memory_space<semaphore_mem>>)
        %dma_wait3A = tpu.memref_slice %arg3[%add3A_1057] : memref<131072xf32, #tpu.memory_space<hbm>> -> memref<512xf32, #tpu.memory_space<hbm>>
        %dma_wait3A_1065 = tpu.memref_slice %arg3[%add3A_1057] : memref<131072xf32, #tpu.memory_space<hbm>> -> memref<512xf32, #tpu.memory_space<hbm>>
        tpu.wait_dma2 semaphore(%run_scoped3A_1063 : memref<!tpu.dma_semaphore, #tpu.memory_space<semaphore_mem>>) src(%dma_wait3A_1065 : memref<512xf32, #tpu.memory_space<hbm>>) dst(%arg10 : memref<512xf32, #tpu.memory_space<vmem>>)
        tpu.yield
      }) : () -> ()
      "tpu.region"() ({
        %run_scoped3A_1063 = tpu.sem_alloc : memref<!tpu.dma_semaphore, #tpu.memory_space<semaphore_mem>>
        %dma_start3A = tpu.memref_slice %arg4[%add3A_1057] : memref<131072xf32, #tpu.memory_space<hbm>> -> memref<512xf32, #tpu.memory_space<hbm>>
        %dma_start3A_1064 = tpu.memref_slice %arg4[%add3A_1057] : memref<131072xf32, #tpu.memory_space<hbm>> -> memref<512xf32, #tpu.memory_space<hbm>>
        tpu.enqueue_dma source(%dma_start3A_1064 : memref<512xf32, #tpu.memory_space<hbm>>) target(%arg11 : memref<512xf32, #tpu.memory_space<vmem>>) target_semaphore(%run_scoped3A_1063 : memref<!tpu.dma_semaphore, #tpu.memory_space<semaphore_mem>>)
        %dma_wait3A = tpu.memref_slice %arg4[%add3A_1057] : memref<131072xf32, #tpu.memory_space<hbm>> -> memref<512xf32, #tpu.memory_space<hbm>>
        %dma_wait3A_1065 = tpu.memref_slice %arg4[%add3A_1057] : memref<131072xf32, #tpu.memory_space<hbm>> -> memref<512xf32, #tpu.memory_space<hbm>>
        tpu.wait_dma2 semaphore(%run_scoped3A_1063 : memref<!tpu.dma_semaphore, #tpu.memory_space<semaphore_mem>>) src(%dma_wait3A_1065 : memref<512xf32, #tpu.memory_space<hbm>>) dst(%arg11 : memref<512xf32, #tpu.memory_space<vmem>>)
        tpu.yield
      }) : () -> ()
      %scan3A = arith.constant 0 : i32
      %scan3A_1058 = arith.constant 32 : i32
      %scan3A_1059 = arith.addi %scan3A, %scan3A_1058 : i32
      %scan3A_1060 = arith.constant 1 : i32
      %scan3A_1061 = scf.for %scan3A_1063 = %scan3A to %scan3A_1059 step %scan3A_1060 iter_args(%scan3A_1064 = %while3A_1054) -> (vector<16xf32>)  : i32 {
        %mul3A_1065 = arith.constant 16 : i32
        %mul3A_1066 = arith.muli %scan3A_1063, %mul3A_1065 : i32
        %add3A_1067 = arith.addi %add3A_1057, %mul3A_1066 : i32
        %add3A_1068 = vector.broadcast %add3A_1067 : i32 to vector<16xi32>
        %add3A_1069 = arith.addi %add3A_1068, %iota3A : vector<16xi32>
        %ge3A = vector.broadcast %reduce_sum3A_147 : i32 to vector<16xi32>
        %ge3A_1070 = arith.cmpi sge, %add3A_1069, %ge3A : vector<16xi32>
        %lt3A_1071 = vector.broadcast %reduce_sum3A_157 : i32 to vector<16xi32>
        %lt3A_1072 = arith.cmpi slt, %add3A_1069, %lt3A_1071 : vector<16xi32>
        %and3A_1073 = arith.andi %ge3A_1070, %lt3A_1072 : vector<16xi1>
        %mul3A_1074 = arith.constant 16 : i32
        %mul3A_1075 = arith.muli %scan3A_1063, %mul3A_1074 : i32
        %get3A_1076 = arith.index_cast %mul3A_1075 : i32 to index
        %get3A_1077 = tpu.vector_load %arg10[%get3A_1076] {strides = array<i32>} : memref<512xf32, #tpu.memory_space<vmem>>, vector<16xf32>,
        %mul3A_1078 = arith.mulf %mul3A_128, %get3A_1077 : vector<16xf32>
        %mul3A_1079 = arith.constant 16 : i32
        %mul3A_1080 = arith.muli %scan3A_1063, %mul3A_1079 : i32
        %get3A_1081 = arith.index_cast %mul3A_1080 : i32 to index
        %get3A_1082 = tpu.vector_load %arg11[%get3A_1081] {strides = array<i32>} : memref<512xf32, #tpu.memory_space<vmem>>, vector<16xf32>,
        %mul3A_1083 = arith.mulf %sub3A_132, %get3A_1082 : vector<16xf32>
        %add3A_1084 = arith.addf %mul3A_1078, %mul3A_1083 : vector<16xf32>
        %jit3A_1085 = arith.constant -3.400000e+38 : f32
        %broadcast_in_dim3A_1086 = vector.broadcast %jit3A_1085 : f32 to vector<16xf32>
        %select_n3A_1087 = arith.select %and3A_1073, %add3A_1084, %broadcast_in_dim3A_1086 : vector<16xi1>, vector<16xf32>
        %max3A = arith.maximumf %scan3A_1064, %select_n3A_1087 : vector<16xf32>
        scf.yield %max3A : vector<16xf32>
      }
      %scan3A_1062 = arith.constant 32 : i32
      scf.yield %scan3A_1061 : vector<16xf32>
    }
    %reduce_max3A = arith.constant true
    %reduce_max3A_309 = vector.broadcast %reduce_max3A : i1 to vector<16xi1>
    %reduce_max3A_310 = tpu.scan <max>, %while3A_308 masked %reduce_max3A_309 : vector<16xf32>, vector<16xi1> -> vector<16xf32>
    %reduce_max3A_311 = vector.extract %reduce_max3A_310[15] : f32 from vector<16xf32>
    %broadcast_in_dim3A_312 = vector.broadcast %reduce_max3A_311 : f32 to vector<16xf32>
    %broadcast_in_dim3A_313 = arith.constant 0.000000e+00 : f32
    %broadcast_in_dim3A_314 = vector.broadcast %broadcast_in_dim3A_313 : f32 to vector<16xf32>
    %swap3A = arith.constant 0 : i32
    %swap3A_315 = arith.index_cast %swap3A : i32 to index
    %swap3A_316 = arith.constant 0 : index
    %swap3A_317 = tpu.vector_load %arg15[%swap3A_315, %swap3A_316] {strides = array<i32>} : memref<32x16xf32, #tpu.memory_space<vmem>>, vector<16xf32>,
    tpu.vector_store %arg15[%swap3A_315, %swap3A_316], %broadcast_in_dim3A_314 {strides = array<i32>} : memref<32x16xf32, #tpu.memory_space<vmem>>, vector<16xf32>,
    %broadcast_in_dim3A_318 = arith.constant 0.000000e+00 : f32
    %broadcast_in_dim3A_319 = vector.broadcast %broadcast_in_dim3A_318 : f32 to vector<16xf32>
    %swap3A_320 = arith.constant 1 : i32
    %swap3A_321 = arith.index_cast %swap3A_320 : i32 to index
    %swap3A_322 = arith.constant 0 : index
    %swap3A_323 = tpu.vector_load %arg15[%swap3A_321, %swap3A_322] {strides = array<i32>} : memref<32x16xf32, #tpu.memory_space<vmem>>, vector<16xf32>,
    tpu.vector_store %arg15[%swap3A_321, %swap3A_322], %broadcast_in_dim3A_319 {strides = array<i32>} : memref<32x16xf32, #tpu.memory_space<vmem>>, vector<16xf32>,
    %broadcast_in_dim3A_324 = arith.constant 0.000000e+00 : f32
    %broadcast_in_dim3A_325 = vector.broadcast %broadcast_in_dim3A_324 : f32 to vector<16xf32>
    %swap3A_326 = arith.constant 2 : i32
    %swap3A_327 = arith.index_cast %swap3A_326 : i32 to index
    %swap3A_328 = arith.constant 0 : index
    %swap3A_329 = tpu.vector_load %arg15[%swap3A_327, %swap3A_328] {strides = array<i32>} : memref<32x16xf32, #tpu.memory_space<vmem>>, vector<16xf32>,
    tpu.vector_store %arg15[%swap3A_327, %swap3A_328], %broadcast_in_dim3A_325 {strides = array<i32>} : memref<32x16xf32, #tpu.memory_space<vmem>>, vector<16xf32>,
    %broadcast_in_dim3A_330 = arith.constant 0.000000e+00 : f32
    %broadcast_in_dim3A_331 = vector.broadcast %broadcast_in_dim3A_330 : f32 to vector<16xf32>
    %swap3A_332 = arith.constant 3 : i32
    %swap3A_333 = arith.index_cast %swap3A_332 : i32 to index
    %swap3A_334 = arith.constant 0 : index
    %swap3A_335 = tpu.vector_load %arg15[%swap3A_333, %swap3A_334] {strides = array<i32>} : memref<32x16xf32, #tpu.memory_space<vmem>>, vector<16xf32>,
    tpu.vector_store %arg15[%swap3A_333, %swap3A_334], %broadcast_in_dim3A_331 {strides = array<i32>} : memref<32x16xf32, #tpu.memory_space<vmem>>, vector<16xf32>,
    %broadcast_in_dim3A_336 = arith.constant 0.000000e+00 : f32
    %broadcast_in_dim3A_337 = vector.broadcast %broadcast_in_dim3A_336 : f32 to vector<16xf32>
    %swap3A_338 = arith.constant 4 : i32
    %swap3A_339 = arith.index_cast %swap3A_338 : i32 to index
    %swap3A_340 = arith.constant 0 : index
    %swap3A_341 = tpu.vector_load %arg15[%swap3A_339, %swap3A_340] {strides = array<i32>} : memref<32x16xf32, #tpu.memory_space<vmem>>, vector<16xf32>,
    tpu.vector_store %arg15[%swap3A_339, %swap3A_340], %broadcast_in_dim3A_337 {strides = array<i32>} : memref<32x16xf32, #tpu.memory_space<vmem>>, vector<16xf32>,
    %broadcast_in_dim3A_342 = arith.constant 0.000000e+00 : f32
    %broadcast_in_dim3A_343 = vector.broadcast %broadcast_in_dim3A_342 : f32 to vector<16xf32>
    %swap3A_344 = arith.constant 5 : i32
    %swap3A_345 = arith.index_cast %swap3A_344 : i32 to index
    %swap3A_346 = arith.constant 0 : index
    %swap3A_347 = tpu.vector_load %arg15[%swap3A_345, %swap3A_346] {strides = array<i32>} : memref<32x16xf32, #tpu.memory_space<vmem>>, vector<16xf32>,
    tpu.vector_store %arg15[%swap3A_345, %swap3A_346], %broadcast_in_dim3A_343 {strides = array<i32>} : memref<32x16xf32, #tpu.memory_space<vmem>>, vector<16xf32>,
    %broadcast_in_dim3A_348 = arith.constant 0.000000e+00 : f32
    %broadcast_in_dim3A_349 = vector.broadcast %broadcast_in_dim3A_348 : f32 to vector<16xf32>
    %swap3A_350 = arith.constant 6 : i32
    %swap3A_351 = arith.index_cast %swap3A_350 : i32 to index
    %swap3A_352 = arith.constant 0 : index
    %swap3A_353 = tpu.vector_load %arg15[%swap3A_351, %swap3A_352] {strides = array<i32>} : memref<32x16xf32, #tpu.memory_space<vmem>>, vector<16xf32>,
    tpu.vector_store %arg15[%swap3A_351, %swap3A_352], %broadcast_in_dim3A_349 {strides = array<i32>} : memref<32x16xf32, #tpu.memory_space<vmem>>, vector<16xf32>,
    %broadcast_in_dim3A_354 = arith.constant 0.000000e+00 : f32
    %broadcast_in_dim3A_355 = vector.broadcast %broadcast_in_dim3A_354 : f32 to vector<16xf32>
    %swap3A_356 = arith.constant 7 : i32
    %swap3A_357 = arith.index_cast %swap3A_356 : i32 to index
    %swap3A_358 = arith.constant 0 : index
    %swap3A_359 = tpu.vector_load %arg15[%swap3A_357, %swap3A_358] {strides = array<i32>} : memref<32x16xf32, #tpu.memory_space<vmem>>, vector<16xf32>,
    tpu.vector_store %arg15[%swap3A_357, %swap3A_358], %broadcast_in_dim3A_355 {strides = array<i32>} : memref<32x16xf32, #tpu.memory_space<vmem>>, vector<16xf32>,
    %broadcast_in_dim3A_360 = arith.constant 0.000000e+00 : f32
    %broadcast_in_dim3A_361 = vector.broadcast %broadcast_in_dim3A_360 : f32 to vector<16xf32>
    %swap3A_362 = arith.constant 8 : i32
    %swap3A_363 = arith.index_cast %swap3A_362 : i32 to index
    %swap3A_364 = arith.constant 0 : index
    %swap3A_365 = tpu.vector_load %arg15[%swap3A_363, %swap3A_364] {strides = array<i32>} : memref<32x16xf32, #tpu.memory_space<vmem>>, vector<16xf32>,
    tpu.vector_store %arg15[%swap3A_363, %swap3A_364], %broadcast_in_dim3A_361 {strides = array<i32>} : memref<32x16xf32, #tpu.memory_space<vmem>>, vector<16xf32>,
    %broadcast_in_dim3A_366 = arith.constant 0.000000e+00 : f32
    %broadcast_in_dim3A_367 = vector.broadcast %broadcast_in_dim3A_366 : f32 to vector<16xf32>
    %swap3A_368 = arith.constant 9 : i32
    %swap3A_369 = arith.index_cast %swap3A_368 : i32 to index
    %swap3A_370 = arith.constant 0 : index
    %swap3A_371 = tpu.vector_load %arg15[%swap3A_369, %swap3A_370] {strides = array<i32>} : memref<32x16xf32, #tpu.memory_space<vmem>>, vector<16xf32>,
    tpu.vector_store %arg15[%swap3A_369, %swap3A_370], %broadcast_in_dim3A_367 {strides = array<i32>} : memref<32x16xf32, #tpu.memory_space<vmem>>, vector<16xf32>,
    %broadcast_in_dim3A_372 = arith.constant 0.000000e+00 : f32
    %broadcast_in_dim3A_373 = vector.broadcast %broadcast_in_dim3A_372 : f32 to vector<16xf32>
    %swap3A_374 = arith.constant 10 : i32
    %swap3A_375 = arith.index_cast %swap3A_374 : i32 to index
    %swap3A_376 = arith.constant 0 : index
    %swap3A_377 = tpu.vector_load %arg15[%swap3A_375, %swap3A_376] {strides = array<i32>} : memref<32x16xf32, #tpu.memory_space<vmem>>, vector<16xf32>,
    tpu.vector_store %arg15[%swap3A_375, %swap3A_376], %broadcast_in_dim3A_373 {strides = array<i32>} : memref<32x16xf32, #tpu.memory_space<vmem>>, vector<16xf32>,
    %broadcast_in_dim3A_378 = arith.constant 0.000000e+00 : f32
    %broadcast_in_dim3A_379 = vector.broadcast %broadcast_in_dim3A_378 : f32 to vector<16xf32>
    %swap3A_380 = arith.constant 11 : i32
    %swap3A_381 = arith.index_cast %swap3A_380 : i32 to index
    %swap3A_382 = arith.constant 0 : index
    %swap3A_383 = tpu.vector_load %arg15[%swap3A_381, %swap3A_382] {strides = array<i32>} : memref<32x16xf32, #tpu.memory_space<vmem>>, vector<16xf32>,
    tpu.vector_store %arg15[%swap3A_381, %swap3A_382], %broadcast_in_dim3A_379 {strides = array<i32>} : memref<32x16xf32, #tpu.memory_space<vmem>>, vector<16xf32>,
    %broadcast_in_dim3A_384 = arith.constant 0.000000e+00 : f32
    %broadcast_in_dim3A_385 = vector.broadcast %broadcast_in_dim3A_384 : f32 to vector<16xf32>
    %swap3A_386 = arith.constant 12 : i32
    %swap3A_387 = arith.index_cast %swap3A_386 : i32 to index
    %swap3A_388 = arith.constant 0 : index
    %swap3A_389 = tpu.vector_load %arg15[%swap3A_387, %swap3A_388] {strides = array<i32>} : memref<32x16xf32, #tpu.memory_space<vmem>>, vector<16xf32>,
    tpu.vector_store %arg15[%swap3A_387, %swap3A_388], %broadcast_in_dim3A_385 {strides = array<i32>} : memref<32x16xf32, #tpu.memory_space<vmem>>, vector<16xf32>,
    %broadcast_in_dim3A_390 = arith.constant 0.000000e+00 : f32
    %broadcast_in_dim3A_391 = vector.broadcast %broadcast_in_dim3A_390 : f32 to vector<16xf32>
    %swap3A_392 = arith.constant 13 : i32
    %swap3A_393 = arith.index_cast %swap3A_392 : i32 to index
    %swap3A_394 = arith.constant 0 : index
    %swap3A_395 = tpu.vector_load %arg15[%swap3A_393, %swap3A_394] {strides = array<i32>} : memref<32x16xf32, #tpu.memory_space<vmem>>, vector<16xf32>,
    tpu.vector_store %arg15[%swap3A_393, %swap3A_394], %broadcast_in_dim3A_391 {strides = array<i32>} : memref<32x16xf32, #tpu.memory_space<vmem>>, vector<16xf32>,
    %broadcast_in_dim3A_396 = arith.constant 0.000000e+00 : f32
    %broadcast_in_dim3A_397 = vector.broadcast %broadcast_in_dim3A_396 : f32 to vector<16xf32>
    %swap3A_398 = arith.constant 14 : i32
    %swap3A_399 = arith.index_cast %swap3A_398 : i32 to index
    %swap3A_400 = arith.constant 0 : index
    %swap3A_401 = tpu.vector_load %arg15[%swap3A_399, %swap3A_400] {strides = array<i32>} : memref<32x16xf32, #tpu.memory_space<vmem>>, vector<16xf32>,
    tpu.vector_store %arg15[%swap3A_399, %swap3A_400], %broadcast_in_dim3A_397 {strides = array<i32>} : memref<32x16xf32, #tpu.memory_space<vmem>>, vector<16xf32>,
    %broadcast_in_dim3A_402 = arith.constant 0.000000e+00 : f32
    %broadcast_in_dim3A_403 = vector.broadcast %broadcast_in_dim3A_402 : f32 to vector<16xf32>
    %swap3A_404 = arith.constant 15 : i32
    %swap3A_405 = arith.index_cast %swap3A_404 : i32 to index
    %swap3A_406 = arith.constant 0 : index
    %swap3A_407 = tpu.vector_load %arg15[%swap3A_405, %swap3A_406] {strides = array<i32>} : memref<32x16xf32, #tpu.memory_space<vmem>>, vector<16xf32>,
    tpu.vector_store %arg15[%swap3A_405, %swap3A_406], %broadcast_in_dim3A_403 {strides = array<i32>} : memref<32x16xf32, #tpu.memory_space<vmem>>, vector<16xf32>,
    %broadcast_in_dim3A_408 = arith.constant 0.000000e+00 : f32
    %broadcast_in_dim3A_409 = vector.broadcast %broadcast_in_dim3A_408 : f32 to vector<16xf32>
    %swap3A_410 = arith.constant 16 : i32
    %swap3A_411 = arith.index_cast %swap3A_410 : i32 to index
    %swap3A_412 = arith.constant 0 : index
    %swap3A_413 = tpu.vector_load %arg15[%swap3A_411, %swap3A_412] {strides = array<i32>} : memref<32x16xf32, #tpu.memory_space<vmem>>, vector<16xf32>,
    tpu.vector_store %arg15[%swap3A_411, %swap3A_412], %broadcast_in_dim3A_409 {strides = array<i32>} : memref<32x16xf32, #tpu.memory_space<vmem>>, vector<16xf32>,
    %broadcast_in_dim3A_414 = arith.constant 0.000000e+00 : f32
    %broadcast_in_dim3A_415 = vector.broadcast %broadcast_in_dim3A_414 : f32 to vector<16xf32>
    %swap3A_416 = arith.constant 17 : i32
    %swap3A_417 = arith.index_cast %swap3A_416 : i32 to index
    %swap3A_418 = arith.constant 0 : index
    %swap3A_419 = tpu.vector_load %arg15[%swap3A_417, %swap3A_418] {strides = array<i32>} : memref<32x16xf32, #tpu.memory_space<vmem>>, vector<16xf32>,
    tpu.vector_store %arg15[%swap3A_417, %swap3A_418], %broadcast_in_dim3A_415 {strides = array<i32>} : memref<32x16xf32, #tpu.memory_space<vmem>>, vector<16xf32>,
    %broadcast_in_dim3A_420 = arith.constant 0.000000e+00 : f32
    %broadcast_in_dim3A_421 = vector.broadcast %broadcast_in_dim3A_420 : f32 to vector<16xf32>
    %swap3A_422 = arith.constant 18 : i32
    %swap3A_423 = arith.index_cast %swap3A_422 : i32 to index
    %swap3A_424 = arith.constant 0 : index
    %swap3A_425 = tpu.vector_load %arg15[%swap3A_423, %swap3A_424] {strides = array<i32>} : memref<32x16xf32, #tpu.memory_space<vmem>>, vector<16xf32>,
    tpu.vector_store %arg15[%swap3A_423, %swap3A_424], %broadcast_in_dim3A_421 {strides = array<i32>} : memref<32x16xf32, #tpu.memory_space<vmem>>, vector<16xf32>,
    %broadcast_in_dim3A_426 = arith.constant 0.000000e+00 : f32
    %broadcast_in_dim3A_427 = vector.broadcast %broadcast_in_dim3A_426 : f32 to vector<16xf32>
    %swap3A_428 = arith.constant 19 : i32
    %swap3A_429 = arith.index_cast %swap3A_428 : i32 to index
    %swap3A_430 = arith.constant 0 : index
    %swap3A_431 = tpu.vector_load %arg15[%swap3A_429, %swap3A_430] {strides = array<i32>} : memref<32x16xf32, #tpu.memory_space<vmem>>, vector<16xf32>,
    tpu.vector_store %arg15[%swap3A_429, %swap3A_430], %broadcast_in_dim3A_427 {strides = array<i32>} : memref<32x16xf32, #tpu.memory_space<vmem>>, vector<16xf32>,
    %broadcast_in_dim3A_432 = arith.constant 0.000000e+00 : f32
    %broadcast_in_dim3A_433 = vector.broadcast %broadcast_in_dim3A_432 : f32 to vector<16xf32>
    %swap3A_434 = arith.constant 20 : i32
    %swap3A_435 = arith.index_cast %swap3A_434 : i32 to index
    %swap3A_436 = arith.constant 0 : index
    %swap3A_437 = tpu.vector_load %arg15[%swap3A_435, %swap3A_436] {strides = array<i32>} : memref<32x16xf32, #tpu.memory_space<vmem>>, vector<16xf32>,
    tpu.vector_store %arg15[%swap3A_435, %swap3A_436], %broadcast_in_dim3A_433 {strides = array<i32>} : memref<32x16xf32, #tpu.memory_space<vmem>>, vector<16xf32>,
    %broadcast_in_dim3A_438 = arith.constant 0.000000e+00 : f32
    %broadcast_in_dim3A_439 = vector.broadcast %broadcast_in_dim3A_438 : f32 to vector<16xf32>
    %swap3A_440 = arith.constant 21 : i32
    %swap3A_441 = arith.index_cast %swap3A_440 : i32 to index
    %swap3A_442 = arith.constant 0 : index
    %swap3A_443 = tpu.vector_load %arg15[%swap3A_441, %swap3A_442] {strides = array<i32>} : memref<32x16xf32, #tpu.memory_space<vmem>>, vector<16xf32>,
    tpu.vector_store %arg15[%swap3A_441, %swap3A_442], %broadcast_in_dim3A_439 {strides = array<i32>} : memref<32x16xf32, #tpu.memory_space<vmem>>, vector<16xf32>,
    %broadcast_in_dim3A_444 = arith.constant 0.000000e+00 : f32
    %broadcast_in_dim3A_445 = vector.broadcast %broadcast_in_dim3A_444 : f32 to vector<16xf32>
    %swap3A_446 = arith.constant 22 : i32
    %swap3A_447 = arith.index_cast %swap3A_446 : i32 to index
    %swap3A_448 = arith.constant 0 : index
    %swap3A_449 = tpu.vector_load %arg15[%swap3A_447, %swap3A_448] {strides = array<i32>} : memref<32x16xf32, #tpu.memory_space<vmem>>, vector<16xf32>,
    tpu.vector_store %arg15[%swap3A_447, %swap3A_448], %broadcast_in_dim3A_445 {strides = array<i32>} : memref<32x16xf32, #tpu.memory_space<vmem>>, vector<16xf32>,
    %broadcast_in_dim3A_450 = arith.constant 0.000000e+00 : f32
    %broadcast_in_dim3A_451 = vector.broadcast %broadcast_in_dim3A_450 : f32 to vector<16xf32>
    %swap3A_452 = arith.constant 23 : i32
    %swap3A_453 = arith.index_cast %swap3A_452 : i32 to index
    %swap3A_454 = arith.constant 0 : index
    %swap3A_455 = tpu.vector_load %arg15[%swap3A_453, %swap3A_454] {strides = array<i32>} : memref<32x16xf32, #tpu.memory_space<vmem>>, vector<16xf32>,
    tpu.vector_store %arg15[%swap3A_453, %swap3A_454], %broadcast_in_dim3A_451 {strides = array<i32>} : memref<32x16xf32, #tpu.memory_space<vmem>>, vector<16xf32>,
    %broadcast_in_dim3A_456 = arith.constant 0.000000e+00 : f32
    %broadcast_in_dim3A_457 = vector.broadcast %broadcast_in_dim3A_456 : f32 to vector<16xf32>
    %swap3A_458 = arith.constant 24 : i32
    %swap3A_459 = arith.index_cast %swap3A_458 : i32 to index
    %swap3A_460 = arith.constant 0 : index
    %swap3A_461 = tpu.vector_load %arg15[%swap3A_459, %swap3A_460] {strides = array<i32>} : memref<32x16xf32, #tpu.memory_space<vmem>>, vector<16xf32>,
    tpu.vector_store %arg15[%swap3A_459, %swap3A_460], %broadcast_in_dim3A_457 {strides = array<i32>} : memref<32x16xf32, #tpu.memory_space<vmem>>, vector<16xf32>,
    %broadcast_in_dim3A_462 = arith.constant 0.000000e+00 : f32
    %broadcast_in_dim3A_463 = vector.broadcast %broadcast_in_dim3A_462 : f32 to vector<16xf32>
    %swap3A_464 = arith.constant 25 : i32
    %swap3A_465 = arith.index_cast %swap3A_464 : i32 to index
    %swap3A_466 = arith.constant 0 : index
    %swap3A_467 = tpu.vector_load %arg15[%swap3A_465, %swap3A_466] {strides = array<i32>} : memref<32x16xf32, #tpu.memory_space<vmem>>, vector<16xf32>,
    tpu.vector_store %arg15[%swap3A_465, %swap3A_466], %broadcast_in_dim3A_463 {strides = array<i32>} : memref<32x16xf32, #tpu.memory_space<vmem>>, vector<16xf32>,
    %broadcast_in_dim3A_468 = arith.constant 0.000000e+00 : f32
    %broadcast_in_dim3A_469 = vector.broadcast %broadcast_in_dim3A_468 : f32 to vector<16xf32>
    %swap3A_470 = arith.constant 26 : i32
    %swap3A_471 = arith.index_cast %swap3A_470 : i32 to index
    %swap3A_472 = arith.constant 0 : index
    %swap3A_473 = tpu.vector_load %arg15[%swap3A_471, %swap3A_472] {strides = array<i32>} : memref<32x16xf32, #tpu.memory_space<vmem>>, vector<16xf32>,
    tpu.vector_store %arg15[%swap3A_471, %swap3A_472], %broadcast_in_dim3A_469 {strides = array<i32>} : memref<32x16xf32, #tpu.memory_space<vmem>>, vector<16xf32>,
    %broadcast_in_dim3A_474 = arith.constant 0.000000e+00 : f32
    %broadcast_in_dim3A_475 = vector.broadcast %broadcast_in_dim3A_474 : f32 to vector<16xf32>
    %swap3A_476 = arith.constant 27 : i32
    %swap3A_477 = arith.index_cast %swap3A_476 : i32 to index
    %swap3A_478 = arith.constant 0 : index
    %swap3A_479 = tpu.vector_load %arg15[%swap3A_477, %swap3A_478] {strides = array<i32>} : memref<32x16xf32, #tpu.memory_space<vmem>>, vector<16xf32>,
    tpu.vector_store %arg15[%swap3A_477, %swap3A_478], %broadcast_in_dim3A_475 {strides = array<i32>} : memref<32x16xf32, #tpu.memory_space<vmem>>, vector<16xf32>,
    %broadcast_in_dim3A_480 = arith.constant 0.000000e+00 : f32
    %broadcast_in_dim3A_481 = vector.broadcast %broadcast_in_dim3A_480 : f32 to vector<16xf32>
    %swap3A_482 = arith.constant 28 : i32
    %swap3A_483 = arith.index_cast %swap3A_482 : i32 to index
    %swap3A_484 = arith.constant 0 : index
    %swap3A_485 = tpu.vector_load %arg15[%swap3A_483, %swap3A_484] {strides = array<i32>} : memref<32x16xf32, #tpu.memory_space<vmem>>, vector<16xf32>,
    tpu.vector_store %arg15[%swap3A_483, %swap3A_484], %broadcast_in_dim3A_481 {strides = array<i32>} : memref<32x16xf32, #tpu.memory_space<vmem>>, vector<16xf32>,
    %broadcast_in_dim3A_486 = arith.constant 0.000000e+00 : f32
    %broadcast_in_dim3A_487 = vector.broadcast %broadcast_in_dim3A_486 : f32 to vector<16xf32>
    %swap3A_488 = arith.constant 29 : i32
    %swap3A_489 = arith.index_cast %swap3A_488 : i32 to index
    %swap3A_490 = arith.constant 0 : index
    %swap3A_491 = tpu.vector_load %arg15[%swap3A_489, %swap3A_490] {strides = array<i32>} : memref<32x16xf32, #tpu.memory_space<vmem>>, vector<16xf32>,
    tpu.vector_store %arg15[%swap3A_489, %swap3A_490], %broadcast_in_dim3A_487 {strides = array<i32>} : memref<32x16xf32, #tpu.memory_space<vmem>>, vector<16xf32>,
    %broadcast_in_dim3A_492 = arith.constant 0.000000e+00 : f32
    %broadcast_in_dim3A_493 = vector.broadcast %broadcast_in_dim3A_492 : f32 to vector<16xf32>
    %swap3A_494 = arith.constant 30 : i32
    %swap3A_495 = arith.index_cast %swap3A_494 : i32 to index
    %swap3A_496 = arith.constant 0 : index
    %swap3A_497 = tpu.vector_load %arg15[%swap3A_495, %swap3A_496] {strides = array<i32>} : memref<32x16xf32, #tpu.memory_space<vmem>>, vector<16xf32>,
    tpu.vector_store %arg15[%swap3A_495, %swap3A_496], %broadcast_in_dim3A_493 {strides = array<i32>} : memref<32x16xf32, #tpu.memory_space<vmem>>, vector<16xf32>,
    %broadcast_in_dim3A_498 = arith.constant 0.000000e+00 : f32
    %broadcast_in_dim3A_499 = vector.broadcast %broadcast_in_dim3A_498 : f32 to vector<16xf32>
    %swap3A_500 = arith.constant 31 : i32
    %swap3A_501 = arith.index_cast %swap3A_500 : i32 to index
    %swap3A_502 = arith.constant 0 : index
    %swap3A_503 = tpu.vector_load %arg15[%swap3A_501, %swap3A_502] {strides = array<i32>} : memref<32x16xf32, #tpu.memory_space<vmem>>, vector<16xf32>,
    tpu.vector_store %arg15[%swap3A_501, %swap3A_502], %broadcast_in_dim3A_499 {strides = array<i32>} : memref<32x16xf32, #tpu.memory_space<vmem>>, vector<16xf32>,
    %broadcast_in_dim3A_504 = arith.constant 0.000000e+00 : f32
    %broadcast_in_dim3A_505 = vector.broadcast %broadcast_in_dim3A_504 : f32 to vector<16xf32>
    %while3A_506 = arith.constant 0 : i32
    %while3A_507 = arith.subi %select_n3A_243, %while3A_506 : i32
    %while3A_508 = arith.addi %while3A_506, %while3A_507 : i32
    %while3A_509 = arith.constant 1 : i32
    %while3A_510 = arith.divsi %while3A_507, %while3A_509 : i32
    %while3A_511 = arith.muli %while3A_510, %while3A_509 : i32
    %while3A_512 = arith.addi %while3A_506, %while3A_511 : i32
    %while3A_513 = arith.constant 1 : i32
    %while3A_514 = scf.for %while3A_1053 = %while3A_506 to %while3A_512 step %while3A_513 iter_args(%while3A_1054 = %broadcast_in_dim3A_505) -> (vector<16xf32>)  : i32 {
      %mul3A_1055 = arith.constant 512 : i32
      %mul3A_1056 = arith.muli %while3A_1053, %mul3A_1055 : i32
      %add3A_1057 = arith.addi %mul3A_216, %mul3A_1056 : i32
      "tpu.region"() ({
        %run_scoped3A_1063 = tpu.sem_alloc : memref<!tpu.dma_semaphore, #tpu.memory_space<semaphore_mem>>
        %dma_start3A = arith.constant 0 : i32
        %dma_start3A_1064 = tpu.memref_slice %arg2[%dma_start3A, %add3A_1057] : memref<32x131072xf32, #tpu.memory_space<hbm>> -> memref<32x512xf32, #tpu.memory_space<hbm>>
        %dma_start3A_1065 = arith.constant 0 : i32
        %dma_start3A_1066 = tpu.memref_slice %arg2[%dma_start3A_1065, %add3A_1057] : memref<32x131072xf32, #tpu.memory_space<hbm>> -> memref<32x512xf32, #tpu.memory_space<hbm>>
        tpu.enqueue_dma source(%dma_start3A_1066 : memref<32x512xf32, #tpu.memory_space<hbm>>) target(%arg9 : memref<32x512xf32, #tpu.memory_space<vmem>>) target_semaphore(%run_scoped3A_1063 : memref<!tpu.dma_semaphore, #tpu.memory_space<semaphore_mem>>)
        %dma_wait3A = arith.constant 0 : i32
        %dma_wait3A_1067 = tpu.memref_slice %arg2[%dma_wait3A, %add3A_1057] : memref<32x131072xf32, #tpu.memory_space<hbm>> -> memref<32x512xf32, #tpu.memory_space<hbm>>
        %dma_wait3A_1068 = arith.constant 0 : i32
        %dma_wait3A_1069 = tpu.memref_slice %arg2[%dma_wait3A_1068, %add3A_1057] : memref<32x131072xf32, #tpu.memory_space<hbm>> -> memref<32x512xf32, #tpu.memory_space<hbm>>
        tpu.wait_dma2 semaphore(%run_scoped3A_1063 : memref<!tpu.dma_semaphore, #tpu.memory_space<semaphore_mem>>) src(%dma_wait3A_1069 : memref<32x512xf32, #tpu.memory_space<hbm>>) dst(%arg9 : memref<32x512xf32, #tpu.memory_space<vmem>>)
        tpu.yield
      }) : () -> ()
      "tpu.region"() ({
        %run_scoped3A_1063 = tpu.sem_alloc : memref<!tpu.dma_semaphore, #tpu.memory_space<semaphore_mem>>
        %dma_start3A = tpu.memref_slice %arg3[%add3A_1057] : memref<131072xf32, #tpu.memory_space<hbm>> -> memref<512xf32, #tpu.memory_space<hbm>>
        %dma_start3A_1064 = tpu.memref_slice %arg3[%add3A_1057] : memref<131072xf32, #tpu.memory_space<hbm>> -> memref<512xf32, #tpu.memory_space<hbm>>
        tpu.enqueue_dma source(%dma_start3A_1064 : memref<512xf32, #tpu.memory_space<hbm>>) target(%arg10 : memref<512xf32, #tpu.memory_space<vmem>>) target_semaphore(%run_scoped3A_1063 : memref<!tpu.dma_semaphore, #tpu.memory_space<semaphore_mem>>)
        %dma_wait3A = tpu.memref_slice %arg3[%add3A_1057] : memref<131072xf32, #tpu.memory_space<hbm>> -> memref<512xf32, #tpu.memory_space<hbm>>
        %dma_wait3A_1065 = tpu.memref_slice %arg3[%add3A_1057] : memref<131072xf32, #tpu.memory_space<hbm>> -> memref<512xf32, #tpu.memory_space<hbm>>
        tpu.wait_dma2 semaphore(%run_scoped3A_1063 : memref<!tpu.dma_semaphore, #tpu.memory_space<semaphore_mem>>) src(%dma_wait3A_1065 : memref<512xf32, #tpu.memory_space<hbm>>) dst(%arg10 : memref<512xf32, #tpu.memory_space<vmem>>)
        tpu.yield
      }) : () -> ()
      "tpu.region"() ({
        %run_scoped3A_1063 = tpu.sem_alloc : memref<!tpu.dma_semaphore, #tpu.memory_space<semaphore_mem>>
        %dma_start3A = tpu.memref_slice %arg4[%add3A_1057] : memref<131072xf32, #tpu.memory_space<hbm>> -> memref<512xf32, #tpu.memory_space<hbm>>
        %dma_start3A_1064 = tpu.memref_slice %arg4[%add3A_1057] : memref<131072xf32, #tpu.memory_space<hbm>> -> memref<512xf32, #tpu.memory_space<hbm>>
        tpu.enqueue_dma source(%dma_start3A_1064 : memref<512xf32, #tpu.memory_space<hbm>>) target(%arg11 : memref<512xf32, #tpu.memory_space<vmem>>) target_semaphore(%run_scoped3A_1063 : memref<!tpu.dma_semaphore, #tpu.memory_space<semaphore_mem>>)
        %dma_wait3A = tpu.memref_slice %arg4[%add3A_1057] : memref<131072xf32, #tpu.memory_space<hbm>> -> memref<512xf32, #tpu.memory_space<hbm>>
        %dma_wait3A_1065 = tpu.memref_slice %arg4[%add3A_1057] : memref<131072xf32, #tpu.memory_space<hbm>> -> memref<512xf32, #tpu.memory_space<hbm>>
        tpu.wait_dma2 semaphore(%run_scoped3A_1063 : memref<!tpu.dma_semaphore, #tpu.memory_space<semaphore_mem>>) src(%dma_wait3A_1065 : memref<512xf32, #tpu.memory_space<hbm>>) dst(%arg11 : memref<512xf32, #tpu.memory_space<vmem>>)
        tpu.yield
      }) : () -> ()
      %scan3A = arith.constant 0 : i32
      %scan3A_1058 = arith.constant 32 : i32
      %scan3A_1059 = arith.addi %scan3A, %scan3A_1058 : i32
      %scan3A_1060 = arith.constant 1 : i32
      %scan3A_1061 = scf.for %scan3A_1063 = %scan3A to %scan3A_1059 step %scan3A_1060 iter_args(%scan3A_1064 = %while3A_1054) -> (vector<16xf32>)  : i32 {
        %mul3A_1065 = arith.constant 16 : i32
        %mul3A_1066 = arith.muli %scan3A_1063, %mul3A_1065 : i32
        %add3A_1067 = arith.addi %add3A_1057, %mul3A_1066 : i32
        %add3A_1068 = vector.broadcast %add3A_1067 : i32 to vector<16xi32>
        %add3A_1069 = arith.addi %add3A_1068, %iota3A : vector<16xi32>
        %ge3A = vector.broadcast %add3A_186 : i32 to vector<16xi32>
        %ge3A_1070 = arith.cmpi sge, %add3A_1069, %ge3A : vector<16xi32>
        %lt3A_1071 = vector.broadcast %select_n3A_190 : i32 to vector<16xi32>
        %lt3A_1072 = arith.cmpi slt, %add3A_1069, %lt3A_1071 : vector<16xi32>
        %and3A_1073 = arith.andi %ge3A_1070, %lt3A_1072 : vector<16xi1>
        %mul3A_1074 = arith.constant 16 : i32
        %mul3A_1075 = arith.muli %scan3A_1063, %mul3A_1074 : i32
        %get3A_1076 = arith.index_cast %mul3A_1075 : i32 to index
        %get3A_1077 = tpu.vector_load %arg10[%get3A_1076] {strides = array<i32>} : memref<512xf32, #tpu.memory_space<vmem>>, vector<16xf32>,
        %mul3A_1078 = arith.mulf %mul3A_128, %get3A_1077 : vector<16xf32>
        %mul3A_1079 = arith.constant 16 : i32
        %mul3A_1080 = arith.muli %scan3A_1063, %mul3A_1079 : i32
        %get3A_1081 = arith.index_cast %mul3A_1080 : i32 to index
        %get3A_1082 = tpu.vector_load %arg11[%get3A_1081] {strides = array<i32>} : memref<512xf32, #tpu.memory_space<vmem>>, vector<16xf32>,
        %mul3A_1083 = arith.mulf %sub3A_132, %get3A_1082 : vector<16xf32>
        %add3A_1084 = arith.addf %mul3A_1078, %mul3A_1083 : vector<16xf32>
        %sub3A_1085 = arith.subf %add3A_1084, %broadcast_in_dim3A_312 : vector<16xf32>
        %min3A = arith.constant 0.000000e+00 : f32
        %min3A_1086 = vector.broadcast %min3A : f32 to vector<16xf32>
        %min3A_1087 = arith.minimumf %sub3A_1085, %min3A_1086 : vector<16xf32>
        %exp3A = math.exp %min3A_1087 : vector<16xf32>
        %jit3A_1088 = arith.constant 0.000000e+00 : f32
        %broadcast_in_dim3A_1089 = vector.broadcast %jit3A_1088 : f32 to vector<16xf32>
        %select_n3A_1090 = arith.select %and3A_1073, %exp3A, %broadcast_in_dim3A_1089 : vector<16xi1>, vector<16xf32>
        %mul3A_1091 = arith.constant 16 : i32
        %mul3A_1092 = arith.muli %scan3A_1063, %mul3A_1091 : i32
        %get3A_1093 = arith.constant 0 : i32
        %get3A_1094 = arith.index_cast %get3A_1093 : i32 to index
        %get3A_1095 = arith.index_cast %mul3A_1092 : i32 to index
        %get3A_1096 = tpu.vector_load %arg9[%get3A_1094, %get3A_1095] {strides = array<i32>} : memref<32x512xf32, #tpu.memory_space<vmem>>, vector<16xf32>,
        %mul3A_1097 = arith.mulf %select_n3A_1090, %get3A_1096 : vector<16xf32>
        %swap3A_1098 = arith.constant 0 : i32
        %swap3A_1099 = arith.index_cast %swap3A_1098 : i32 to index
        %swap3A_1100 = arith.constant 0 : index
        %swap3A_1101 = tpu.vector_load %arg15[%swap3A_1099, %swap3A_1100] {strides = array<i32>} : memref<32x16xf32, #tpu.memory_space<vmem>>, vector<16xf32>,
        tpu.vector_store %arg15[%swap3A_1099, %swap3A_1100], %mul3A_1097 {add = true, strides = array<i32>} : memref<32x16xf32, #tpu.memory_space<vmem>>, vector<16xf32>,
        %mul3A_1102 = arith.constant 16 : i32
        %mul3A_1103 = arith.muli %scan3A_1063, %mul3A_1102 : i32
        %get3A_1104 = arith.constant 1 : i32
        %get3A_1105 = arith.index_cast %get3A_1104 : i32 to index
        %get3A_1106 = arith.index_cast %mul3A_1103 : i32 to index
        %get3A_1107 = tpu.vector_load %arg9[%get3A_1105, %get3A_1106] {strides = array<i32>} : memref<32x512xf32, #tpu.memory_space<vmem>>, vector<16xf32>,
        %mul3A_1108 = arith.mulf %select_n3A_1090, %get3A_1107 : vector<16xf32>
        %swap3A_1109 = arith.constant 1 : i32
        %swap3A_1110 = arith.index_cast %swap3A_1109 : i32 to index
        %swap3A_1111 = arith.constant 0 : index
        %swap3A_1112 = tpu.vector_load %arg15[%swap3A_1110, %swap3A_1111] {strides = array<i32>} : memref<32x16xf32, #tpu.memory_space<vmem>>, vector<16xf32>,
        tpu.vector_store %arg15[%swap3A_1110, %swap3A_1111], %mul3A_1108 {add = true, strides = array<i32>} : memref<32x16xf32, #tpu.memory_space<vmem>>, vector<16xf32>,
        %mul3A_1113 = arith.constant 16 : i32
        %mul3A_1114 = arith.muli %scan3A_1063, %mul3A_1113 : i32
        %get3A_1115 = arith.constant 2 : i32
        %get3A_1116 = arith.index_cast %get3A_1115 : i32 to index
        %get3A_1117 = arith.index_cast %mul3A_1114 : i32 to index
        %get3A_1118 = tpu.vector_load %arg9[%get3A_1116, %get3A_1117] {strides = array<i32>} : memref<32x512xf32, #tpu.memory_space<vmem>>, vector<16xf32>,
        %mul3A_1119 = arith.mulf %select_n3A_1090, %get3A_1118 : vector<16xf32>
        %swap3A_1120 = arith.constant 2 : i32
        %swap3A_1121 = arith.index_cast %swap3A_1120 : i32 to index
        %swap3A_1122 = arith.constant 0 : index
        %swap3A_1123 = tpu.vector_load %arg15[%swap3A_1121, %swap3A_1122] {strides = array<i32>} : memref<32x16xf32, #tpu.memory_space<vmem>>, vector<16xf32>,
        tpu.vector_store %arg15[%swap3A_1121, %swap3A_1122], %mul3A_1119 {add = true, strides = array<i32>} : memref<32x16xf32, #tpu.memory_space<vmem>>, vector<16xf32>,
        %mul3A_1124 = arith.constant 16 : i32
        %mul3A_1125 = arith.muli %scan3A_1063, %mul3A_1124 : i32
        %get3A_1126 = arith.constant 3 : i32
        %get3A_1127 = arith.index_cast %get3A_1126 : i32 to index
        %get3A_1128 = arith.index_cast %mul3A_1125 : i32 to index
        %get3A_1129 = tpu.vector_load %arg9[%get3A_1127, %get3A_1128] {strides = array<i32>} : memref<32x512xf32, #tpu.memory_space<vmem>>, vector<16xf32>,
        %mul3A_1130 = arith.mulf %select_n3A_1090, %get3A_1129 : vector<16xf32>
        %swap3A_1131 = arith.constant 3 : i32
        %swap3A_1132 = arith.index_cast %swap3A_1131 : i32 to index
        %swap3A_1133 = arith.constant 0 : index
        %swap3A_1134 = tpu.vector_load %arg15[%swap3A_1132, %swap3A_1133] {strides = array<i32>} : memref<32x16xf32, #tpu.memory_space<vmem>>, vector<16xf32>,
        tpu.vector_store %arg15[%swap3A_1132, %swap3A_1133], %mul3A_1130 {add = true, strides = array<i32>} : memref<32x16xf32, #tpu.memory_space<vmem>>, vector<16xf32>,
        %mul3A_1135 = arith.constant 16 : i32
        %mul3A_1136 = arith.muli %scan3A_1063, %mul3A_1135 : i32
        %get3A_1137 = arith.constant 4 : i32
        %get3A_1138 = arith.index_cast %get3A_1137 : i32 to index
        %get3A_1139 = arith.index_cast %mul3A_1136 : i32 to index
        %get3A_1140 = tpu.vector_load %arg9[%get3A_1138, %get3A_1139] {strides = array<i32>} : memref<32x512xf32, #tpu.memory_space<vmem>>, vector<16xf32>,
        %mul3A_1141 = arith.mulf %select_n3A_1090, %get3A_1140 : vector<16xf32>
        %swap3A_1142 = arith.constant 4 : i32
        %swap3A_1143 = arith.index_cast %swap3A_1142 : i32 to index
        %swap3A_1144 = arith.constant 0 : index
        %swap3A_1145 = tpu.vector_load %arg15[%swap3A_1143, %swap3A_1144] {strides = array<i32>} : memref<32x16xf32, #tpu.memory_space<vmem>>, vector<16xf32>,
        tpu.vector_store %arg15[%swap3A_1143, %swap3A_1144], %mul3A_1141 {add = true, strides = array<i32>} : memref<32x16xf32, #tpu.memory_space<vmem>>, vector<16xf32>,
        %mul3A_1146 = arith.constant 16 : i32
        %mul3A_1147 = arith.muli %scan3A_1063, %mul3A_1146 : i32
        %get3A_1148 = arith.constant 5 : i32
        %get3A_1149 = arith.index_cast %get3A_1148 : i32 to index
        %get3A_1150 = arith.index_cast %mul3A_1147 : i32 to index
        %get3A_1151 = tpu.vector_load %arg9[%get3A_1149, %get3A_1150] {strides = array<i32>} : memref<32x512xf32, #tpu.memory_space<vmem>>, vector<16xf32>,
        %mul3A_1152 = arith.mulf %select_n3A_1090, %get3A_1151 : vector<16xf32>
        %swap3A_1153 = arith.constant 5 : i32
        %swap3A_1154 = arith.index_cast %swap3A_1153 : i32 to index
        %swap3A_1155 = arith.constant 0 : index
        %swap3A_1156 = tpu.vector_load %arg15[%swap3A_1154, %swap3A_1155] {strides = array<i32>} : memref<32x16xf32, #tpu.memory_space<vmem>>, vector<16xf32>,
        tpu.vector_store %arg15[%swap3A_1154, %swap3A_1155], %mul3A_1152 {add = true, strides = array<i32>} : memref<32x16xf32, #tpu.memory_space<vmem>>, vector<16xf32>,
        %mul3A_1157 = arith.constant 16 : i32
        %mul3A_1158 = arith.muli %scan3A_1063, %mul3A_1157 : i32
        %get3A_1159 = arith.constant 6 : i32
        %get3A_1160 = arith.index_cast %get3A_1159 : i32 to index
        %get3A_1161 = arith.index_cast %mul3A_1158 : i32 to index
        %get3A_1162 = tpu.vector_load %arg9[%get3A_1160, %get3A_1161] {strides = array<i32>} : memref<32x512xf32, #tpu.memory_space<vmem>>, vector<16xf32>,
        %mul3A_1163 = arith.mulf %select_n3A_1090, %get3A_1162 : vector<16xf32>
        %swap3A_1164 = arith.constant 6 : i32
        %swap3A_1165 = arith.index_cast %swap3A_1164 : i32 to index
        %swap3A_1166 = arith.constant 0 : index
        %swap3A_1167 = tpu.vector_load %arg15[%swap3A_1165, %swap3A_1166] {strides = array<i32>} : memref<32x16xf32, #tpu.memory_space<vmem>>, vector<16xf32>,
        tpu.vector_store %arg15[%swap3A_1165, %swap3A_1166], %mul3A_1163 {add = true, strides = array<i32>} : memref<32x16xf32, #tpu.memory_space<vmem>>, vector<16xf32>,
        %mul3A_1168 = arith.constant 16 : i32
        %mul3A_1169 = arith.muli %scan3A_1063, %mul3A_1168 : i32
        %get3A_1170 = arith.constant 7 : i32
        %get3A_1171 = arith.index_cast %get3A_1170 : i32 to index
        %get3A_1172 = arith.index_cast %mul3A_1169 : i32 to index
        %get3A_1173 = tpu.vector_load %arg9[%get3A_1171, %get3A_1172] {strides = array<i32>} : memref<32x512xf32, #tpu.memory_space<vmem>>, vector<16xf32>,
        %mul3A_1174 = arith.mulf %select_n3A_1090, %get3A_1173 : vector<16xf32>
        %swap3A_1175 = arith.constant 7 : i32
        %swap3A_1176 = arith.index_cast %swap3A_1175 : i32 to index
        %swap3A_1177 = arith.constant 0 : index
        %swap3A_1178 = tpu.vector_load %arg15[%swap3A_1176, %swap3A_1177] {strides = array<i32>} : memref<32x16xf32, #tpu.memory_space<vmem>>, vector<16xf32>,
        tpu.vector_store %arg15[%swap3A_1176, %swap3A_1177], %mul3A_1174 {add = true, strides = array<i32>} : memref<32x16xf32, #tpu.memory_space<vmem>>, vector<16xf32>,
        %mul3A_1179 = arith.constant 16 : i32
        %mul3A_1180 = arith.muli %scan3A_1063, %mul3A_1179 : i32
        %get3A_1181 = arith.constant 8 : i32
        %get3A_1182 = arith.index_cast %get3A_1181 : i32 to index
        %get3A_1183 = arith.index_cast %mul3A_1180 : i32 to index
        %get3A_1184 = tpu.vector_load %arg9[%get3A_1182, %get3A_1183] {strides = array<i32>} : memref<32x512xf32, #tpu.memory_space<vmem>>, vector<16xf32>,
        %mul3A_1185 = arith.mulf %select_n3A_1090, %get3A_1184 : vector<16xf32>
        %swap3A_1186 = arith.constant 8 : i32
        %swap3A_1187 = arith.index_cast %swap3A_1186 : i32 to index
        %swap3A_1188 = arith.constant 0 : index
        %swap3A_1189 = tpu.vector_load %arg15[%swap3A_1187, %swap3A_1188] {strides = array<i32>} : memref<32x16xf32, #tpu.memory_space<vmem>>, vector<16xf32>,
        tpu.vector_store %arg15[%swap3A_1187, %swap3A_1188], %mul3A_1185 {add = true, strides = array<i32>} : memref<32x16xf32, #tpu.memory_space<vmem>>, vector<16xf32>,
        %mul3A_1190 = arith.constant 16 : i32
        %mul3A_1191 = arith.muli %scan3A_1063, %mul3A_1190 : i32
        %get3A_1192 = arith.constant 9 : i32
        %get3A_1193 = arith.index_cast %get3A_1192 : i32 to index
        %get3A_1194 = arith.index_cast %mul3A_1191 : i32 to index
        %get3A_1195 = tpu.vector_load %arg9[%get3A_1193, %get3A_1194] {strides = array<i32>} : memref<32x512xf32, #tpu.memory_space<vmem>>, vector<16xf32>,
        %mul3A_1196 = arith.mulf %select_n3A_1090, %get3A_1195 : vector<16xf32>
        %swap3A_1197 = arith.constant 9 : i32
        %swap3A_1198 = arith.index_cast %swap3A_1197 : i32 to index
        %swap3A_1199 = arith.constant 0 : index
        %swap3A_1200 = tpu.vector_load %arg15[%swap3A_1198, %swap3A_1199] {strides = array<i32>} : memref<32x16xf32, #tpu.memory_space<vmem>>, vector<16xf32>,
        tpu.vector_store %arg15[%swap3A_1198, %swap3A_1199], %mul3A_1196 {add = true, strides = array<i32>} : memref<32x16xf32, #tpu.memory_space<vmem>>, vector<16xf32>,
        %mul3A_1201 = arith.constant 16 : i32
        %mul3A_1202 = arith.muli %scan3A_1063, %mul3A_1201 : i32
        %get3A_1203 = arith.constant 10 : i32
        %get3A_1204 = arith.index_cast %get3A_1203 : i32 to index
        %get3A_1205 = arith.index_cast %mul3A_1202 : i32 to index
        %get3A_1206 = tpu.vector_load %arg9[%get3A_1204, %get3A_1205] {strides = array<i32>} : memref<32x512xf32, #tpu.memory_space<vmem>>, vector<16xf32>,
        %mul3A_1207 = arith.mulf %select_n3A_1090, %get3A_1206 : vector<16xf32>
        %swap3A_1208 = arith.constant 10 : i32
        %swap3A_1209 = arith.index_cast %swap3A_1208 : i32 to index
        %swap3A_1210 = arith.constant 0 : index
        %swap3A_1211 = tpu.vector_load %arg15[%swap3A_1209, %swap3A_1210] {strides = array<i32>} : memref<32x16xf32, #tpu.memory_space<vmem>>, vector<16xf32>,
        tpu.vector_store %arg15[%swap3A_1209, %swap3A_1210], %mul3A_1207 {add = true, strides = array<i32>} : memref<32x16xf32, #tpu.memory_space<vmem>>, vector<16xf32>,
        %mul3A_1212 = arith.constant 16 : i32
        %mul3A_1213 = arith.muli %scan3A_1063, %mul3A_1212 : i32
        %get3A_1214 = arith.constant 11 : i32
        %get3A_1215 = arith.index_cast %get3A_1214 : i32 to index
        %get3A_1216 = arith.index_cast %mul3A_1213 : i32 to index
        %get3A_1217 = tpu.vector_load %arg9[%get3A_1215, %get3A_1216] {strides = array<i32>} : memref<32x512xf32, #tpu.memory_space<vmem>>, vector<16xf32>,
        %mul3A_1218 = arith.mulf %select_n3A_1090, %get3A_1217 : vector<16xf32>
        %swap3A_1219 = arith.constant 11 : i32
        %swap3A_1220 = arith.index_cast %swap3A_1219 : i32 to index
        %swap3A_1221 = arith.constant 0 : index
        %swap3A_1222 = tpu.vector_load %arg15[%swap3A_1220, %swap3A_1221] {strides = array<i32>} : memref<32x16xf32, #tpu.memory_space<vmem>>, vector<16xf32>,
        tpu.vector_store %arg15[%swap3A_1220, %swap3A_1221], %mul3A_1218 {add = true, strides = array<i32>} : memref<32x16xf32, #tpu.memory_space<vmem>>, vector<16xf32>,
        %mul3A_1223 = arith.constant 16 : i32
        %mul3A_1224 = arith.muli %scan3A_1063, %mul3A_1223 : i32
        %get3A_1225 = arith.constant 12 : i32
        %get3A_1226 = arith.index_cast %get3A_1225 : i32 to index
        %get3A_1227 = arith.index_cast %mul3A_1224 : i32 to index
        %get3A_1228 = tpu.vector_load %arg9[%get3A_1226, %get3A_1227] {strides = array<i32>} : memref<32x512xf32, #tpu.memory_space<vmem>>, vector<16xf32>,
        %mul3A_1229 = arith.mulf %select_n3A_1090, %get3A_1228 : vector<16xf32>
        %swap3A_1230 = arith.constant 12 : i32
        %swap3A_1231 = arith.index_cast %swap3A_1230 : i32 to index
        %swap3A_1232 = arith.constant 0 : index
        %swap3A_1233 = tpu.vector_load %arg15[%swap3A_1231, %swap3A_1232] {strides = array<i32>} : memref<32x16xf32, #tpu.memory_space<vmem>>, vector<16xf32>,
        tpu.vector_store %arg15[%swap3A_1231, %swap3A_1232], %mul3A_1229 {add = true, strides = array<i32>} : memref<32x16xf32, #tpu.memory_space<vmem>>, vector<16xf32>,
        %mul3A_1234 = arith.constant 16 : i32
        %mul3A_1235 = arith.muli %scan3A_1063, %mul3A_1234 : i32
        %get3A_1236 = arith.constant 13 : i32
        %get3A_1237 = arith.index_cast %get3A_1236 : i32 to index
        %get3A_1238 = arith.index_cast %mul3A_1235 : i32 to index
        %get3A_1239 = tpu.vector_load %arg9[%get3A_1237, %get3A_1238] {strides = array<i32>} : memref<32x512xf32, #tpu.memory_space<vmem>>, vector<16xf32>,
        %mul3A_1240 = arith.mulf %select_n3A_1090, %get3A_1239 : vector<16xf32>
        %swap3A_1241 = arith.constant 13 : i32
        %swap3A_1242 = arith.index_cast %swap3A_1241 : i32 to index
        %swap3A_1243 = arith.constant 0 : index
        %swap3A_1244 = tpu.vector_load %arg15[%swap3A_1242, %swap3A_1243] {strides = array<i32>} : memref<32x16xf32, #tpu.memory_space<vmem>>, vector<16xf32>,
        tpu.vector_store %arg15[%swap3A_1242, %swap3A_1243], %mul3A_1240 {add = true, strides = array<i32>} : memref<32x16xf32, #tpu.memory_space<vmem>>, vector<16xf32>,
        %mul3A_1245 = arith.constant 16 : i32
        %mul3A_1246 = arith.muli %scan3A_1063, %mul3A_1245 : i32
        %get3A_1247 = arith.constant 14 : i32
        %get3A_1248 = arith.index_cast %get3A_1247 : i32 to index
        %get3A_1249 = arith.index_cast %mul3A_1246 : i32 to index
        %get3A_1250 = tpu.vector_load %arg9[%get3A_1248, %get3A_1249] {strides = array<i32>} : memref<32x512xf32, #tpu.memory_space<vmem>>, vector<16xf32>,
        %mul3A_1251 = arith.mulf %select_n3A_1090, %get3A_1250 : vector<16xf32>
        %swap3A_1252 = arith.constant 14 : i32
        %swap3A_1253 = arith.index_cast %swap3A_1252 : i32 to index
        %swap3A_1254 = arith.constant 0 : index
        %swap3A_1255 = tpu.vector_load %arg15[%swap3A_1253, %swap3A_1254] {strides = array<i32>} : memref<32x16xf32, #tpu.memory_space<vmem>>, vector<16xf32>,
        tpu.vector_store %arg15[%swap3A_1253, %swap3A_1254], %mul3A_1251 {add = true, strides = array<i32>} : memref<32x16xf32, #tpu.memory_space<vmem>>, vector<16xf32>,
        %mul3A_1256 = arith.constant 16 : i32
        %mul3A_1257 = arith.muli %scan3A_1063, %mul3A_1256 : i32
        %get3A_1258 = arith.constant 15 : i32
        %get3A_1259 = arith.index_cast %get3A_1258 : i32 to index
        %get3A_1260 = arith.index_cast %mul3A_1257 : i32 to index
        %get3A_1261 = tpu.vector_load %arg9[%get3A_1259, %get3A_1260] {strides = array<i32>} : memref<32x512xf32, #tpu.memory_space<vmem>>, vector<16xf32>,
        %mul3A_1262 = arith.mulf %select_n3A_1090, %get3A_1261 : vector<16xf32>
        %swap3A_1263 = arith.constant 15 : i32
        %swap3A_1264 = arith.index_cast %swap3A_1263 : i32 to index
        %swap3A_1265 = arith.constant 0 : index
        %swap3A_1266 = tpu.vector_load %arg15[%swap3A_1264, %swap3A_1265] {strides = array<i32>} : memref<32x16xf32, #tpu.memory_space<vmem>>, vector<16xf32>,
        tpu.vector_store %arg15[%swap3A_1264, %swap3A_1265], %mul3A_1262 {add = true, strides = array<i32>} : memref<32x16xf32, #tpu.memory_space<vmem>>, vector<16xf32>,
        %mul3A_1267 = arith.constant 16 : i32
        %mul3A_1268 = arith.muli %scan3A_1063, %mul3A_1267 : i32
        %get3A_1269 = arith.constant 16 : i32
        %get3A_1270 = arith.index_cast %get3A_1269 : i32 to index
        %get3A_1271 = arith.index_cast %mul3A_1268 : i32 to index
        %get3A_1272 = tpu.vector_load %arg9[%get3A_1270, %get3A_1271] {strides = array<i32>} : memref<32x512xf32, #tpu.memory_space<vmem>>, vector<16xf32>,
        %mul3A_1273 = arith.mulf %select_n3A_1090, %get3A_1272 : vector<16xf32>
        %swap3A_1274 = arith.constant 16 : i32
        %swap3A_1275 = arith.index_cast %swap3A_1274 : i32 to index
        %swap3A_1276 = arith.constant 0 : index
        %swap3A_1277 = tpu.vector_load %arg15[%swap3A_1275, %swap3A_1276] {strides = array<i32>} : memref<32x16xf32, #tpu.memory_space<vmem>>, vector<16xf32>,
        tpu.vector_store %arg15[%swap3A_1275, %swap3A_1276], %mul3A_1273 {add = true, strides = array<i32>} : memref<32x16xf32, #tpu.memory_space<vmem>>, vector<16xf32>,
        %mul3A_1278 = arith.constant 16 : i32
        %mul3A_1279 = arith.muli %scan3A_1063, %mul3A_1278 : i32
        %get3A_1280 = arith.constant 17 : i32
        %get3A_1281 = arith.index_cast %get3A_1280 : i32 to index
        %get3A_1282 = arith.index_cast %mul3A_1279 : i32 to index
        %get3A_1283 = tpu.vector_load %arg9[%get3A_1281, %get3A_1282] {strides = array<i32>} : memref<32x512xf32, #tpu.memory_space<vmem>>, vector<16xf32>,
        %mul3A_1284 = arith.mulf %select_n3A_1090, %get3A_1283 : vector<16xf32>
        %swap3A_1285 = arith.constant 17 : i32
        %swap3A_1286 = arith.index_cast %swap3A_1285 : i32 to index
        %swap3A_1287 = arith.constant 0 : index
        %swap3A_1288 = tpu.vector_load %arg15[%swap3A_1286, %swap3A_1287] {strides = array<i32>} : memref<32x16xf32, #tpu.memory_space<vmem>>, vector<16xf32>,
        tpu.vector_store %arg15[%swap3A_1286, %swap3A_1287], %mul3A_1284 {add = true, strides = array<i32>} : memref<32x16xf32, #tpu.memory_space<vmem>>, vector<16xf32>,
        %mul3A_1289 = arith.constant 16 : i32
        %mul3A_1290 = arith.muli %scan3A_1063, %mul3A_1289 : i32
        %get3A_1291 = arith.constant 18 : i32
        %get3A_1292 = arith.index_cast %get3A_1291 : i32 to index
        %get3A_1293 = arith.index_cast %mul3A_1290 : i32 to index
        %get3A_1294 = tpu.vector_load %arg9[%get3A_1292, %get3A_1293] {strides = array<i32>} : memref<32x512xf32, #tpu.memory_space<vmem>>, vector<16xf32>,
        %mul3A_1295 = arith.mulf %select_n3A_1090, %get3A_1294 : vector<16xf32>
        %swap3A_1296 = arith.constant 18 : i32
        %swap3A_1297 = arith.index_cast %swap3A_1296 : i32 to index
        %swap3A_1298 = arith.constant 0 : index
        %swap3A_1299 = tpu.vector_load %arg15[%swap3A_1297, %swap3A_1298] {strides = array<i32>} : memref<32x16xf32, #tpu.memory_space<vmem>>, vector<16xf32>,
        tpu.vector_store %arg15[%swap3A_1297, %swap3A_1298], %mul3A_1295 {add = true, strides = array<i32>} : memref<32x16xf32, #tpu.memory_space<vmem>>, vector<16xf32>,
        %mul3A_1300 = arith.constant 16 : i32
        %mul3A_1301 = arith.muli %scan3A_1063, %mul3A_1300 : i32
        %get3A_1302 = arith.constant 19 : i32
        %get3A_1303 = arith.index_cast %get3A_1302 : i32 to index
        %get3A_1304 = arith.index_cast %mul3A_1301 : i32 to index
        %get3A_1305 = tpu.vector_load %arg9[%get3A_1303, %get3A_1304] {strides = array<i32>} : memref<32x512xf32, #tpu.memory_space<vmem>>, vector<16xf32>,
        %mul3A_1306 = arith.mulf %select_n3A_1090, %get3A_1305 : vector<16xf32>
        %swap3A_1307 = arith.constant 19 : i32
        %swap3A_1308 = arith.index_cast %swap3A_1307 : i32 to index
        %swap3A_1309 = arith.constant 0 : index
        %swap3A_1310 = tpu.vector_load %arg15[%swap3A_1308, %swap3A_1309] {strides = array<i32>} : memref<32x16xf32, #tpu.memory_space<vmem>>, vector<16xf32>,
        tpu.vector_store %arg15[%swap3A_1308, %swap3A_1309], %mul3A_1306 {add = true, strides = array<i32>} : memref<32x16xf32, #tpu.memory_space<vmem>>, vector<16xf32>,
        %mul3A_1311 = arith.constant 16 : i32
        %mul3A_1312 = arith.muli %scan3A_1063, %mul3A_1311 : i32
        %get3A_1313 = arith.constant 20 : i32
        %get3A_1314 = arith.index_cast %get3A_1313 : i32 to index
        %get3A_1315 = arith.index_cast %mul3A_1312 : i32 to index
        %get3A_1316 = tpu.vector_load %arg9[%get3A_1314, %get3A_1315] {strides = array<i32>} : memref<32x512xf32, #tpu.memory_space<vmem>>, vector<16xf32>,
        %mul3A_1317 = arith.mulf %select_n3A_1090, %get3A_1316 : vector<16xf32>
        %swap3A_1318 = arith.constant 20 : i32
        %swap3A_1319 = arith.index_cast %swap3A_1318 : i32 to index
        %swap3A_1320 = arith.constant 0 : index
        %swap3A_1321 = tpu.vector_load %arg15[%swap3A_1319, %swap3A_1320] {strides = array<i32>} : memref<32x16xf32, #tpu.memory_space<vmem>>, vector<16xf32>,
        tpu.vector_store %arg15[%swap3A_1319, %swap3A_1320], %mul3A_1317 {add = true, strides = array<i32>} : memref<32x16xf32, #tpu.memory_space<vmem>>, vector<16xf32>,
        %mul3A_1322 = arith.constant 16 : i32
        %mul3A_1323 = arith.muli %scan3A_1063, %mul3A_1322 : i32
        %get3A_1324 = arith.constant 21 : i32
        %get3A_1325 = arith.index_cast %get3A_1324 : i32 to index
        %get3A_1326 = arith.index_cast %mul3A_1323 : i32 to index
        %get3A_1327 = tpu.vector_load %arg9[%get3A_1325, %get3A_1326] {strides = array<i32>} : memref<32x512xf32, #tpu.memory_space<vmem>>, vector<16xf32>,
        %mul3A_1328 = arith.mulf %select_n3A_1090, %get3A_1327 : vector<16xf32>
        %swap3A_1329 = arith.constant 21 : i32
        %swap3A_1330 = arith.index_cast %swap3A_1329 : i32 to index
        %swap3A_1331 = arith.constant 0 : index
        %swap3A_1332 = tpu.vector_load %arg15[%swap3A_1330, %swap3A_1331] {strides = array<i32>} : memref<32x16xf32, #tpu.memory_space<vmem>>, vector<16xf32>,
        tpu.vector_store %arg15[%swap3A_1330, %swap3A_1331], %mul3A_1328 {add = true, strides = array<i32>} : memref<32x16xf32, #tpu.memory_space<vmem>>, vector<16xf32>,
        %mul3A_1333 = arith.constant 16 : i32
        %mul3A_1334 = arith.muli %scan3A_1063, %mul3A_1333 : i32
        %get3A_1335 = arith.constant 22 : i32
        %get3A_1336 = arith.index_cast %get3A_1335 : i32 to index
        %get3A_1337 = arith.index_cast %mul3A_1334 : i32 to index
        %get3A_1338 = tpu.vector_load %arg9[%get3A_1336, %get3A_1337] {strides = array<i32>} : memref<32x512xf32, #tpu.memory_space<vmem>>, vector<16xf32>,
        %mul3A_1339 = arith.mulf %select_n3A_1090, %get3A_1338 : vector<16xf32>
        %swap3A_1340 = arith.constant 22 : i32
        %swap3A_1341 = arith.index_cast %swap3A_1340 : i32 to index
        %swap3A_1342 = arith.constant 0 : index
        %swap3A_1343 = tpu.vector_load %arg15[%swap3A_1341, %swap3A_1342] {strides = array<i32>} : memref<32x16xf32, #tpu.memory_space<vmem>>, vector<16xf32>,
        tpu.vector_store %arg15[%swap3A_1341, %swap3A_1342], %mul3A_1339 {add = true, strides = array<i32>} : memref<32x16xf32, #tpu.memory_space<vmem>>, vector<16xf32>,
        %mul3A_1344 = arith.constant 16 : i32
        %mul3A_1345 = arith.muli %scan3A_1063, %mul3A_1344 : i32
        %get3A_1346 = arith.constant 23 : i32
        %get3A_1347 = arith.index_cast %get3A_1346 : i32 to index
        %get3A_1348 = arith.index_cast %mul3A_1345 : i32 to index
        %get3A_1349 = tpu.vector_load %arg9[%get3A_1347, %get3A_1348] {strides = array<i32>} : memref<32x512xf32, #tpu.memory_space<vmem>>, vector<16xf32>,
        %mul3A_1350 = arith.mulf %select_n3A_1090, %get3A_1349 : vector<16xf32>
        %swap3A_1351 = arith.constant 23 : i32
        %swap3A_1352 = arith.index_cast %swap3A_1351 : i32 to index
        %swap3A_1353 = arith.constant 0 : index
        %swap3A_1354 = tpu.vector_load %arg15[%swap3A_1352, %swap3A_1353] {strides = array<i32>} : memref<32x16xf32, #tpu.memory_space<vmem>>, vector<16xf32>,
        tpu.vector_store %arg15[%swap3A_1352, %swap3A_1353], %mul3A_1350 {add = true, strides = array<i32>} : memref<32x16xf32, #tpu.memory_space<vmem>>, vector<16xf32>,
        %mul3A_1355 = arith.constant 16 : i32
        %mul3A_1356 = arith.muli %scan3A_1063, %mul3A_1355 : i32
        %get3A_1357 = arith.constant 24 : i32
        %get3A_1358 = arith.index_cast %get3A_1357 : i32 to index
        %get3A_1359 = arith.index_cast %mul3A_1356 : i32 to index
        %get3A_1360 = tpu.vector_load %arg9[%get3A_1358, %get3A_1359] {strides = array<i32>} : memref<32x512xf32, #tpu.memory_space<vmem>>, vector<16xf32>,
        %mul3A_1361 = arith.mulf %select_n3A_1090, %get3A_1360 : vector<16xf32>
        %swap3A_1362 = arith.constant 24 : i32
        %swap3A_1363 = arith.index_cast %swap3A_1362 : i32 to index
        %swap3A_1364 = arith.constant 0 : index
        %swap3A_1365 = tpu.vector_load %arg15[%swap3A_1363, %swap3A_1364] {strides = array<i32>} : memref<32x16xf32, #tpu.memory_space<vmem>>, vector<16xf32>,
        tpu.vector_store %arg15[%swap3A_1363, %swap3A_1364], %mul3A_1361 {add = true, strides = array<i32>} : memref<32x16xf32, #tpu.memory_space<vmem>>, vector<16xf32>,
        %mul3A_1366 = arith.constant 16 : i32
        %mul3A_1367 = arith.muli %scan3A_1063, %mul3A_1366 : i32
        %get3A_1368 = arith.constant 25 : i32
        %get3A_1369 = arith.index_cast %get3A_1368 : i32 to index
        %get3A_1370 = arith.index_cast %mul3A_1367 : i32 to index
        %get3A_1371 = tpu.vector_load %arg9[%get3A_1369, %get3A_1370] {strides = array<i32>} : memref<32x512xf32, #tpu.memory_space<vmem>>, vector<16xf32>,
        %mul3A_1372 = arith.mulf %select_n3A_1090, %get3A_1371 : vector<16xf32>
        %swap3A_1373 = arith.constant 25 : i32
        %swap3A_1374 = arith.index_cast %swap3A_1373 : i32 to index
        %swap3A_1375 = arith.constant 0 : index
        %swap3A_1376 = tpu.vector_load %arg15[%swap3A_1374, %swap3A_1375] {strides = array<i32>} : memref<32x16xf32, #tpu.memory_space<vmem>>, vector<16xf32>,
        tpu.vector_store %arg15[%swap3A_1374, %swap3A_1375], %mul3A_1372 {add = true, strides = array<i32>} : memref<32x16xf32, #tpu.memory_space<vmem>>, vector<16xf32>,
        %mul3A_1377 = arith.constant 16 : i32
        %mul3A_1378 = arith.muli %scan3A_1063, %mul3A_1377 : i32
        %get3A_1379 = arith.constant 26 : i32
        %get3A_1380 = arith.index_cast %get3A_1379 : i32 to index
        %get3A_1381 = arith.index_cast %mul3A_1378 : i32 to index
        %get3A_1382 = tpu.vector_load %arg9[%get3A_1380, %get3A_1381] {strides = array<i32>} : memref<32x512xf32, #tpu.memory_space<vmem>>, vector<16xf32>,
        %mul3A_1383 = arith.mulf %select_n3A_1090, %get3A_1382 : vector<16xf32>
        %swap3A_1384 = arith.constant 26 : i32
        %swap3A_1385 = arith.index_cast %swap3A_1384 : i32 to index
        %swap3A_1386 = arith.constant 0 : index
        %swap3A_1387 = tpu.vector_load %arg15[%swap3A_1385, %swap3A_1386] {strides = array<i32>} : memref<32x16xf32, #tpu.memory_space<vmem>>, vector<16xf32>,
        tpu.vector_store %arg15[%swap3A_1385, %swap3A_1386], %mul3A_1383 {add = true, strides = array<i32>} : memref<32x16xf32, #tpu.memory_space<vmem>>, vector<16xf32>,
        %mul3A_1388 = arith.constant 16 : i32
        %mul3A_1389 = arith.muli %scan3A_1063, %mul3A_1388 : i32
        %get3A_1390 = arith.constant 27 : i32
        %get3A_1391 = arith.index_cast %get3A_1390 : i32 to index
        %get3A_1392 = arith.index_cast %mul3A_1389 : i32 to index
        %get3A_1393 = tpu.vector_load %arg9[%get3A_1391, %get3A_1392] {strides = array<i32>} : memref<32x512xf32, #tpu.memory_space<vmem>>, vector<16xf32>,
        %mul3A_1394 = arith.mulf %select_n3A_1090, %get3A_1393 : vector<16xf32>
        %swap3A_1395 = arith.constant 27 : i32
        %swap3A_1396 = arith.index_cast %swap3A_1395 : i32 to index
        %swap3A_1397 = arith.constant 0 : index
        %swap3A_1398 = tpu.vector_load %arg15[%swap3A_1396, %swap3A_1397] {strides = array<i32>} : memref<32x16xf32, #tpu.memory_space<vmem>>, vector<16xf32>,
        tpu.vector_store %arg15[%swap3A_1396, %swap3A_1397], %mul3A_1394 {add = true, strides = array<i32>} : memref<32x16xf32, #tpu.memory_space<vmem>>, vector<16xf32>,
        %mul3A_1399 = arith.constant 16 : i32
        %mul3A_1400 = arith.muli %scan3A_1063, %mul3A_1399 : i32
        %get3A_1401 = arith.constant 28 : i32
        %get3A_1402 = arith.index_cast %get3A_1401 : i32 to index
        %get3A_1403 = arith.index_cast %mul3A_1400 : i32 to index
        %get3A_1404 = tpu.vector_load %arg9[%get3A_1402, %get3A_1403] {strides = array<i32>} : memref<32x512xf32, #tpu.memory_space<vmem>>, vector<16xf32>,
        %mul3A_1405 = arith.mulf %select_n3A_1090, %get3A_1404 : vector<16xf32>
        %swap3A_1406 = arith.constant 28 : i32
        %swap3A_1407 = arith.index_cast %swap3A_1406 : i32 to index
        %swap3A_1408 = arith.constant 0 : index
        %swap3A_1409 = tpu.vector_load %arg15[%swap3A_1407, %swap3A_1408] {strides = array<i32>} : memref<32x16xf32, #tpu.memory_space<vmem>>, vector<16xf32>,
        tpu.vector_store %arg15[%swap3A_1407, %swap3A_1408], %mul3A_1405 {add = true, strides = array<i32>} : memref<32x16xf32, #tpu.memory_space<vmem>>, vector<16xf32>,
        %mul3A_1410 = arith.constant 16 : i32
        %mul3A_1411 = arith.muli %scan3A_1063, %mul3A_1410 : i32
        %get3A_1412 = arith.constant 29 : i32
        %get3A_1413 = arith.index_cast %get3A_1412 : i32 to index
        %get3A_1414 = arith.index_cast %mul3A_1411 : i32 to index
        %get3A_1415 = tpu.vector_load %arg9[%get3A_1413, %get3A_1414] {strides = array<i32>} : memref<32x512xf32, #tpu.memory_space<vmem>>, vector<16xf32>,
        %mul3A_1416 = arith.mulf %select_n3A_1090, %get3A_1415 : vector<16xf32>
        %swap3A_1417 = arith.constant 29 : i32
        %swap3A_1418 = arith.index_cast %swap3A_1417 : i32 to index
        %swap3A_1419 = arith.constant 0 : index
        %swap3A_1420 = tpu.vector_load %arg15[%swap3A_1418, %swap3A_1419] {strides = array<i32>} : memref<32x16xf32, #tpu.memory_space<vmem>>, vector<16xf32>,
        tpu.vector_store %arg15[%swap3A_1418, %swap3A_1419], %mul3A_1416 {add = true, strides = array<i32>} : memref<32x16xf32, #tpu.memory_space<vmem>>, vector<16xf32>,
        %mul3A_1421 = arith.constant 16 : i32
        %mul3A_1422 = arith.muli %scan3A_1063, %mul3A_1421 : i32
        %get3A_1423 = arith.constant 30 : i32
        %get3A_1424 = arith.index_cast %get3A_1423 : i32 to index
        %get3A_1425 = arith.index_cast %mul3A_1422 : i32 to index
        %get3A_1426 = tpu.vector_load %arg9[%get3A_1424, %get3A_1425] {strides = array<i32>} : memref<32x512xf32, #tpu.memory_space<vmem>>, vector<16xf32>,
        %mul3A_1427 = arith.mulf %select_n3A_1090, %get3A_1426 : vector<16xf32>
        %swap3A_1428 = arith.constant 30 : i32
        %swap3A_1429 = arith.index_cast %swap3A_1428 : i32 to index
        %swap3A_1430 = arith.constant 0 : index
        %swap3A_1431 = tpu.vector_load %arg15[%swap3A_1429, %swap3A_1430] {strides = array<i32>} : memref<32x16xf32, #tpu.memory_space<vmem>>, vector<16xf32>,
        tpu.vector_store %arg15[%swap3A_1429, %swap3A_1430], %mul3A_1427 {add = true, strides = array<i32>} : memref<32x16xf32, #tpu.memory_space<vmem>>, vector<16xf32>,
        %mul3A_1432 = arith.constant 16 : i32
        %mul3A_1433 = arith.muli %scan3A_1063, %mul3A_1432 : i32
        %get3A_1434 = arith.constant 31 : i32
        %get3A_1435 = arith.index_cast %get3A_1434 : i32 to index
        %get3A_1436 = arith.index_cast %mul3A_1433 : i32 to index
        %get3A_1437 = tpu.vector_load %arg9[%get3A_1435, %get3A_1436] {strides = array<i32>} : memref<32x512xf32, #tpu.memory_space<vmem>>, vector<16xf32>,
        %mul3A_1438 = arith.mulf %select_n3A_1090, %get3A_1437 : vector<16xf32>
        %swap3A_1439 = arith.constant 31 : i32
        %swap3A_1440 = arith.index_cast %swap3A_1439 : i32 to index
        %swap3A_1441 = arith.constant 0 : index
        %swap3A_1442 = tpu.vector_load %arg15[%swap3A_1440, %swap3A_1441] {strides = array<i32>} : memref<32x16xf32, #tpu.memory_space<vmem>>, vector<16xf32>,
        tpu.vector_store %arg15[%swap3A_1440, %swap3A_1441], %mul3A_1438 {add = true, strides = array<i32>} : memref<32x16xf32, #tpu.memory_space<vmem>>, vector<16xf32>,
        %add3A_1443 = arith.addf %scan3A_1064, %select_n3A_1090 : vector<16xf32>
        scf.yield %add3A_1443 : vector<16xf32>
      }
      %scan3A_1062 = arith.constant 32 : i32
      scf.yield %scan3A_1061 : vector<16xf32>
    }
    %while3A_515 = arith.constant 1 : i32
    %while3A_516 = scf.for %while3A_1053 = %while3A_512 to %while3A_508 step %while3A_515 iter_args(%while3A_1054 = %while3A_514) -> (vector<16xf32>)  : i32 {
      %mul3A_1055 = arith.constant 512 : i32
      %mul3A_1056 = arith.muli %while3A_1053, %mul3A_1055 : i32
      %add3A_1057 = arith.addi %mul3A_216, %mul3A_1056 : i32
      "tpu.region"() ({
        %run_scoped3A_1063 = tpu.sem_alloc : memref<!tpu.dma_semaphore, #tpu.memory_space<semaphore_mem>>
        %dma_start3A = arith.constant 0 : i32
        %dma_start3A_1064 = tpu.memref_slice %arg2[%dma_start3A, %add3A_1057] : memref<32x131072xf32, #tpu.memory_space<hbm>> -> memref<32x512xf32, #tpu.memory_space<hbm>>
        %dma_start3A_1065 = arith.constant 0 : i32
        %dma_start3A_1066 = tpu.memref_slice %arg2[%dma_start3A_1065, %add3A_1057] : memref<32x131072xf32, #tpu.memory_space<hbm>> -> memref<32x512xf32, #tpu.memory_space<hbm>>
        tpu.enqueue_dma source(%dma_start3A_1066 : memref<32x512xf32, #tpu.memory_space<hbm>>) target(%arg9 : memref<32x512xf32, #tpu.memory_space<vmem>>) target_semaphore(%run_scoped3A_1063 : memref<!tpu.dma_semaphore, #tpu.memory_space<semaphore_mem>>)
        %dma_wait3A = arith.constant 0 : i32
        %dma_wait3A_1067 = tpu.memref_slice %arg2[%dma_wait3A, %add3A_1057] : memref<32x131072xf32, #tpu.memory_space<hbm>> -> memref<32x512xf32, #tpu.memory_space<hbm>>
        %dma_wait3A_1068 = arith.constant 0 : i32
        %dma_wait3A_1069 = tpu.memref_slice %arg2[%dma_wait3A_1068, %add3A_1057] : memref<32x131072xf32, #tpu.memory_space<hbm>> -> memref<32x512xf32, #tpu.memory_space<hbm>>
        tpu.wait_dma2 semaphore(%run_scoped3A_1063 : memref<!tpu.dma_semaphore, #tpu.memory_space<semaphore_mem>>) src(%dma_wait3A_1069 : memref<32x512xf32, #tpu.memory_space<hbm>>) dst(%arg9 : memref<32x512xf32, #tpu.memory_space<vmem>>)
        tpu.yield
      }) : () -> ()
      "tpu.region"() ({
        %run_scoped3A_1063 = tpu.sem_alloc : memref<!tpu.dma_semaphore, #tpu.memory_space<semaphore_mem>>
        %dma_start3A = tpu.memref_slice %arg3[%add3A_1057] : memref<131072xf32, #tpu.memory_space<hbm>> -> memref<512xf32, #tpu.memory_space<hbm>>
        %dma_start3A_1064 = tpu.memref_slice %arg3[%add3A_1057] : memref<131072xf32, #tpu.memory_space<hbm>> -> memref<512xf32, #tpu.memory_space<hbm>>
        tpu.enqueue_dma source(%dma_start3A_1064 : memref<512xf32, #tpu.memory_space<hbm>>) target(%arg10 : memref<512xf32, #tpu.memory_space<vmem>>) target_semaphore(%run_scoped3A_1063 : memref<!tpu.dma_semaphore, #tpu.memory_space<semaphore_mem>>)
        %dma_wait3A = tpu.memref_slice %arg3[%add3A_1057] : memref<131072xf32, #tpu.memory_space<hbm>> -> memref<512xf32, #tpu.memory_space<hbm>>
        %dma_wait3A_1065 = tpu.memref_slice %arg3[%add3A_1057] : memref<131072xf32, #tpu.memory_space<hbm>> -> memref<512xf32, #tpu.memory_space<hbm>>
        tpu.wait_dma2 semaphore(%run_scoped3A_1063 : memref<!tpu.dma_semaphore, #tpu.memory_space<semaphore_mem>>) src(%dma_wait3A_1065 : memref<512xf32, #tpu.memory_space<hbm>>) dst(%arg10 : memref<512xf32, #tpu.memory_space<vmem>>)
        tpu.yield
      }) : () -> ()
      "tpu.region"() ({
        %run_scoped3A_1063 = tpu.sem_alloc : memref<!tpu.dma_semaphore, #tpu.memory_space<semaphore_mem>>
        %dma_start3A = tpu.memref_slice %arg4[%add3A_1057] : memref<131072xf32, #tpu.memory_space<hbm>> -> memref<512xf32, #tpu.memory_space<hbm>>
        %dma_start3A_1064 = tpu.memref_slice %arg4[%add3A_1057] : memref<131072xf32, #tpu.memory_space<hbm>> -> memref<512xf32, #tpu.memory_space<hbm>>
        tpu.enqueue_dma source(%dma_start3A_1064 : memref<512xf32, #tpu.memory_space<hbm>>) target(%arg11 : memref<512xf32, #tpu.memory_space<vmem>>) target_semaphore(%run_scoped3A_1063 : memref<!tpu.dma_semaphore, #tpu.memory_space<semaphore_mem>>)
        %dma_wait3A = tpu.memref_slice %arg4[%add3A_1057] : memref<131072xf32, #tpu.memory_space<hbm>> -> memref<512xf32, #tpu.memory_space<hbm>>
        %dma_wait3A_1065 = tpu.memref_slice %arg4[%add3A_1057] : memref<131072xf32, #tpu.memory_space<hbm>> -> memref<512xf32, #tpu.memory_space<hbm>>
        tpu.wait_dma2 semaphore(%run_scoped3A_1063 : memref<!tpu.dma_semaphore, #tpu.memory_space<semaphore_mem>>) src(%dma_wait3A_1065 : memref<512xf32, #tpu.memory_space<hbm>>) dst(%arg11 : memref<512xf32, #tpu.memory_space<vmem>>)
        tpu.yield
      }) : () -> ()
      %scan3A = arith.constant 0 : i32
      %scan3A_1058 = arith.constant 32 : i32
      %scan3A_1059 = arith.addi %scan3A, %scan3A_1058 : i32
      %scan3A_1060 = arith.constant 1 : i32
      %scan3A_1061 = scf.for %scan3A_1063 = %scan3A to %scan3A_1059 step %scan3A_1060 iter_args(%scan3A_1064 = %while3A_1054) -> (vector<16xf32>)  : i32 {
        %mul3A_1065 = arith.constant 16 : i32
        %mul3A_1066 = arith.muli %scan3A_1063, %mul3A_1065 : i32
        %add3A_1067 = arith.addi %add3A_1057, %mul3A_1066 : i32
        %add3A_1068 = vector.broadcast %add3A_1067 : i32 to vector<16xi32>
        %add3A_1069 = arith.addi %add3A_1068, %iota3A : vector<16xi32>
        %ge3A = vector.broadcast %add3A_186 : i32 to vector<16xi32>
        %ge3A_1070 = arith.cmpi sge, %add3A_1069, %ge3A : vector<16xi32>
        %lt3A_1071 = vector.broadcast %select_n3A_190 : i32 to vector<16xi32>
        %lt3A_1072 = arith.cmpi slt, %add3A_1069, %lt3A_1071 : vector<16xi32>
        %and3A_1073 = arith.andi %ge3A_1070, %lt3A_1072 : vector<16xi1>
        %mul3A_1074 = arith.constant 16 : i32
        %mul3A_1075 = arith.muli %scan3A_1063, %mul3A_1074 : i32
        %get3A_1076 = arith.index_cast %mul3A_1075 : i32 to index
        %get3A_1077 = tpu.vector_load %arg10[%get3A_1076] {strides = array<i32>} : memref<512xf32, #tpu.memory_space<vmem>>, vector<16xf32>,
        %mul3A_1078 = arith.mulf %mul3A_128, %get3A_1077 : vector<16xf32>
        %mul3A_1079 = arith.constant 16 : i32
        %mul3A_1080 = arith.muli %scan3A_1063, %mul3A_1079 : i32
        %get3A_1081 = arith.index_cast %mul3A_1080 : i32 to index
        %get3A_1082 = tpu.vector_load %arg11[%get3A_1081] {strides = array<i32>} : memref<512xf32, #tpu.memory_space<vmem>>, vector<16xf32>,
        %mul3A_1083 = arith.mulf %sub3A_132, %get3A_1082 : vector<16xf32>
        %add3A_1084 = arith.addf %mul3A_1078, %mul3A_1083 : vector<16xf32>
        %sub3A_1085 = arith.subf %add3A_1084, %broadcast_in_dim3A_312 : vector<16xf32>
        %min3A = arith.constant 0.000000e+00 : f32
        %min3A_1086 = vector.broadcast %min3A : f32 to vector<16xf32>
        %min3A_1087 = arith.minimumf %sub3A_1085, %min3A_1086 : vector<16xf32>
        %exp3A = math.exp %min3A_1087 : vector<16xf32>
        %jit3A_1088 = arith.constant 0.000000e+00 : f32
        %broadcast_in_dim3A_1089 = vector.broadcast %jit3A_1088 : f32 to vector<16xf32>
        %select_n3A_1090 = arith.select %and3A_1073, %exp3A, %broadcast_in_dim3A_1089 : vector<16xi1>, vector<16xf32>
        %mul3A_1091 = arith.constant 16 : i32
        %mul3A_1092 = arith.muli %scan3A_1063, %mul3A_1091 : i32
        %get3A_1093 = arith.constant 0 : i32
        %get3A_1094 = arith.index_cast %get3A_1093 : i32 to index
        %get3A_1095 = arith.index_cast %mul3A_1092 : i32 to index
        %get3A_1096 = tpu.vector_load %arg9[%get3A_1094, %get3A_1095] {strides = array<i32>} : memref<32x512xf32, #tpu.memory_space<vmem>>, vector<16xf32>,
        %mul3A_1097 = arith.mulf %select_n3A_1090, %get3A_1096 : vector<16xf32>
        %swap3A_1098 = arith.constant 0 : i32
        %swap3A_1099 = arith.index_cast %swap3A_1098 : i32 to index
        %swap3A_1100 = arith.constant 0 : index
        %swap3A_1101 = tpu.vector_load %arg15[%swap3A_1099, %swap3A_1100] {strides = array<i32>} : memref<32x16xf32, #tpu.memory_space<vmem>>, vector<16xf32>,
        tpu.vector_store %arg15[%swap3A_1099, %swap3A_1100], %mul3A_1097 {add = true, strides = array<i32>} : memref<32x16xf32, #tpu.memory_space<vmem>>, vector<16xf32>,
        %mul3A_1102 = arith.constant 16 : i32
        %mul3A_1103 = arith.muli %scan3A_1063, %mul3A_1102 : i32
        %get3A_1104 = arith.constant 1 : i32
        %get3A_1105 = arith.index_cast %get3A_1104 : i32 to index
        %get3A_1106 = arith.index_cast %mul3A_1103 : i32 to index
        %get3A_1107 = tpu.vector_load %arg9[%get3A_1105, %get3A_1106] {strides = array<i32>} : memref<32x512xf32, #tpu.memory_space<vmem>>, vector<16xf32>,
        %mul3A_1108 = arith.mulf %select_n3A_1090, %get3A_1107 : vector<16xf32>
        %swap3A_1109 = arith.constant 1 : i32
        %swap3A_1110 = arith.index_cast %swap3A_1109 : i32 to index
        %swap3A_1111 = arith.constant 0 : index
        %swap3A_1112 = tpu.vector_load %arg15[%swap3A_1110, %swap3A_1111] {strides = array<i32>} : memref<32x16xf32, #tpu.memory_space<vmem>>, vector<16xf32>,
        tpu.vector_store %arg15[%swap3A_1110, %swap3A_1111], %mul3A_1108 {add = true, strides = array<i32>} : memref<32x16xf32, #tpu.memory_space<vmem>>, vector<16xf32>,
        %mul3A_1113 = arith.constant 16 : i32
        %mul3A_1114 = arith.muli %scan3A_1063, %mul3A_1113 : i32
        %get3A_1115 = arith.constant 2 : i32
        %get3A_1116 = arith.index_cast %get3A_1115 : i32 to index
        %get3A_1117 = arith.index_cast %mul3A_1114 : i32 to index
        %get3A_1118 = tpu.vector_load %arg9[%get3A_1116, %get3A_1117] {strides = array<i32>} : memref<32x512xf32, #tpu.memory_space<vmem>>, vector<16xf32>,
        %mul3A_1119 = arith.mulf %select_n3A_1090, %get3A_1118 : vector<16xf32>
        %swap3A_1120 = arith.constant 2 : i32
        %swap3A_1121 = arith.index_cast %swap3A_1120 : i32 to index
        %swap3A_1122 = arith.constant 0 : index
        %swap3A_1123 = tpu.vector_load %arg15[%swap3A_1121, %swap3A_1122] {strides = array<i32>} : memref<32x16xf32, #tpu.memory_space<vmem>>, vector<16xf32>,
        tpu.vector_store %arg15[%swap3A_1121, %swap3A_1122], %mul3A_1119 {add = true, strides = array<i32>} : memref<32x16xf32, #tpu.memory_space<vmem>>, vector<16xf32>,
        %mul3A_1124 = arith.constant 16 : i32
        %mul3A_1125 = arith.muli %scan3A_1063, %mul3A_1124 : i32
        %get3A_1126 = arith.constant 3 : i32
        %get3A_1127 = arith.index_cast %get3A_1126 : i32 to index
        %get3A_1128 = arith.index_cast %mul3A_1125 : i32 to index
        %get3A_1129 = tpu.vector_load %arg9[%get3A_1127, %get3A_1128] {strides = array<i32>} : memref<32x512xf32, #tpu.memory_space<vmem>>, vector<16xf32>,
        %mul3A_1130 = arith.mulf %select_n3A_1090, %get3A_1129 : vector<16xf32>
        %swap3A_1131 = arith.constant 3 : i32
        %swap3A_1132 = arith.index_cast %swap3A_1131 : i32 to index
        %swap3A_1133 = arith.constant 0 : index
        %swap3A_1134 = tpu.vector_load %arg15[%swap3A_1132, %swap3A_1133] {strides = array<i32>} : memref<32x16xf32, #tpu.memory_space<vmem>>, vector<16xf32>,
        tpu.vector_store %arg15[%swap3A_1132, %swap3A_1133], %mul3A_1130 {add = true, strides = array<i32>} : memref<32x16xf32, #tpu.memory_space<vmem>>, vector<16xf32>,
        %mul3A_1135 = arith.constant 16 : i32
        %mul3A_1136 = arith.muli %scan3A_1063, %mul3A_1135 : i32
        %get3A_1137 = arith.constant 4 : i32
        %get3A_1138 = arith.index_cast %get3A_1137 : i32 to index
        %get3A_1139 = arith.index_cast %mul3A_1136 : i32 to index
        %get3A_1140 = tpu.vector_load %arg9[%get3A_1138, %get3A_1139] {strides = array<i32>} : memref<32x512xf32, #tpu.memory_space<vmem>>, vector<16xf32>,
        %mul3A_1141 = arith.mulf %select_n3A_1090, %get3A_1140 : vector<16xf32>
        %swap3A_1142 = arith.constant 4 : i32
        %swap3A_1143 = arith.index_cast %swap3A_1142 : i32 to index
        %swap3A_1144 = arith.constant 0 : index
        %swap3A_1145 = tpu.vector_load %arg15[%swap3A_1143, %swap3A_1144] {strides = array<i32>} : memref<32x16xf32, #tpu.memory_space<vmem>>, vector<16xf32>,
        tpu.vector_store %arg15[%swap3A_1143, %swap3A_1144], %mul3A_1141 {add = true, strides = array<i32>} : memref<32x16xf32, #tpu.memory_space<vmem>>, vector<16xf32>,
        %mul3A_1146 = arith.constant 16 : i32
        %mul3A_1147 = arith.muli %scan3A_1063, %mul3A_1146 : i32
        %get3A_1148 = arith.constant 5 : i32
        %get3A_1149 = arith.index_cast %get3A_1148 : i32 to index
        %get3A_1150 = arith.index_cast %mul3A_1147 : i32 to index
        %get3A_1151 = tpu.vector_load %arg9[%get3A_1149, %get3A_1150] {strides = array<i32>} : memref<32x512xf32, #tpu.memory_space<vmem>>, vector<16xf32>,
        %mul3A_1152 = arith.mulf %select_n3A_1090, %get3A_1151 : vector<16xf32>
        %swap3A_1153 = arith.constant 5 : i32
        %swap3A_1154 = arith.index_cast %swap3A_1153 : i32 to index
        %swap3A_1155 = arith.constant 0 : index
        %swap3A_1156 = tpu.vector_load %arg15[%swap3A_1154, %swap3A_1155] {strides = array<i32>} : memref<32x16xf32, #tpu.memory_space<vmem>>, vector<16xf32>,
        tpu.vector_store %arg15[%swap3A_1154, %swap3A_1155], %mul3A_1152 {add = true, strides = array<i32>} : memref<32x16xf32, #tpu.memory_space<vmem>>, vector<16xf32>,
        %mul3A_1157 = arith.constant 16 : i32
        %mul3A_1158 = arith.muli %scan3A_1063, %mul3A_1157 : i32
        %get3A_1159 = arith.constant 6 : i32
        %get3A_1160 = arith.index_cast %get3A_1159 : i32 to index
        %get3A_1161 = arith.index_cast %mul3A_1158 : i32 to index
        %get3A_1162 = tpu.vector_load %arg9[%get3A_1160, %get3A_1161] {strides = array<i32>} : memref<32x512xf32, #tpu.memory_space<vmem>>, vector<16xf32>,
        %mul3A_1163 = arith.mulf %select_n3A_1090, %get3A_1162 : vector<16xf32>
        %swap3A_1164 = arith.constant 6 : i32
        %swap3A_1165 = arith.index_cast %swap3A_1164 : i32 to index
        %swap3A_1166 = arith.constant 0 : index
        %swap3A_1167 = tpu.vector_load %arg15[%swap3A_1165, %swap3A_1166] {strides = array<i32>} : memref<32x16xf32, #tpu.memory_space<vmem>>, vector<16xf32>,
        tpu.vector_store %arg15[%swap3A_1165, %swap3A_1166], %mul3A_1163 {add = true, strides = array<i32>} : memref<32x16xf32, #tpu.memory_space<vmem>>, vector<16xf32>,
        %mul3A_1168 = arith.constant 16 : i32
        %mul3A_1169 = arith.muli %scan3A_1063, %mul3A_1168 : i32
        %get3A_1170 = arith.constant 7 : i32
        %get3A_1171 = arith.index_cast %get3A_1170 : i32 to index
        %get3A_1172 = arith.index_cast %mul3A_1169 : i32 to index
        %get3A_1173 = tpu.vector_load %arg9[%get3A_1171, %get3A_1172] {strides = array<i32>} : memref<32x512xf32, #tpu.memory_space<vmem>>, vector<16xf32>,
        %mul3A_1174 = arith.mulf %select_n3A_1090, %get3A_1173 : vector<16xf32>
        %swap3A_1175 = arith.constant 7 : i32
        %swap3A_1176 = arith.index_cast %swap3A_1175 : i32 to index
        %swap3A_1177 = arith.constant 0 : index
        %swap3A_1178 = tpu.vector_load %arg15[%swap3A_1176, %swap3A_1177] {strides = array<i32>} : memref<32x16xf32, #tpu.memory_space<vmem>>, vector<16xf32>,
        tpu.vector_store %arg15[%swap3A_1176, %swap3A_1177], %mul3A_1174 {add = true, strides = array<i32>} : memref<32x16xf32, #tpu.memory_space<vmem>>, vector<16xf32>,
        %mul3A_1179 = arith.constant 16 : i32
        %mul3A_1180 = arith.muli %scan3A_1063, %mul3A_1179 : i32
        %get3A_1181 = arith.constant 8 : i32
        %get3A_1182 = arith.index_cast %get3A_1181 : i32 to index
        %get3A_1183 = arith.index_cast %mul3A_1180 : i32 to index
        %get3A_1184 = tpu.vector_load %arg9[%get3A_1182, %get3A_1183] {strides = array<i32>} : memref<32x512xf32, #tpu.memory_space<vmem>>, vector<16xf32>,
        %mul3A_1185 = arith.mulf %select_n3A_1090, %get3A_1184 : vector<16xf32>
        %swap3A_1186 = arith.constant 8 : i32
        %swap3A_1187 = arith.index_cast %swap3A_1186 : i32 to index
        %swap3A_1188 = arith.constant 0 : index
        %swap3A_1189 = tpu.vector_load %arg15[%swap3A_1187, %swap3A_1188] {strides = array<i32>} : memref<32x16xf32, #tpu.memory_space<vmem>>, vector<16xf32>,
        tpu.vector_store %arg15[%swap3A_1187, %swap3A_1188], %mul3A_1185 {add = true, strides = array<i32>} : memref<32x16xf32, #tpu.memory_space<vmem>>, vector<16xf32>,
        %mul3A_1190 = arith.constant 16 : i32
        %mul3A_1191 = arith.muli %scan3A_1063, %mul3A_1190 : i32
        %get3A_1192 = arith.constant 9 : i32
        %get3A_1193 = arith.index_cast %get3A_1192 : i32 to index
        %get3A_1194 = arith.index_cast %mul3A_1191 : i32 to index
        %get3A_1195 = tpu.vector_load %arg9[%get3A_1193, %get3A_1194] {strides = array<i32>} : memref<32x512xf32, #tpu.memory_space<vmem>>, vector<16xf32>,
        %mul3A_1196 = arith.mulf %select_n3A_1090, %get3A_1195 : vector<16xf32>
        %swap3A_1197 = arith.constant 9 : i32
        %swap3A_1198 = arith.index_cast %swap3A_1197 : i32 to index
        %swap3A_1199 = arith.constant 0 : index
        %swap3A_1200 = tpu.vector_load %arg15[%swap3A_1198, %swap3A_1199] {strides = array<i32>} : memref<32x16xf32, #tpu.memory_space<vmem>>, vector<16xf32>,
        tpu.vector_store %arg15[%swap3A_1198, %swap3A_1199], %mul3A_1196 {add = true, strides = array<i32>} : memref<32x16xf32, #tpu.memory_space<vmem>>, vector<16xf32>,
        %mul3A_1201 = arith.constant 16 : i32
        %mul3A_1202 = arith.muli %scan3A_1063, %mul3A_1201 : i32
        %get3A_1203 = arith.constant 10 : i32
        %get3A_1204 = arith.index_cast %get3A_1203 : i32 to index
        %get3A_1205 = arith.index_cast %mul3A_1202 : i32 to index
        %get3A_1206 = tpu.vector_load %arg9[%get3A_1204, %get3A_1205] {strides = array<i32>} : memref<32x512xf32, #tpu.memory_space<vmem>>, vector<16xf32>,
        %mul3A_1207 = arith.mulf %select_n3A_1090, %get3A_1206 : vector<16xf32>
        %swap3A_1208 = arith.constant 10 : i32
        %swap3A_1209 = arith.index_cast %swap3A_1208 : i32 to index
        %swap3A_1210 = arith.constant 0 : index
        %swap3A_1211 = tpu.vector_load %arg15[%swap3A_1209, %swap3A_1210] {strides = array<i32>} : memref<32x16xf32, #tpu.memory_space<vmem>>, vector<16xf32>,
        tpu.vector_store %arg15[%swap3A_1209, %swap3A_1210], %mul3A_1207 {add = true, strides = array<i32>} : memref<32x16xf32, #tpu.memory_space<vmem>>, vector<16xf32>,
        %mul3A_1212 = arith.constant 16 : i32
        %mul3A_1213 = arith.muli %scan3A_1063, %mul3A_1212 : i32
        %get3A_1214 = arith.constant 11 : i32
        %get3A_1215 = arith.index_cast %get3A_1214 : i32 to index
        %get3A_1216 = arith.index_cast %mul3A_1213 : i32 to index
        %get3A_1217 = tpu.vector_load %arg9[%get3A_1215, %get3A_1216] {strides = array<i32>} : memref<32x512xf32, #tpu.memory_space<vmem>>, vector<16xf32>,
        %mul3A_1218 = arith.mulf %select_n3A_1090, %get3A_1217 : vector<16xf32>
        %swap3A_1219 = arith.constant 11 : i32
        %swap3A_1220 = arith.index_cast %swap3A_1219 : i32 to index
        %swap3A_1221 = arith.constant 0 : index
        %swap3A_1222 = tpu.vector_load %arg15[%swap3A_1220, %swap3A_1221] {strides = array<i32>} : memref<32x16xf32, #tpu.memory_space<vmem>>, vector<16xf32>,
        tpu.vector_store %arg15[%swap3A_1220, %swap3A_1221], %mul3A_1218 {add = true, strides = array<i32>} : memref<32x16xf32, #tpu.memory_space<vmem>>, vector<16xf32>,
        %mul3A_1223 = arith.constant 16 : i32
        %mul3A_1224 = arith.muli %scan3A_1063, %mul3A_1223 : i32
        %get3A_1225 = arith.constant 12 : i32
        %get3A_1226 = arith.index_cast %get3A_1225 : i32 to index
        %get3A_1227 = arith.index_cast %mul3A_1224 : i32 to index
        %get3A_1228 = tpu.vector_load %arg9[%get3A_1226, %get3A_1227] {strides = array<i32>} : memref<32x512xf32, #tpu.memory_space<vmem>>, vector<16xf32>,
        %mul3A_1229 = arith.mulf %select_n3A_1090, %get3A_1228 : vector<16xf32>
        %swap3A_1230 = arith.constant 12 : i32
        %swap3A_1231 = arith.index_cast %swap3A_1230 : i32 to index
        %swap3A_1232 = arith.constant 0 : index
        %swap3A_1233 = tpu.vector_load %arg15[%swap3A_1231, %swap3A_1232] {strides = array<i32>} : memref<32x16xf32, #tpu.memory_space<vmem>>, vector<16xf32>,
        tpu.vector_store %arg15[%swap3A_1231, %swap3A_1232], %mul3A_1229 {add = true, strides = array<i32>} : memref<32x16xf32, #tpu.memory_space<vmem>>, vector<16xf32>,
        %mul3A_1234 = arith.constant 16 : i32
        %mul3A_1235 = arith.muli %scan3A_1063, %mul3A_1234 : i32
        %get3A_1236 = arith.constant 13 : i32
        %get3A_1237 = arith.index_cast %get3A_1236 : i32 to index
        %get3A_1238 = arith.index_cast %mul3A_1235 : i32 to index
        %get3A_1239 = tpu.vector_load %arg9[%get3A_1237, %get3A_1238] {strides = array<i32>} : memref<32x512xf32, #tpu.memory_space<vmem>>, vector<16xf32>,
        %mul3A_1240 = arith.mulf %select_n3A_1090, %get3A_1239 : vector<16xf32>
        %swap3A_1241 = arith.constant 13 : i32
        %swap3A_1242 = arith.index_cast %swap3A_1241 : i32 to index
        %swap3A_1243 = arith.constant 0 : index
        %swap3A_1244 = tpu.vector_load %arg15[%swap3A_1242, %swap3A_1243] {strides = array<i32>} : memref<32x16xf32, #tpu.memory_space<vmem>>, vector<16xf32>,
        tpu.vector_store %arg15[%swap3A_1242, %swap3A_1243], %mul3A_1240 {add = true, strides = array<i32>} : memref<32x16xf32, #tpu.memory_space<vmem>>, vector<16xf32>,
        %mul3A_1245 = arith.constant 16 : i32
        %mul3A_1246 = arith.muli %scan3A_1063, %mul3A_1245 : i32
        %get3A_1247 = arith.constant 14 : i32
        %get3A_1248 = arith.index_cast %get3A_1247 : i32 to index
        %get3A_1249 = arith.index_cast %mul3A_1246 : i32 to index
        %get3A_1250 = tpu.vector_load %arg9[%get3A_1248, %get3A_1249] {strides = array<i32>} : memref<32x512xf32, #tpu.memory_space<vmem>>, vector<16xf32>,
        %mul3A_1251 = arith.mulf %select_n3A_1090, %get3A_1250 : vector<16xf32>
        %swap3A_1252 = arith.constant 14 : i32
        %swap3A_1253 = arith.index_cast %swap3A_1252 : i32 to index
        %swap3A_1254 = arith.constant 0 : index
        %swap3A_1255 = tpu.vector_load %arg15[%swap3A_1253, %swap3A_1254] {strides = array<i32>} : memref<32x16xf32, #tpu.memory_space<vmem>>, vector<16xf32>,
        tpu.vector_store %arg15[%swap3A_1253, %swap3A_1254], %mul3A_1251 {add = true, strides = array<i32>} : memref<32x16xf32, #tpu.memory_space<vmem>>, vector<16xf32>,
        %mul3A_1256 = arith.constant 16 : i32
        %mul3A_1257 = arith.muli %scan3A_1063, %mul3A_1256 : i32
        %get3A_1258 = arith.constant 15 : i32
        %get3A_1259 = arith.index_cast %get3A_1258 : i32 to index
        %get3A_1260 = arith.index_cast %mul3A_1257 : i32 to index
        %get3A_1261 = tpu.vector_load %arg9[%get3A_1259, %get3A_1260] {strides = array<i32>} : memref<32x512xf32, #tpu.memory_space<vmem>>, vector<16xf32>,
        %mul3A_1262 = arith.mulf %select_n3A_1090, %get3A_1261 : vector<16xf32>
        %swap3A_1263 = arith.constant 15 : i32
        %swap3A_1264 = arith.index_cast %swap3A_1263 : i32 to index
        %swap3A_1265 = arith.constant 0 : index
        %swap3A_1266 = tpu.vector_load %arg15[%swap3A_1264, %swap3A_1265] {strides = array<i32>} : memref<32x16xf32, #tpu.memory_space<vmem>>, vector<16xf32>,
        tpu.vector_store %arg15[%swap3A_1264, %swap3A_1265], %mul3A_1262 {add = true, strides = array<i32>} : memref<32x16xf32, #tpu.memory_space<vmem>>, vector<16xf32>,
        %mul3A_1267 = arith.constant 16 : i32
        %mul3A_1268 = arith.muli %scan3A_1063, %mul3A_1267 : i32
        %get3A_1269 = arith.constant 16 : i32
        %get3A_1270 = arith.index_cast %get3A_1269 : i32 to index
        %get3A_1271 = arith.index_cast %mul3A_1268 : i32 to index
        %get3A_1272 = tpu.vector_load %arg9[%get3A_1270, %get3A_1271] {strides = array<i32>} : memref<32x512xf32, #tpu.memory_space<vmem>>, vector<16xf32>,
        %mul3A_1273 = arith.mulf %select_n3A_1090, %get3A_1272 : vector<16xf32>
        %swap3A_1274 = arith.constant 16 : i32
        %swap3A_1275 = arith.index_cast %swap3A_1274 : i32 to index
        %swap3A_1276 = arith.constant 0 : index
        %swap3A_1277 = tpu.vector_load %arg15[%swap3A_1275, %swap3A_1276] {strides = array<i32>} : memref<32x16xf32, #tpu.memory_space<vmem>>, vector<16xf32>,
        tpu.vector_store %arg15[%swap3A_1275, %swap3A_1276], %mul3A_1273 {add = true, strides = array<i32>} : memref<32x16xf32, #tpu.memory_space<vmem>>, vector<16xf32>,
        %mul3A_1278 = arith.constant 16 : i32
        %mul3A_1279 = arith.muli %scan3A_1063, %mul3A_1278 : i32
        %get3A_1280 = arith.constant 17 : i32
        %get3A_1281 = arith.index_cast %get3A_1280 : i32 to index
        %get3A_1282 = arith.index_cast %mul3A_1279 : i32 to index
        %get3A_1283 = tpu.vector_load %arg9[%get3A_1281, %get3A_1282] {strides = array<i32>} : memref<32x512xf32, #tpu.memory_space<vmem>>, vector<16xf32>,
        %mul3A_1284 = arith.mulf %select_n3A_1090, %get3A_1283 : vector<16xf32>
        %swap3A_1285 = arith.constant 17 : i32
        %swap3A_1286 = arith.index_cast %swap3A_1285 : i32 to index
        %swap3A_1287 = arith.constant 0 : index
        %swap3A_1288 = tpu.vector_load %arg15[%swap3A_1286, %swap3A_1287] {strides = array<i32>} : memref<32x16xf32, #tpu.memory_space<vmem>>, vector<16xf32>,
        tpu.vector_store %arg15[%swap3A_1286, %swap3A_1287], %mul3A_1284 {add = true, strides = array<i32>} : memref<32x16xf32, #tpu.memory_space<vmem>>, vector<16xf32>,
        %mul3A_1289 = arith.constant 16 : i32
        %mul3A_1290 = arith.muli %scan3A_1063, %mul3A_1289 : i32
        %get3A_1291 = arith.constant 18 : i32
        %get3A_1292 = arith.index_cast %get3A_1291 : i32 to index
        %get3A_1293 = arith.index_cast %mul3A_1290 : i32 to index
        %get3A_1294 = tpu.vector_load %arg9[%get3A_1292, %get3A_1293] {strides = array<i32>} : memref<32x512xf32, #tpu.memory_space<vmem>>, vector<16xf32>,
        %mul3A_1295 = arith.mulf %select_n3A_1090, %get3A_1294 : vector<16xf32>
        %swap3A_1296 = arith.constant 18 : i32
        %swap3A_1297 = arith.index_cast %swap3A_1296 : i32 to index
        %swap3A_1298 = arith.constant 0 : index
        %swap3A_1299 = tpu.vector_load %arg15[%swap3A_1297, %swap3A_1298] {strides = array<i32>} : memref<32x16xf32, #tpu.memory_space<vmem>>, vector<16xf32>,
        tpu.vector_store %arg15[%swap3A_1297, %swap3A_1298], %mul3A_1295 {add = true, strides = array<i32>} : memref<32x16xf32, #tpu.memory_space<vmem>>, vector<16xf32>,
        %mul3A_1300 = arith.constant 16 : i32
        %mul3A_1301 = arith.muli %scan3A_1063, %mul3A_1300 : i32
        %get3A_1302 = arith.constant 19 : i32
        %get3A_1303 = arith.index_cast %get3A_1302 : i32 to index
        %get3A_1304 = arith.index_cast %mul3A_1301 : i32 to index
        %get3A_1305 = tpu.vector_load %arg9[%get3A_1303, %get3A_1304] {strides = array<i32>} : memref<32x512xf32, #tpu.memory_space<vmem>>, vector<16xf32>,
        %mul3A_1306 = arith.mulf %select_n3A_1090, %get3A_1305 : vector<16xf32>
        %swap3A_1307 = arith.constant 19 : i32
        %swap3A_1308 = arith.index_cast %swap3A_1307 : i32 to index
        %swap3A_1309 = arith.constant 0 : index
        %swap3A_1310 = tpu.vector_load %arg15[%swap3A_1308, %swap3A_1309] {strides = array<i32>} : memref<32x16xf32, #tpu.memory_space<vmem>>, vector<16xf32>,
        tpu.vector_store %arg15[%swap3A_1308, %swap3A_1309], %mul3A_1306 {add = true, strides = array<i32>} : memref<32x16xf32, #tpu.memory_space<vmem>>, vector<16xf32>,
        %mul3A_1311 = arith.constant 16 : i32
        %mul3A_1312 = arith.muli %scan3A_1063, %mul3A_1311 : i32
        %get3A_1313 = arith.constant 20 : i32
        %get3A_1314 = arith.index_cast %get3A_1313 : i32 to index
        %get3A_1315 = arith.index_cast %mul3A_1312 : i32 to index
        %get3A_1316 = tpu.vector_load %arg9[%get3A_1314, %get3A_1315] {strides = array<i32>} : memref<32x512xf32, #tpu.memory_space<vmem>>, vector<16xf32>,
        %mul3A_1317 = arith.mulf %select_n3A_1090, %get3A_1316 : vector<16xf32>
        %swap3A_1318 = arith.constant 20 : i32
        %swap3A_1319 = arith.index_cast %swap3A_1318 : i32 to index
        %swap3A_1320 = arith.constant 0 : index
        %swap3A_1321 = tpu.vector_load %arg15[%swap3A_1319, %swap3A_1320] {strides = array<i32>} : memref<32x16xf32, #tpu.memory_space<vmem>>, vector<16xf32>,
        tpu.vector_store %arg15[%swap3A_1319, %swap3A_1320], %mul3A_1317 {add = true, strides = array<i32>} : memref<32x16xf32, #tpu.memory_space<vmem>>, vector<16xf32>,
        %mul3A_1322 = arith.constant 16 : i32
        %mul3A_1323 = arith.muli %scan3A_1063, %mul3A_1322 : i32
        %get3A_1324 = arith.constant 21 : i32
        %get3A_1325 = arith.index_cast %get3A_1324 : i32 to index
        %get3A_1326 = arith.index_cast %mul3A_1323 : i32 to index
        %get3A_1327 = tpu.vector_load %arg9[%get3A_1325, %get3A_1326] {strides = array<i32>} : memref<32x512xf32, #tpu.memory_space<vmem>>, vector<16xf32>,
        %mul3A_1328 = arith.mulf %select_n3A_1090, %get3A_1327 : vector<16xf32>
        %swap3A_1329 = arith.constant 21 : i32
        %swap3A_1330 = arith.index_cast %swap3A_1329 : i32 to index
        %swap3A_1331 = arith.constant 0 : index
        %swap3A_1332 = tpu.vector_load %arg15[%swap3A_1330, %swap3A_1331] {strides = array<i32>} : memref<32x16xf32, #tpu.memory_space<vmem>>, vector<16xf32>,
        tpu.vector_store %arg15[%swap3A_1330, %swap3A_1331], %mul3A_1328 {add = true, strides = array<i32>} : memref<32x16xf32, #tpu.memory_space<vmem>>, vector<16xf32>,
        %mul3A_1333 = arith.constant 16 : i32
        %mul3A_1334 = arith.muli %scan3A_1063, %mul3A_1333 : i32
        %get3A_1335 = arith.constant 22 : i32
        %get3A_1336 = arith.index_cast %get3A_1335 : i32 to index
        %get3A_1337 = arith.index_cast %mul3A_1334 : i32 to index
        %get3A_1338 = tpu.vector_load %arg9[%get3A_1336, %get3A_1337] {strides = array<i32>} : memref<32x512xf32, #tpu.memory_space<vmem>>, vector<16xf32>,
        %mul3A_1339 = arith.mulf %select_n3A_1090, %get3A_1338 : vector<16xf32>
        %swap3A_1340 = arith.constant 22 : i32
        %swap3A_1341 = arith.index_cast %swap3A_1340 : i32 to index
        %swap3A_1342 = arith.constant 0 : index
        %swap3A_1343 = tpu.vector_load %arg15[%swap3A_1341, %swap3A_1342] {strides = array<i32>} : memref<32x16xf32, #tpu.memory_space<vmem>>, vector<16xf32>,
        tpu.vector_store %arg15[%swap3A_1341, %swap3A_1342], %mul3A_1339 {add = true, strides = array<i32>} : memref<32x16xf32, #tpu.memory_space<vmem>>, vector<16xf32>,
        %mul3A_1344 = arith.constant 16 : i32
        %mul3A_1345 = arith.muli %scan3A_1063, %mul3A_1344 : i32
        %get3A_1346 = arith.constant 23 : i32
        %get3A_1347 = arith.index_cast %get3A_1346 : i32 to index
        %get3A_1348 = arith.index_cast %mul3A_1345 : i32 to index
        %get3A_1349 = tpu.vector_load %arg9[%get3A_1347, %get3A_1348] {strides = array<i32>} : memref<32x512xf32, #tpu.memory_space<vmem>>, vector<16xf32>,
        %mul3A_1350 = arith.mulf %select_n3A_1090, %get3A_1349 : vector<16xf32>
        %swap3A_1351 = arith.constant 23 : i32
        %swap3A_1352 = arith.index_cast %swap3A_1351 : i32 to index
        %swap3A_1353 = arith.constant 0 : index
        %swap3A_1354 = tpu.vector_load %arg15[%swap3A_1352, %swap3A_1353] {strides = array<i32>} : memref<32x16xf32, #tpu.memory_space<vmem>>, vector<16xf32>,
        tpu.vector_store %arg15[%swap3A_1352, %swap3A_1353], %mul3A_1350 {add = true, strides = array<i32>} : memref<32x16xf32, #tpu.memory_space<vmem>>, vector<16xf32>,
        %mul3A_1355 = arith.constant 16 : i32
        %mul3A_1356 = arith.muli %scan3A_1063, %mul3A_1355 : i32
        %get3A_1357 = arith.constant 24 : i32
        %get3A_1358 = arith.index_cast %get3A_1357 : i32 to index
        %get3A_1359 = arith.index_cast %mul3A_1356 : i32 to index
        %get3A_1360 = tpu.vector_load %arg9[%get3A_1358, %get3A_1359] {strides = array<i32>} : memref<32x512xf32, #tpu.memory_space<vmem>>, vector<16xf32>,
        %mul3A_1361 = arith.mulf %select_n3A_1090, %get3A_1360 : vector<16xf32>
        %swap3A_1362 = arith.constant 24 : i32
        %swap3A_1363 = arith.index_cast %swap3A_1362 : i32 to index
        %swap3A_1364 = arith.constant 0 : index
        %swap3A_1365 = tpu.vector_load %arg15[%swap3A_1363, %swap3A_1364] {strides = array<i32>} : memref<32x16xf32, #tpu.memory_space<vmem>>, vector<16xf32>,
        tpu.vector_store %arg15[%swap3A_1363, %swap3A_1364], %mul3A_1361 {add = true, strides = array<i32>} : memref<32x16xf32, #tpu.memory_space<vmem>>, vector<16xf32>,
        %mul3A_1366 = arith.constant 16 : i32
        %mul3A_1367 = arith.muli %scan3A_1063, %mul3A_1366 : i32
        %get3A_1368 = arith.constant 25 : i32
        %get3A_1369 = arith.index_cast %get3A_1368 : i32 to index
        %get3A_1370 = arith.index_cast %mul3A_1367 : i32 to index
        %get3A_1371 = tpu.vector_load %arg9[%get3A_1369, %get3A_1370] {strides = array<i32>} : memref<32x512xf32, #tpu.memory_space<vmem>>, vector<16xf32>,
        %mul3A_1372 = arith.mulf %select_n3A_1090, %get3A_1371 : vector<16xf32>
        %swap3A_1373 = arith.constant 25 : i32
        %swap3A_1374 = arith.index_cast %swap3A_1373 : i32 to index
        %swap3A_1375 = arith.constant 0 : index
        %swap3A_1376 = tpu.vector_load %arg15[%swap3A_1374, %swap3A_1375] {strides = array<i32>} : memref<32x16xf32, #tpu.memory_space<vmem>>, vector<16xf32>,
        tpu.vector_store %arg15[%swap3A_1374, %swap3A_1375], %mul3A_1372 {add = true, strides = array<i32>} : memref<32x16xf32, #tpu.memory_space<vmem>>, vector<16xf32>,
        %mul3A_1377 = arith.constant 16 : i32
        %mul3A_1378 = arith.muli %scan3A_1063, %mul3A_1377 : i32
        %get3A_1379 = arith.constant 26 : i32
        %get3A_1380 = arith.index_cast %get3A_1379 : i32 to index
        %get3A_1381 = arith.index_cast %mul3A_1378 : i32 to index
        %get3A_1382 = tpu.vector_load %arg9[%get3A_1380, %get3A_1381] {strides = array<i32>} : memref<32x512xf32, #tpu.memory_space<vmem>>, vector<16xf32>,
        %mul3A_1383 = arith.mulf %select_n3A_1090, %get3A_1382 : vector<16xf32>
        %swap3A_1384 = arith.constant 26 : i32
        %swap3A_1385 = arith.index_cast %swap3A_1384 : i32 to index
        %swap3A_1386 = arith.constant 0 : index
        %swap3A_1387 = tpu.vector_load %arg15[%swap3A_1385, %swap3A_1386] {strides = array<i32>} : memref<32x16xf32, #tpu.memory_space<vmem>>, vector<16xf32>,
        tpu.vector_store %arg15[%swap3A_1385, %swap3A_1386], %mul3A_1383 {add = true, strides = array<i32>} : memref<32x16xf32, #tpu.memory_space<vmem>>, vector<16xf32>,
        %mul3A_1388 = arith.constant 16 : i32
        %mul3A_1389 = arith.muli %scan3A_1063, %mul3A_1388 : i32
        %get3A_1390 = arith.constant 27 : i32
        %get3A_1391 = arith.index_cast %get3A_1390 : i32 to index
        %get3A_1392 = arith.index_cast %mul3A_1389 : i32 to index
        %get3A_1393 = tpu.vector_load %arg9[%get3A_1391, %get3A_1392] {strides = array<i32>} : memref<32x512xf32, #tpu.memory_space<vmem>>, vector<16xf32>,
        %mul3A_1394 = arith.mulf %select_n3A_1090, %get3A_1393 : vector<16xf32>
        %swap3A_1395 = arith.constant 27 : i32
        %swap3A_1396 = arith.index_cast %swap3A_1395 : i32 to index
        %swap3A_1397 = arith.constant 0 : index
        %swap3A_1398 = tpu.vector_load %arg15[%swap3A_1396, %swap3A_1397] {strides = array<i32>} : memref<32x16xf32, #tpu.memory_space<vmem>>, vector<16xf32>,
        tpu.vector_store %arg15[%swap3A_1396, %swap3A_1397], %mul3A_1394 {add = true, strides = array<i32>} : memref<32x16xf32, #tpu.memory_space<vmem>>, vector<16xf32>,
        %mul3A_1399 = arith.constant 16 : i32
        %mul3A_1400 = arith.muli %scan3A_1063, %mul3A_1399 : i32
        %get3A_1401 = arith.constant 28 : i32
        %get3A_1402 = arith.index_cast %get3A_1401 : i32 to index
        %get3A_1403 = arith.index_cast %mul3A_1400 : i32 to index
        %get3A_1404 = tpu.vector_load %arg9[%get3A_1402, %get3A_1403] {strides = array<i32>} : memref<32x512xf32, #tpu.memory_space<vmem>>, vector<16xf32>,
        %mul3A_1405 = arith.mulf %select_n3A_1090, %get3A_1404 : vector<16xf32>
        %swap3A_1406 = arith.constant 28 : i32
        %swap3A_1407 = arith.index_cast %swap3A_1406 : i32 to index
        %swap3A_1408 = arith.constant 0 : index
        %swap3A_1409 = tpu.vector_load %arg15[%swap3A_1407, %swap3A_1408] {strides = array<i32>} : memref<32x16xf32, #tpu.memory_space<vmem>>, vector<16xf32>,
        tpu.vector_store %arg15[%swap3A_1407, %swap3A_1408], %mul3A_1405 {add = true, strides = array<i32>} : memref<32x16xf32, #tpu.memory_space<vmem>>, vector<16xf32>,
        %mul3A_1410 = arith.constant 16 : i32
        %mul3A_1411 = arith.muli %scan3A_1063, %mul3A_1410 : i32
        %get3A_1412 = arith.constant 29 : i32
        %get3A_1413 = arith.index_cast %get3A_1412 : i32 to index
        %get3A_1414 = arith.index_cast %mul3A_1411 : i32 to index
        %get3A_1415 = tpu.vector_load %arg9[%get3A_1413, %get3A_1414] {strides = array<i32>} : memref<32x512xf32, #tpu.memory_space<vmem>>, vector<16xf32>,
        %mul3A_1416 = arith.mulf %select_n3A_1090, %get3A_1415 : vector<16xf32>
        %swap3A_1417 = arith.constant 29 : i32
        %swap3A_1418 = arith.index_cast %swap3A_1417 : i32 to index
        %swap3A_1419 = arith.constant 0 : index
        %swap3A_1420 = tpu.vector_load %arg15[%swap3A_1418, %swap3A_1419] {strides = array<i32>} : memref<32x16xf32, #tpu.memory_space<vmem>>, vector<16xf32>,
        tpu.vector_store %arg15[%swap3A_1418, %swap3A_1419], %mul3A_1416 {add = true, strides = array<i32>} : memref<32x16xf32, #tpu.memory_space<vmem>>, vector<16xf32>,
        %mul3A_1421 = arith.constant 16 : i32
        %mul3A_1422 = arith.muli %scan3A_1063, %mul3A_1421 : i32
        %get3A_1423 = arith.constant 30 : i32
        %get3A_1424 = arith.index_cast %get3A_1423 : i32 to index
        %get3A_1425 = arith.index_cast %mul3A_1422 : i32 to index
        %get3A_1426 = tpu.vector_load %arg9[%get3A_1424, %get3A_1425] {strides = array<i32>} : memref<32x512xf32, #tpu.memory_space<vmem>>, vector<16xf32>,
        %mul3A_1427 = arith.mulf %select_n3A_1090, %get3A_1426 : vector<16xf32>
        %swap3A_1428 = arith.constant 30 : i32
        %swap3A_1429 = arith.index_cast %swap3A_1428 : i32 to index
        %swap3A_1430 = arith.constant 0 : index
        %swap3A_1431 = tpu.vector_load %arg15[%swap3A_1429, %swap3A_1430] {strides = array<i32>} : memref<32x16xf32, #tpu.memory_space<vmem>>, vector<16xf32>,
        tpu.vector_store %arg15[%swap3A_1429, %swap3A_1430], %mul3A_1427 {add = true, strides = array<i32>} : memref<32x16xf32, #tpu.memory_space<vmem>>, vector<16xf32>,
        %mul3A_1432 = arith.constant 16 : i32
        %mul3A_1433 = arith.muli %scan3A_1063, %mul3A_1432 : i32
        %get3A_1434 = arith.constant 31 : i32
        %get3A_1435 = arith.index_cast %get3A_1434 : i32 to index
        %get3A_1436 = arith.index_cast %mul3A_1433 : i32 to index
        %get3A_1437 = tpu.vector_load %arg9[%get3A_1435, %get3A_1436] {strides = array<i32>} : memref<32x512xf32, #tpu.memory_space<vmem>>, vector<16xf32>,
        %mul3A_1438 = arith.mulf %select_n3A_1090, %get3A_1437 : vector<16xf32>
        %swap3A_1439 = arith.constant 31 : i32
        %swap3A_1440 = arith.index_cast %swap3A_1439 : i32 to index
        %swap3A_1441 = arith.constant 0 : index
        %swap3A_1442 = tpu.vector_load %arg15[%swap3A_1440, %swap3A_1441] {strides = array<i32>} : memref<32x16xf32, #tpu.memory_space<vmem>>, vector<16xf32>,
        tpu.vector_store %arg15[%swap3A_1440, %swap3A_1441], %mul3A_1438 {add = true, strides = array<i32>} : memref<32x16xf32, #tpu.memory_space<vmem>>, vector<16xf32>,
        %add3A_1443 = arith.addf %scan3A_1064, %select_n3A_1090 : vector<16xf32>
        scf.yield %add3A_1443 : vector<16xf32>
      }
      %scan3A_1062 = arith.constant 32 : i32
      scf.yield %scan3A_1061 : vector<16xf32>
    }
    %reduce_sum3A_517 = arith.constant true
    %reduce_sum3A_518 = vector.broadcast %reduce_sum3A_517 : i1 to vector<16xi1>
    %reduce_sum3A_519 = tpu.scan <sum>, %while3A_516 masked %reduce_sum3A_518 : vector<16xf32>, vector<16xi1> -> vector<16xf32>
    %reduce_sum3A_520 = vector.extract %reduce_sum3A_519[15] : f32 from vector<16xf32>
    %broadcast_in_dim3A_521 = arith.constant 0.000000e+00 : f32
    %broadcast_in_dim3A_522 = vector.broadcast %broadcast_in_dim3A_521 : f32 to vector<16xf32>
    %broadcast_in_dim3A_523 = arith.constant 0.000000e+00 : f32
    %broadcast_in_dim3A_524 = vector.broadcast %broadcast_in_dim3A_523 : f32 to vector<16xf32>
    %eq3A_525 = arith.constant 0 : i32
    %eq3A_526 = vector.broadcast %eq3A_525 : i32 to vector<16xi32>
    %eq3A_527 = arith.cmpi eq, %iota3A, %eq3A_526 : vector<16xi32>
    %get3A_528 = arith.constant 0 : i32
    %get3A_529 = arith.index_cast %get3A_528 : i32 to index
    %get3A_530 = arith.constant 0 : index
    %get3A_531 = tpu.vector_load %arg15[%get3A_529, %get3A_530] {strides = array<i32>} : memref<32x16xf32, #tpu.memory_space<vmem>>, vector<16xf32>,
    %reduce_sum3A_532 = arith.constant true
    %reduce_sum3A_533 = vector.broadcast %reduce_sum3A_532 : i1 to vector<16xi1>
    %reduce_sum3A_534 = tpu.scan <sum>, %get3A_531 masked %reduce_sum3A_533 : vector<16xf32>, vector<16xi1> -> vector<16xf32>
    %reduce_sum3A_535 = vector.extract %reduce_sum3A_534[15] : f32 from vector<16xf32>
    %jit3A_536 = arith.constant 0.000000e+00 : f32
    %broadcast_in_dim3A_537 = vector.broadcast %reduce_sum3A_535 : f32 to vector<16xf32>
    %broadcast_in_dim3A_538 = vector.broadcast %jit3A_536 : f32 to vector<16xf32>
    %select_n3A_539 = arith.select %eq3A_527, %broadcast_in_dim3A_537, %broadcast_in_dim3A_538 : vector<16xi1>, vector<16xf32>
    %add3A_540 = arith.addf %broadcast_in_dim3A_522, %select_n3A_539 : vector<16xf32>
    %eq3A_541 = arith.constant 0 : i32
    %eq3A_542 = vector.broadcast %eq3A_541 : i32 to vector<16xi32>
    %eq3A_543 = arith.cmpi eq, %iota3A, %eq3A_542 : vector<16xi32>
    %get3A_544 = arith.constant 16 : i32
    %get3A_545 = arith.index_cast %get3A_544 : i32 to index
    %get3A_546 = arith.constant 0 : index
    %get3A_547 = tpu.vector_load %arg15[%get3A_545, %get3A_546] {strides = array<i32>} : memref<32x16xf32, #tpu.memory_space<vmem>>, vector<16xf32>,
    %reduce_sum3A_548 = arith.constant true
    %reduce_sum3A_549 = vector.broadcast %reduce_sum3A_548 : i1 to vector<16xi1>
    %reduce_sum3A_550 = tpu.scan <sum>, %get3A_547 masked %reduce_sum3A_549 : vector<16xf32>, vector<16xi1> -> vector<16xf32>
    %reduce_sum3A_551 = vector.extract %reduce_sum3A_550[15] : f32 from vector<16xf32>
    %jit3A_552 = arith.constant 0.000000e+00 : f32
    %broadcast_in_dim3A_553 = vector.broadcast %reduce_sum3A_551 : f32 to vector<16xf32>
    %broadcast_in_dim3A_554 = vector.broadcast %jit3A_552 : f32 to vector<16xf32>
    %select_n3A_555 = arith.select %eq3A_543, %broadcast_in_dim3A_553, %broadcast_in_dim3A_554 : vector<16xi1>, vector<16xf32>
    %add3A_556 = arith.addf %broadcast_in_dim3A_524, %select_n3A_555 : vector<16xf32>
    %eq3A_557 = arith.constant 1 : i32
    %eq3A_558 = vector.broadcast %eq3A_557 : i32 to vector<16xi32>
    %eq3A_559 = arith.cmpi eq, %iota3A, %eq3A_558 : vector<16xi32>
    %get3A_560 = arith.constant 1 : i32
    %get3A_561 = arith.index_cast %get3A_560 : i32 to index
    %get3A_562 = arith.constant 0 : index
    %get3A_563 = tpu.vector_load %arg15[%get3A_561, %get3A_562] {strides = array<i32>} : memref<32x16xf32, #tpu.memory_space<vmem>>, vector<16xf32>,
    %reduce_sum3A_564 = arith.constant true
    %reduce_sum3A_565 = vector.broadcast %reduce_sum3A_564 : i1 to vector<16xi1>
    %reduce_sum3A_566 = tpu.scan <sum>, %get3A_563 masked %reduce_sum3A_565 : vector<16xf32>, vector<16xi1> -> vector<16xf32>
    %reduce_sum3A_567 = vector.extract %reduce_sum3A_566[15] : f32 from vector<16xf32>
    %jit3A_568 = arith.constant 0.000000e+00 : f32
    %broadcast_in_dim3A_569 = vector.broadcast %reduce_sum3A_567 : f32 to vector<16xf32>
    %broadcast_in_dim3A_570 = vector.broadcast %jit3A_568 : f32 to vector<16xf32>
    %select_n3A_571 = arith.select %eq3A_559, %broadcast_in_dim3A_569, %broadcast_in_dim3A_570 : vector<16xi1>, vector<16xf32>
    %add3A_572 = arith.addf %add3A_540, %select_n3A_571 : vector<16xf32>
    %eq3A_573 = arith.constant 1 : i32
    %eq3A_574 = vector.broadcast %eq3A_573 : i32 to vector<16xi32>
    %eq3A_575 = arith.cmpi eq, %iota3A, %eq3A_574 : vector<16xi32>
    %get3A_576 = arith.constant 17 : i32
    %get3A_577 = arith.index_cast %get3A_576 : i32 to index
    %get3A_578 = arith.constant 0 : index
    %get3A_579 = tpu.vector_load %arg15[%get3A_577, %get3A_578] {strides = array<i32>} : memref<32x16xf32, #tpu.memory_space<vmem>>, vector<16xf32>,
    %reduce_sum3A_580 = arith.constant true
    %reduce_sum3A_581 = vector.broadcast %reduce_sum3A_580 : i1 to vector<16xi1>
    %reduce_sum3A_582 = tpu.scan <sum>, %get3A_579 masked %reduce_sum3A_581 : vector<16xf32>, vector<16xi1> -> vector<16xf32>
    %reduce_sum3A_583 = vector.extract %reduce_sum3A_582[15] : f32 from vector<16xf32>
    %jit3A_584 = arith.constant 0.000000e+00 : f32
    %broadcast_in_dim3A_585 = vector.broadcast %reduce_sum3A_583 : f32 to vector<16xf32>
    %broadcast_in_dim3A_586 = vector.broadcast %jit3A_584 : f32 to vector<16xf32>
    %select_n3A_587 = arith.select %eq3A_575, %broadcast_in_dim3A_585, %broadcast_in_dim3A_586 : vector<16xi1>, vector<16xf32>
    %add3A_588 = arith.addf %add3A_556, %select_n3A_587 : vector<16xf32>
    %eq3A_589 = arith.constant 2 : i32
    %eq3A_590 = vector.broadcast %eq3A_589 : i32 to vector<16xi32>
    %eq3A_591 = arith.cmpi eq, %iota3A, %eq3A_590 : vector<16xi32>
    %get3A_592 = arith.constant 2 : i32
    %get3A_593 = arith.index_cast %get3A_592 : i32 to index
    %get3A_594 = arith.constant 0 : index
    %get3A_595 = tpu.vector_load %arg15[%get3A_593, %get3A_594] {strides = array<i32>} : memref<32x16xf32, #tpu.memory_space<vmem>>, vector<16xf32>,
    %reduce_sum3A_596 = arith.constant true
    %reduce_sum3A_597 = vector.broadcast %reduce_sum3A_596 : i1 to vector<16xi1>
    %reduce_sum3A_598 = tpu.scan <sum>, %get3A_595 masked %reduce_sum3A_597 : vector<16xf32>, vector<16xi1> -> vector<16xf32>
    %reduce_sum3A_599 = vector.extract %reduce_sum3A_598[15] : f32 from vector<16xf32>
    %jit3A_600 = arith.constant 0.000000e+00 : f32
    %broadcast_in_dim3A_601 = vector.broadcast %reduce_sum3A_599 : f32 to vector<16xf32>
    %broadcast_in_dim3A_602 = vector.broadcast %jit3A_600 : f32 to vector<16xf32>
    %select_n3A_603 = arith.select %eq3A_591, %broadcast_in_dim3A_601, %broadcast_in_dim3A_602 : vector<16xi1>, vector<16xf32>
    %add3A_604 = arith.addf %add3A_572, %select_n3A_603 : vector<16xf32>
    %eq3A_605 = arith.constant 2 : i32
    %eq3A_606 = vector.broadcast %eq3A_605 : i32 to vector<16xi32>
    %eq3A_607 = arith.cmpi eq, %iota3A, %eq3A_606 : vector<16xi32>
    %get3A_608 = arith.constant 18 : i32
    %get3A_609 = arith.index_cast %get3A_608 : i32 to index
    %get3A_610 = arith.constant 0 : index
    %get3A_611 = tpu.vector_load %arg15[%get3A_609, %get3A_610] {strides = array<i32>} : memref<32x16xf32, #tpu.memory_space<vmem>>, vector<16xf32>,
    %reduce_sum3A_612 = arith.constant true
    %reduce_sum3A_613 = vector.broadcast %reduce_sum3A_612 : i1 to vector<16xi1>
    %reduce_sum3A_614 = tpu.scan <sum>, %get3A_611 masked %reduce_sum3A_613 : vector<16xf32>, vector<16xi1> -> vector<16xf32>
    %reduce_sum3A_615 = vector.extract %reduce_sum3A_614[15] : f32 from vector<16xf32>
    %jit3A_616 = arith.constant 0.000000e+00 : f32
    %broadcast_in_dim3A_617 = vector.broadcast %reduce_sum3A_615 : f32 to vector<16xf32>
    %broadcast_in_dim3A_618 = vector.broadcast %jit3A_616 : f32 to vector<16xf32>
    %select_n3A_619 = arith.select %eq3A_607, %broadcast_in_dim3A_617, %broadcast_in_dim3A_618 : vector<16xi1>, vector<16xf32>
    %add3A_620 = arith.addf %add3A_588, %select_n3A_619 : vector<16xf32>
    %eq3A_621 = arith.constant 3 : i32
    %eq3A_622 = vector.broadcast %eq3A_621 : i32 to vector<16xi32>
    %eq3A_623 = arith.cmpi eq, %iota3A, %eq3A_622 : vector<16xi32>
    %get3A_624 = arith.constant 3 : i32
    %get3A_625 = arith.index_cast %get3A_624 : i32 to index
    %get3A_626 = arith.constant 0 : index
    %get3A_627 = tpu.vector_load %arg15[%get3A_625, %get3A_626] {strides = array<i32>} : memref<32x16xf32, #tpu.memory_space<vmem>>, vector<16xf32>,
    %reduce_sum3A_628 = arith.constant true
    %reduce_sum3A_629 = vector.broadcast %reduce_sum3A_628 : i1 to vector<16xi1>
    %reduce_sum3A_630 = tpu.scan <sum>, %get3A_627 masked %reduce_sum3A_629 : vector<16xf32>, vector<16xi1> -> vector<16xf32>
    %reduce_sum3A_631 = vector.extract %reduce_sum3A_630[15] : f32 from vector<16xf32>
    %jit3A_632 = arith.constant 0.000000e+00 : f32
    %broadcast_in_dim3A_633 = vector.broadcast %reduce_sum3A_631 : f32 to vector<16xf32>
    %broadcast_in_dim3A_634 = vector.broadcast %jit3A_632 : f32 to vector<16xf32>
    %select_n3A_635 = arith.select %eq3A_623, %broadcast_in_dim3A_633, %broadcast_in_dim3A_634 : vector<16xi1>, vector<16xf32>
    %add3A_636 = arith.addf %add3A_604, %select_n3A_635 : vector<16xf32>
    %eq3A_637 = arith.constant 3 : i32
    %eq3A_638 = vector.broadcast %eq3A_637 : i32 to vector<16xi32>
    %eq3A_639 = arith.cmpi eq, %iota3A, %eq3A_638 : vector<16xi32>
    %get3A_640 = arith.constant 19 : i32
    %get3A_641 = arith.index_cast %get3A_640 : i32 to index
    %get3A_642 = arith.constant 0 : index
    %get3A_643 = tpu.vector_load %arg15[%get3A_641, %get3A_642] {strides = array<i32>} : memref<32x16xf32, #tpu.memory_space<vmem>>, vector<16xf32>,
    %reduce_sum3A_644 = arith.constant true
    %reduce_sum3A_645 = vector.broadcast %reduce_sum3A_644 : i1 to vector<16xi1>
    %reduce_sum3A_646 = tpu.scan <sum>, %get3A_643 masked %reduce_sum3A_645 : vector<16xf32>, vector<16xi1> -> vector<16xf32>
    %reduce_sum3A_647 = vector.extract %reduce_sum3A_646[15] : f32 from vector<16xf32>
    %jit3A_648 = arith.constant 0.000000e+00 : f32
    %broadcast_in_dim3A_649 = vector.broadcast %reduce_sum3A_647 : f32 to vector<16xf32>
    %broadcast_in_dim3A_650 = vector.broadcast %jit3A_648 : f32 to vector<16xf32>
    %select_n3A_651 = arith.select %eq3A_639, %broadcast_in_dim3A_649, %broadcast_in_dim3A_650 : vector<16xi1>, vector<16xf32>
    %add3A_652 = arith.addf %add3A_620, %select_n3A_651 : vector<16xf32>
    %eq3A_653 = arith.constant 4 : i32
    %eq3A_654 = vector.broadcast %eq3A_653 : i32 to vector<16xi32>
    %eq3A_655 = arith.cmpi eq, %iota3A, %eq3A_654 : vector<16xi32>
    %get3A_656 = arith.constant 4 : i32
    %get3A_657 = arith.index_cast %get3A_656 : i32 to index
    %get3A_658 = arith.constant 0 : index
    %get3A_659 = tpu.vector_load %arg15[%get3A_657, %get3A_658] {strides = array<i32>} : memref<32x16xf32, #tpu.memory_space<vmem>>, vector<16xf32>,
    %reduce_sum3A_660 = arith.constant true
    %reduce_sum3A_661 = vector.broadcast %reduce_sum3A_660 : i1 to vector<16xi1>
    %reduce_sum3A_662 = tpu.scan <sum>, %get3A_659 masked %reduce_sum3A_661 : vector<16xf32>, vector<16xi1> -> vector<16xf32>
    %reduce_sum3A_663 = vector.extract %reduce_sum3A_662[15] : f32 from vector<16xf32>
    %jit3A_664 = arith.constant 0.000000e+00 : f32
    %broadcast_in_dim3A_665 = vector.broadcast %reduce_sum3A_663 : f32 to vector<16xf32>
    %broadcast_in_dim3A_666 = vector.broadcast %jit3A_664 : f32 to vector<16xf32>
    %select_n3A_667 = arith.select %eq3A_655, %broadcast_in_dim3A_665, %broadcast_in_dim3A_666 : vector<16xi1>, vector<16xf32>
    %add3A_668 = arith.addf %add3A_636, %select_n3A_667 : vector<16xf32>
    %eq3A_669 = arith.constant 4 : i32
    %eq3A_670 = vector.broadcast %eq3A_669 : i32 to vector<16xi32>
    %eq3A_671 = arith.cmpi eq, %iota3A, %eq3A_670 : vector<16xi32>
    %get3A_672 = arith.constant 20 : i32
    %get3A_673 = arith.index_cast %get3A_672 : i32 to index
    %get3A_674 = arith.constant 0 : index
    %get3A_675 = tpu.vector_load %arg15[%get3A_673, %get3A_674] {strides = array<i32>} : memref<32x16xf32, #tpu.memory_space<vmem>>, vector<16xf32>,
    %reduce_sum3A_676 = arith.constant true
    %reduce_sum3A_677 = vector.broadcast %reduce_sum3A_676 : i1 to vector<16xi1>
    %reduce_sum3A_678 = tpu.scan <sum>, %get3A_675 masked %reduce_sum3A_677 : vector<16xf32>, vector<16xi1> -> vector<16xf32>
    %reduce_sum3A_679 = vector.extract %reduce_sum3A_678[15] : f32 from vector<16xf32>
    %jit3A_680 = arith.constant 0.000000e+00 : f32
    %broadcast_in_dim3A_681 = vector.broadcast %reduce_sum3A_679 : f32 to vector<16xf32>
    %broadcast_in_dim3A_682 = vector.broadcast %jit3A_680 : f32 to vector<16xf32>
    %select_n3A_683 = arith.select %eq3A_671, %broadcast_in_dim3A_681, %broadcast_in_dim3A_682 : vector<16xi1>, vector<16xf32>
    %add3A_684 = arith.addf %add3A_652, %select_n3A_683 : vector<16xf32>
    %eq3A_685 = arith.constant 5 : i32
    %eq3A_686 = vector.broadcast %eq3A_685 : i32 to vector<16xi32>
    %eq3A_687 = arith.cmpi eq, %iota3A, %eq3A_686 : vector<16xi32>
    %get3A_688 = arith.constant 5 : i32
    %get3A_689 = arith.index_cast %get3A_688 : i32 to index
    %get3A_690 = arith.constant 0 : index
    %get3A_691 = tpu.vector_load %arg15[%get3A_689, %get3A_690] {strides = array<i32>} : memref<32x16xf32, #tpu.memory_space<vmem>>, vector<16xf32>,
    %reduce_sum3A_692 = arith.constant true
    %reduce_sum3A_693 = vector.broadcast %reduce_sum3A_692 : i1 to vector<16xi1>
    %reduce_sum3A_694 = tpu.scan <sum>, %get3A_691 masked %reduce_sum3A_693 : vector<16xf32>, vector<16xi1> -> vector<16xf32>
    %reduce_sum3A_695 = vector.extract %reduce_sum3A_694[15] : f32 from vector<16xf32>
    %jit3A_696 = arith.constant 0.000000e+00 : f32
    %broadcast_in_dim3A_697 = vector.broadcast %reduce_sum3A_695 : f32 to vector<16xf32>
    %broadcast_in_dim3A_698 = vector.broadcast %jit3A_696 : f32 to vector<16xf32>
    %select_n3A_699 = arith.select %eq3A_687, %broadcast_in_dim3A_697, %broadcast_in_dim3A_698 : vector<16xi1>, vector<16xf32>
    %add3A_700 = arith.addf %add3A_668, %select_n3A_699 : vector<16xf32>
    %eq3A_701 = arith.constant 5 : i32
    %eq3A_702 = vector.broadcast %eq3A_701 : i32 to vector<16xi32>
    %eq3A_703 = arith.cmpi eq, %iota3A, %eq3A_702 : vector<16xi32>
    %get3A_704 = arith.constant 21 : i32
    %get3A_705 = arith.index_cast %get3A_704 : i32 to index
    %get3A_706 = arith.constant 0 : index
    %get3A_707 = tpu.vector_load %arg15[%get3A_705, %get3A_706] {strides = array<i32>} : memref<32x16xf32, #tpu.memory_space<vmem>>, vector<16xf32>,
    %reduce_sum3A_708 = arith.constant true
    %reduce_sum3A_709 = vector.broadcast %reduce_sum3A_708 : i1 to vector<16xi1>
    %reduce_sum3A_710 = tpu.scan <sum>, %get3A_707 masked %reduce_sum3A_709 : vector<16xf32>, vector<16xi1> -> vector<16xf32>
    %reduce_sum3A_711 = vector.extract %reduce_sum3A_710[15] : f32 from vector<16xf32>
    %jit3A_712 = arith.constant 0.000000e+00 : f32
    %broadcast_in_dim3A_713 = vector.broadcast %reduce_sum3A_711 : f32 to vector<16xf32>
    %broadcast_in_dim3A_714 = vector.broadcast %jit3A_712 : f32 to vector<16xf32>
    %select_n3A_715 = arith.select %eq3A_703, %broadcast_in_dim3A_713, %broadcast_in_dim3A_714 : vector<16xi1>, vector<16xf32>
    %add3A_716 = arith.addf %add3A_684, %select_n3A_715 : vector<16xf32>
    %eq3A_717 = arith.constant 6 : i32
    %eq3A_718 = vector.broadcast %eq3A_717 : i32 to vector<16xi32>
    %eq3A_719 = arith.cmpi eq, %iota3A, %eq3A_718 : vector<16xi32>
    %get3A_720 = arith.constant 6 : i32
    %get3A_721 = arith.index_cast %get3A_720 : i32 to index
    %get3A_722 = arith.constant 0 : index
    %get3A_723 = tpu.vector_load %arg15[%get3A_721, %get3A_722] {strides = array<i32>} : memref<32x16xf32, #tpu.memory_space<vmem>>, vector<16xf32>,
    %reduce_sum3A_724 = arith.constant true
    %reduce_sum3A_725 = vector.broadcast %reduce_sum3A_724 : i1 to vector<16xi1>
    %reduce_sum3A_726 = tpu.scan <sum>, %get3A_723 masked %reduce_sum3A_725 : vector<16xf32>, vector<16xi1> -> vector<16xf32>
    %reduce_sum3A_727 = vector.extract %reduce_sum3A_726[15] : f32 from vector<16xf32>
    %jit3A_728 = arith.constant 0.000000e+00 : f32
    %broadcast_in_dim3A_729 = vector.broadcast %reduce_sum3A_727 : f32 to vector<16xf32>
    %broadcast_in_dim3A_730 = vector.broadcast %jit3A_728 : f32 to vector<16xf32>
    %select_n3A_731 = arith.select %eq3A_719, %broadcast_in_dim3A_729, %broadcast_in_dim3A_730 : vector<16xi1>, vector<16xf32>
    %add3A_732 = arith.addf %add3A_700, %select_n3A_731 : vector<16xf32>
    %eq3A_733 = arith.constant 6 : i32
    %eq3A_734 = vector.broadcast %eq3A_733 : i32 to vector<16xi32>
    %eq3A_735 = arith.cmpi eq, %iota3A, %eq3A_734 : vector<16xi32>
    %get3A_736 = arith.constant 22 : i32
    %get3A_737 = arith.index_cast %get3A_736 : i32 to index
    %get3A_738 = arith.constant 0 : index
    %get3A_739 = tpu.vector_load %arg15[%get3A_737, %get3A_738] {strides = array<i32>} : memref<32x16xf32, #tpu.memory_space<vmem>>, vector<16xf32>,
    %reduce_sum3A_740 = arith.constant true
    %reduce_sum3A_741 = vector.broadcast %reduce_sum3A_740 : i1 to vector<16xi1>
    %reduce_sum3A_742 = tpu.scan <sum>, %get3A_739 masked %reduce_sum3A_741 : vector<16xf32>, vector<16xi1> -> vector<16xf32>
    %reduce_sum3A_743 = vector.extract %reduce_sum3A_742[15] : f32 from vector<16xf32>
    %jit3A_744 = arith.constant 0.000000e+00 : f32
    %broadcast_in_dim3A_745 = vector.broadcast %reduce_sum3A_743 : f32 to vector<16xf32>
    %broadcast_in_dim3A_746 = vector.broadcast %jit3A_744 : f32 to vector<16xf32>
    %select_n3A_747 = arith.select %eq3A_735, %broadcast_in_dim3A_745, %broadcast_in_dim3A_746 : vector<16xi1>, vector<16xf32>
    %add3A_748 = arith.addf %add3A_716, %select_n3A_747 : vector<16xf32>
    %eq3A_749 = arith.constant 7 : i32
    %eq3A_750 = vector.broadcast %eq3A_749 : i32 to vector<16xi32>
    %eq3A_751 = arith.cmpi eq, %iota3A, %eq3A_750 : vector<16xi32>
    %get3A_752 = arith.constant 7 : i32
    %get3A_753 = arith.index_cast %get3A_752 : i32 to index
    %get3A_754 = arith.constant 0 : index
    %get3A_755 = tpu.vector_load %arg15[%get3A_753, %get3A_754] {strides = array<i32>} : memref<32x16xf32, #tpu.memory_space<vmem>>, vector<16xf32>,
    %reduce_sum3A_756 = arith.constant true
    %reduce_sum3A_757 = vector.broadcast %reduce_sum3A_756 : i1 to vector<16xi1>
    %reduce_sum3A_758 = tpu.scan <sum>, %get3A_755 masked %reduce_sum3A_757 : vector<16xf32>, vector<16xi1> -> vector<16xf32>
    %reduce_sum3A_759 = vector.extract %reduce_sum3A_758[15] : f32 from vector<16xf32>
    %jit3A_760 = arith.constant 0.000000e+00 : f32
    %broadcast_in_dim3A_761 = vector.broadcast %reduce_sum3A_759 : f32 to vector<16xf32>
    %broadcast_in_dim3A_762 = vector.broadcast %jit3A_760 : f32 to vector<16xf32>
    %select_n3A_763 = arith.select %eq3A_751, %broadcast_in_dim3A_761, %broadcast_in_dim3A_762 : vector<16xi1>, vector<16xf32>
    %add3A_764 = arith.addf %add3A_732, %select_n3A_763 : vector<16xf32>
    %eq3A_765 = arith.constant 7 : i32
    %eq3A_766 = vector.broadcast %eq3A_765 : i32 to vector<16xi32>
    %eq3A_767 = arith.cmpi eq, %iota3A, %eq3A_766 : vector<16xi32>
    %get3A_768 = arith.constant 23 : i32
    %get3A_769 = arith.index_cast %get3A_768 : i32 to index
    %get3A_770 = arith.constant 0 : index
    %get3A_771 = tpu.vector_load %arg15[%get3A_769, %get3A_770] {strides = array<i32>} : memref<32x16xf32, #tpu.memory_space<vmem>>, vector<16xf32>,
    %reduce_sum3A_772 = arith.constant true
    %reduce_sum3A_773 = vector.broadcast %reduce_sum3A_772 : i1 to vector<16xi1>
    %reduce_sum3A_774 = tpu.scan <sum>, %get3A_771 masked %reduce_sum3A_773 : vector<16xf32>, vector<16xi1> -> vector<16xf32>
    %reduce_sum3A_775 = vector.extract %reduce_sum3A_774[15] : f32 from vector<16xf32>
    %jit3A_776 = arith.constant 0.000000e+00 : f32
    %broadcast_in_dim3A_777 = vector.broadcast %reduce_sum3A_775 : f32 to vector<16xf32>
    %broadcast_in_dim3A_778 = vector.broadcast %jit3A_776 : f32 to vector<16xf32>
    %select_n3A_779 = arith.select %eq3A_767, %broadcast_in_dim3A_777, %broadcast_in_dim3A_778 : vector<16xi1>, vector<16xf32>
    %add3A_780 = arith.addf %add3A_748, %select_n3A_779 : vector<16xf32>
    %eq3A_781 = arith.constant 8 : i32
    %eq3A_782 = vector.broadcast %eq3A_781 : i32 to vector<16xi32>
    %eq3A_783 = arith.cmpi eq, %iota3A, %eq3A_782 : vector<16xi32>
    %get3A_784 = arith.constant 8 : i32
    %get3A_785 = arith.index_cast %get3A_784 : i32 to index
    %get3A_786 = arith.constant 0 : index
    %get3A_787 = tpu.vector_load %arg15[%get3A_785, %get3A_786] {strides = array<i32>} : memref<32x16xf32, #tpu.memory_space<vmem>>, vector<16xf32>,
    %reduce_sum3A_788 = arith.constant true
    %reduce_sum3A_789 = vector.broadcast %reduce_sum3A_788 : i1 to vector<16xi1>
    %reduce_sum3A_790 = tpu.scan <sum>, %get3A_787 masked %reduce_sum3A_789 : vector<16xf32>, vector<16xi1> -> vector<16xf32>
    %reduce_sum3A_791 = vector.extract %reduce_sum3A_790[15] : f32 from vector<16xf32>
    %jit3A_792 = arith.constant 0.000000e+00 : f32
    %broadcast_in_dim3A_793 = vector.broadcast %reduce_sum3A_791 : f32 to vector<16xf32>
    %broadcast_in_dim3A_794 = vector.broadcast %jit3A_792 : f32 to vector<16xf32>
    %select_n3A_795 = arith.select %eq3A_783, %broadcast_in_dim3A_793, %broadcast_in_dim3A_794 : vector<16xi1>, vector<16xf32>
    %add3A_796 = arith.addf %add3A_764, %select_n3A_795 : vector<16xf32>
    %eq3A_797 = arith.constant 8 : i32
    %eq3A_798 = vector.broadcast %eq3A_797 : i32 to vector<16xi32>
    %eq3A_799 = arith.cmpi eq, %iota3A, %eq3A_798 : vector<16xi32>
    %get3A_800 = arith.constant 24 : i32
    %get3A_801 = arith.index_cast %get3A_800 : i32 to index
    %get3A_802 = arith.constant 0 : index
    %get3A_803 = tpu.vector_load %arg15[%get3A_801, %get3A_802] {strides = array<i32>} : memref<32x16xf32, #tpu.memory_space<vmem>>, vector<16xf32>,
    %reduce_sum3A_804 = arith.constant true
    %reduce_sum3A_805 = vector.broadcast %reduce_sum3A_804 : i1 to vector<16xi1>
    %reduce_sum3A_806 = tpu.scan <sum>, %get3A_803 masked %reduce_sum3A_805 : vector<16xf32>, vector<16xi1> -> vector<16xf32>
    %reduce_sum3A_807 = vector.extract %reduce_sum3A_806[15] : f32 from vector<16xf32>
    %jit3A_808 = arith.constant 0.000000e+00 : f32
    %broadcast_in_dim3A_809 = vector.broadcast %reduce_sum3A_807 : f32 to vector<16xf32>
    %broadcast_in_dim3A_810 = vector.broadcast %jit3A_808 : f32 to vector<16xf32>
    %select_n3A_811 = arith.select %eq3A_799, %broadcast_in_dim3A_809, %broadcast_in_dim3A_810 : vector<16xi1>, vector<16xf32>
    %add3A_812 = arith.addf %add3A_780, %select_n3A_811 : vector<16xf32>
    %eq3A_813 = arith.constant 9 : i32
    %eq3A_814 = vector.broadcast %eq3A_813 : i32 to vector<16xi32>
    %eq3A_815 = arith.cmpi eq, %iota3A, %eq3A_814 : vector<16xi32>
    %get3A_816 = arith.constant 9 : i32
    %get3A_817 = arith.index_cast %get3A_816 : i32 to index
    %get3A_818 = arith.constant 0 : index
    %get3A_819 = tpu.vector_load %arg15[%get3A_817, %get3A_818] {strides = array<i32>} : memref<32x16xf32, #tpu.memory_space<vmem>>, vector<16xf32>,
    %reduce_sum3A_820 = arith.constant true
    %reduce_sum3A_821 = vector.broadcast %reduce_sum3A_820 : i1 to vector<16xi1>
    %reduce_sum3A_822 = tpu.scan <sum>, %get3A_819 masked %reduce_sum3A_821 : vector<16xf32>, vector<16xi1> -> vector<16xf32>
    %reduce_sum3A_823 = vector.extract %reduce_sum3A_822[15] : f32 from vector<16xf32>
    %jit3A_824 = arith.constant 0.000000e+00 : f32
    %broadcast_in_dim3A_825 = vector.broadcast %reduce_sum3A_823 : f32 to vector<16xf32>
    %broadcast_in_dim3A_826 = vector.broadcast %jit3A_824 : f32 to vector<16xf32>
    %select_n3A_827 = arith.select %eq3A_815, %broadcast_in_dim3A_825, %broadcast_in_dim3A_826 : vector<16xi1>, vector<16xf32>
    %add3A_828 = arith.addf %add3A_796, %select_n3A_827 : vector<16xf32>
    %eq3A_829 = arith.constant 9 : i32
    %eq3A_830 = vector.broadcast %eq3A_829 : i32 to vector<16xi32>
    %eq3A_831 = arith.cmpi eq, %iota3A, %eq3A_830 : vector<16xi32>
    %get3A_832 = arith.constant 25 : i32
    %get3A_833 = arith.index_cast %get3A_832 : i32 to index
    %get3A_834 = arith.constant 0 : index
    %get3A_835 = tpu.vector_load %arg15[%get3A_833, %get3A_834] {strides = array<i32>} : memref<32x16xf32, #tpu.memory_space<vmem>>, vector<16xf32>,
    %reduce_sum3A_836 = arith.constant true
    %reduce_sum3A_837 = vector.broadcast %reduce_sum3A_836 : i1 to vector<16xi1>
    %reduce_sum3A_838 = tpu.scan <sum>, %get3A_835 masked %reduce_sum3A_837 : vector<16xf32>, vector<16xi1> -> vector<16xf32>
    %reduce_sum3A_839 = vector.extract %reduce_sum3A_838[15] : f32 from vector<16xf32>
    %jit3A_840 = arith.constant 0.000000e+00 : f32
    %broadcast_in_dim3A_841 = vector.broadcast %reduce_sum3A_839 : f32 to vector<16xf32>
    %broadcast_in_dim3A_842 = vector.broadcast %jit3A_840 : f32 to vector<16xf32>
    %select_n3A_843 = arith.select %eq3A_831, %broadcast_in_dim3A_841, %broadcast_in_dim3A_842 : vector<16xi1>, vector<16xf32>
    %add3A_844 = arith.addf %add3A_812, %select_n3A_843 : vector<16xf32>
    %eq3A_845 = arith.constant 10 : i32
    %eq3A_846 = vector.broadcast %eq3A_845 : i32 to vector<16xi32>
    %eq3A_847 = arith.cmpi eq, %iota3A, %eq3A_846 : vector<16xi32>
    %get3A_848 = arith.constant 10 : i32
    %get3A_849 = arith.index_cast %get3A_848 : i32 to index
    %get3A_850 = arith.constant 0 : index
    %get3A_851 = tpu.vector_load %arg15[%get3A_849, %get3A_850] {strides = array<i32>} : memref<32x16xf32, #tpu.memory_space<vmem>>, vector<16xf32>,
    %reduce_sum3A_852 = arith.constant true
    %reduce_sum3A_853 = vector.broadcast %reduce_sum3A_852 : i1 to vector<16xi1>
    %reduce_sum3A_854 = tpu.scan <sum>, %get3A_851 masked %reduce_sum3A_853 : vector<16xf32>, vector<16xi1> -> vector<16xf32>
    %reduce_sum3A_855 = vector.extract %reduce_sum3A_854[15] : f32 from vector<16xf32>
    %jit3A_856 = arith.constant 0.000000e+00 : f32
    %broadcast_in_dim3A_857 = vector.broadcast %reduce_sum3A_855 : f32 to vector<16xf32>
    %broadcast_in_dim3A_858 = vector.broadcast %jit3A_856 : f32 to vector<16xf32>
    %select_n3A_859 = arith.select %eq3A_847, %broadcast_in_dim3A_857, %broadcast_in_dim3A_858 : vector<16xi1>, vector<16xf32>
    %add3A_860 = arith.addf %add3A_828, %select_n3A_859 : vector<16xf32>
    %eq3A_861 = arith.constant 10 : i32
    %eq3A_862 = vector.broadcast %eq3A_861 : i32 to vector<16xi32>
    %eq3A_863 = arith.cmpi eq, %iota3A, %eq3A_862 : vector<16xi32>
    %get3A_864 = arith.constant 26 : i32
    %get3A_865 = arith.index_cast %get3A_864 : i32 to index
    %get3A_866 = arith.constant 0 : index
    %get3A_867 = tpu.vector_load %arg15[%get3A_865, %get3A_866] {strides = array<i32>} : memref<32x16xf32, #tpu.memory_space<vmem>>, vector<16xf32>,
    %reduce_sum3A_868 = arith.constant true
    %reduce_sum3A_869 = vector.broadcast %reduce_sum3A_868 : i1 to vector<16xi1>
    %reduce_sum3A_870 = tpu.scan <sum>, %get3A_867 masked %reduce_sum3A_869 : vector<16xf32>, vector<16xi1> -> vector<16xf32>
    %reduce_sum3A_871 = vector.extract %reduce_sum3A_870[15] : f32 from vector<16xf32>
    %jit3A_872 = arith.constant 0.000000e+00 : f32
    %broadcast_in_dim3A_873 = vector.broadcast %reduce_sum3A_871 : f32 to vector<16xf32>
    %broadcast_in_dim3A_874 = vector.broadcast %jit3A_872 : f32 to vector<16xf32>
    %select_n3A_875 = arith.select %eq3A_863, %broadcast_in_dim3A_873, %broadcast_in_dim3A_874 : vector<16xi1>, vector<16xf32>
    %add3A_876 = arith.addf %add3A_844, %select_n3A_875 : vector<16xf32>
    %eq3A_877 = arith.constant 11 : i32
    %eq3A_878 = vector.broadcast %eq3A_877 : i32 to vector<16xi32>
    %eq3A_879 = arith.cmpi eq, %iota3A, %eq3A_878 : vector<16xi32>
    %get3A_880 = arith.constant 11 : i32
    %get3A_881 = arith.index_cast %get3A_880 : i32 to index
    %get3A_882 = arith.constant 0 : index
    %get3A_883 = tpu.vector_load %arg15[%get3A_881, %get3A_882] {strides = array<i32>} : memref<32x16xf32, #tpu.memory_space<vmem>>, vector<16xf32>,
    %reduce_sum3A_884 = arith.constant true
    %reduce_sum3A_885 = vector.broadcast %reduce_sum3A_884 : i1 to vector<16xi1>
    %reduce_sum3A_886 = tpu.scan <sum>, %get3A_883 masked %reduce_sum3A_885 : vector<16xf32>, vector<16xi1> -> vector<16xf32>
    %reduce_sum3A_887 = vector.extract %reduce_sum3A_886[15] : f32 from vector<16xf32>
    %jit3A_888 = arith.constant 0.000000e+00 : f32
    %broadcast_in_dim3A_889 = vector.broadcast %reduce_sum3A_887 : f32 to vector<16xf32>
    %broadcast_in_dim3A_890 = vector.broadcast %jit3A_888 : f32 to vector<16xf32>
    %select_n3A_891 = arith.select %eq3A_879, %broadcast_in_dim3A_889, %broadcast_in_dim3A_890 : vector<16xi1>, vector<16xf32>
    %add3A_892 = arith.addf %add3A_860, %select_n3A_891 : vector<16xf32>
    %eq3A_893 = arith.constant 11 : i32
    %eq3A_894 = vector.broadcast %eq3A_893 : i32 to vector<16xi32>
    %eq3A_895 = arith.cmpi eq, %iota3A, %eq3A_894 : vector<16xi32>
    %get3A_896 = arith.constant 27 : i32
    %get3A_897 = arith.index_cast %get3A_896 : i32 to index
    %get3A_898 = arith.constant 0 : index
    %get3A_899 = tpu.vector_load %arg15[%get3A_897, %get3A_898] {strides = array<i32>} : memref<32x16xf32, #tpu.memory_space<vmem>>, vector<16xf32>,
    %reduce_sum3A_900 = arith.constant true
    %reduce_sum3A_901 = vector.broadcast %reduce_sum3A_900 : i1 to vector<16xi1>
    %reduce_sum3A_902 = tpu.scan <sum>, %get3A_899 masked %reduce_sum3A_901 : vector<16xf32>, vector<16xi1> -> vector<16xf32>
    %reduce_sum3A_903 = vector.extract %reduce_sum3A_902[15] : f32 from vector<16xf32>
    %jit3A_904 = arith.constant 0.000000e+00 : f32
    %broadcast_in_dim3A_905 = vector.broadcast %reduce_sum3A_903 : f32 to vector<16xf32>
    %broadcast_in_dim3A_906 = vector.broadcast %jit3A_904 : f32 to vector<16xf32>
    %select_n3A_907 = arith.select %eq3A_895, %broadcast_in_dim3A_905, %broadcast_in_dim3A_906 : vector<16xi1>, vector<16xf32>
    %add3A_908 = arith.addf %add3A_876, %select_n3A_907 : vector<16xf32>
    %eq3A_909 = arith.constant 12 : i32
    %eq3A_910 = vector.broadcast %eq3A_909 : i32 to vector<16xi32>
    %eq3A_911 = arith.cmpi eq, %iota3A, %eq3A_910 : vector<16xi32>
    %get3A_912 = arith.constant 12 : i32
    %get3A_913 = arith.index_cast %get3A_912 : i32 to index
    %get3A_914 = arith.constant 0 : index
    %get3A_915 = tpu.vector_load %arg15[%get3A_913, %get3A_914] {strides = array<i32>} : memref<32x16xf32, #tpu.memory_space<vmem>>, vector<16xf32>,
    %reduce_sum3A_916 = arith.constant true
    %reduce_sum3A_917 = vector.broadcast %reduce_sum3A_916 : i1 to vector<16xi1>
    %reduce_sum3A_918 = tpu.scan <sum>, %get3A_915 masked %reduce_sum3A_917 : vector<16xf32>, vector<16xi1> -> vector<16xf32>
    %reduce_sum3A_919 = vector.extract %reduce_sum3A_918[15] : f32 from vector<16xf32>
    %jit3A_920 = arith.constant 0.000000e+00 : f32
    %broadcast_in_dim3A_921 = vector.broadcast %reduce_sum3A_919 : f32 to vector<16xf32>
    %broadcast_in_dim3A_922 = vector.broadcast %jit3A_920 : f32 to vector<16xf32>
    %select_n3A_923 = arith.select %eq3A_911, %broadcast_in_dim3A_921, %broadcast_in_dim3A_922 : vector<16xi1>, vector<16xf32>
    %add3A_924 = arith.addf %add3A_892, %select_n3A_923 : vector<16xf32>
    %eq3A_925 = arith.constant 12 : i32
    %eq3A_926 = vector.broadcast %eq3A_925 : i32 to vector<16xi32>
    %eq3A_927 = arith.cmpi eq, %iota3A, %eq3A_926 : vector<16xi32>
    %get3A_928 = arith.constant 28 : i32
    %get3A_929 = arith.index_cast %get3A_928 : i32 to index
    %get3A_930 = arith.constant 0 : index
    %get3A_931 = tpu.vector_load %arg15[%get3A_929, %get3A_930] {strides = array<i32>} : memref<32x16xf32, #tpu.memory_space<vmem>>, vector<16xf32>,
    %reduce_sum3A_932 = arith.constant true
    %reduce_sum3A_933 = vector.broadcast %reduce_sum3A_932 : i1 to vector<16xi1>
    %reduce_sum3A_934 = tpu.scan <sum>, %get3A_931 masked %reduce_sum3A_933 : vector<16xf32>, vector<16xi1> -> vector<16xf32>
    %reduce_sum3A_935 = vector.extract %reduce_sum3A_934[15] : f32 from vector<16xf32>
    %jit3A_936 = arith.constant 0.000000e+00 : f32
    %broadcast_in_dim3A_937 = vector.broadcast %reduce_sum3A_935 : f32 to vector<16xf32>
    %broadcast_in_dim3A_938 = vector.broadcast %jit3A_936 : f32 to vector<16xf32>
    %select_n3A_939 = arith.select %eq3A_927, %broadcast_in_dim3A_937, %broadcast_in_dim3A_938 : vector<16xi1>, vector<16xf32>
    %add3A_940 = arith.addf %add3A_908, %select_n3A_939 : vector<16xf32>
    %eq3A_941 = arith.constant 13 : i32
    %eq3A_942 = vector.broadcast %eq3A_941 : i32 to vector<16xi32>
    %eq3A_943 = arith.cmpi eq, %iota3A, %eq3A_942 : vector<16xi32>
    %get3A_944 = arith.constant 13 : i32
    %get3A_945 = arith.index_cast %get3A_944 : i32 to index
    %get3A_946 = arith.constant 0 : index
    %get3A_947 = tpu.vector_load %arg15[%get3A_945, %get3A_946] {strides = array<i32>} : memref<32x16xf32, #tpu.memory_space<vmem>>, vector<16xf32>,
    %reduce_sum3A_948 = arith.constant true
    %reduce_sum3A_949 = vector.broadcast %reduce_sum3A_948 : i1 to vector<16xi1>
    %reduce_sum3A_950 = tpu.scan <sum>, %get3A_947 masked %reduce_sum3A_949 : vector<16xf32>, vector<16xi1> -> vector<16xf32>
    %reduce_sum3A_951 = vector.extract %reduce_sum3A_950[15] : f32 from vector<16xf32>
    %jit3A_952 = arith.constant 0.000000e+00 : f32
    %broadcast_in_dim3A_953 = vector.broadcast %reduce_sum3A_951 : f32 to vector<16xf32>
    %broadcast_in_dim3A_954 = vector.broadcast %jit3A_952 : f32 to vector<16xf32>
    %select_n3A_955 = arith.select %eq3A_943, %broadcast_in_dim3A_953, %broadcast_in_dim3A_954 : vector<16xi1>, vector<16xf32>
    %add3A_956 = arith.addf %add3A_924, %select_n3A_955 : vector<16xf32>
    %eq3A_957 = arith.constant 13 : i32
    %eq3A_958 = vector.broadcast %eq3A_957 : i32 to vector<16xi32>
    %eq3A_959 = arith.cmpi eq, %iota3A, %eq3A_958 : vector<16xi32>
    %get3A_960 = arith.constant 29 : i32
    %get3A_961 = arith.index_cast %get3A_960 : i32 to index
    %get3A_962 = arith.constant 0 : index
    %get3A_963 = tpu.vector_load %arg15[%get3A_961, %get3A_962] {strides = array<i32>} : memref<32x16xf32, #tpu.memory_space<vmem>>, vector<16xf32>,
    %reduce_sum3A_964 = arith.constant true
    %reduce_sum3A_965 = vector.broadcast %reduce_sum3A_964 : i1 to vector<16xi1>
    %reduce_sum3A_966 = tpu.scan <sum>, %get3A_963 masked %reduce_sum3A_965 : vector<16xf32>, vector<16xi1> -> vector<16xf32>
    %reduce_sum3A_967 = vector.extract %reduce_sum3A_966[15] : f32 from vector<16xf32>
    %jit3A_968 = arith.constant 0.000000e+00 : f32
    %broadcast_in_dim3A_969 = vector.broadcast %reduce_sum3A_967 : f32 to vector<16xf32>
    %broadcast_in_dim3A_970 = vector.broadcast %jit3A_968 : f32 to vector<16xf32>
    %select_n3A_971 = arith.select %eq3A_959, %broadcast_in_dim3A_969, %broadcast_in_dim3A_970 : vector<16xi1>, vector<16xf32>
    %add3A_972 = arith.addf %add3A_940, %select_n3A_971 : vector<16xf32>
    %eq3A_973 = arith.constant 14 : i32
    %eq3A_974 = vector.broadcast %eq3A_973 : i32 to vector<16xi32>
    %eq3A_975 = arith.cmpi eq, %iota3A, %eq3A_974 : vector<16xi32>
    %get3A_976 = arith.constant 14 : i32
    %get3A_977 = arith.index_cast %get3A_976 : i32 to index
    %get3A_978 = arith.constant 0 : index
    %get3A_979 = tpu.vector_load %arg15[%get3A_977, %get3A_978] {strides = array<i32>} : memref<32x16xf32, #tpu.memory_space<vmem>>, vector<16xf32>,
    %reduce_sum3A_980 = arith.constant true
    %reduce_sum3A_981 = vector.broadcast %reduce_sum3A_980 : i1 to vector<16xi1>
    %reduce_sum3A_982 = tpu.scan <sum>, %get3A_979 masked %reduce_sum3A_981 : vector<16xf32>, vector<16xi1> -> vector<16xf32>
    %reduce_sum3A_983 = vector.extract %reduce_sum3A_982[15] : f32 from vector<16xf32>
    %jit3A_984 = arith.constant 0.000000e+00 : f32
    %broadcast_in_dim3A_985 = vector.broadcast %reduce_sum3A_983 : f32 to vector<16xf32>
    %broadcast_in_dim3A_986 = vector.broadcast %jit3A_984 : f32 to vector<16xf32>
    %select_n3A_987 = arith.select %eq3A_975, %broadcast_in_dim3A_985, %broadcast_in_dim3A_986 : vector<16xi1>, vector<16xf32>
    %add3A_988 = arith.addf %add3A_956, %select_n3A_987 : vector<16xf32>
    %eq3A_989 = arith.constant 14 : i32
    %eq3A_990 = vector.broadcast %eq3A_989 : i32 to vector<16xi32>
    %eq3A_991 = arith.cmpi eq, %iota3A, %eq3A_990 : vector<16xi32>
    %get3A_992 = arith.constant 30 : i32
    %get3A_993 = arith.index_cast %get3A_992 : i32 to index
    %get3A_994 = arith.constant 0 : index
    %get3A_995 = tpu.vector_load %arg15[%get3A_993, %get3A_994] {strides = array<i32>} : memref<32x16xf32, #tpu.memory_space<vmem>>, vector<16xf32>,
    %reduce_sum3A_996 = arith.constant true
    %reduce_sum3A_997 = vector.broadcast %reduce_sum3A_996 : i1 to vector<16xi1>
    %reduce_sum3A_998 = tpu.scan <sum>, %get3A_995 masked %reduce_sum3A_997 : vector<16xf32>, vector<16xi1> -> vector<16xf32>
    %reduce_sum3A_999 = vector.extract %reduce_sum3A_998[15] : f32 from vector<16xf32>
    %jit3A_1000 = arith.constant 0.000000e+00 : f32
    %broadcast_in_dim3A_1001 = vector.broadcast %reduce_sum3A_999 : f32 to vector<16xf32>
    %broadcast_in_dim3A_1002 = vector.broadcast %jit3A_1000 : f32 to vector<16xf32>
    %select_n3A_1003 = arith.select %eq3A_991, %broadcast_in_dim3A_1001, %broadcast_in_dim3A_1002 : vector<16xi1>, vector<16xf32>
    %add3A_1004 = arith.addf %add3A_972, %select_n3A_1003 : vector<16xf32>
    %eq3A_1005 = arith.constant 15 : i32
    %eq3A_1006 = vector.broadcast %eq3A_1005 : i32 to vector<16xi32>
    %eq3A_1007 = arith.cmpi eq, %iota3A, %eq3A_1006 : vector<16xi32>
    %get3A_1008 = arith.constant 15 : i32
    %get3A_1009 = arith.index_cast %get3A_1008 : i32 to index
    %get3A_1010 = arith.constant 0 : index
    %get3A_1011 = tpu.vector_load %arg15[%get3A_1009, %get3A_1010] {strides = array<i32>} : memref<32x16xf32, #tpu.memory_space<vmem>>, vector<16xf32>,
    %reduce_sum3A_1012 = arith.constant true
    %reduce_sum3A_1013 = vector.broadcast %reduce_sum3A_1012 : i1 to vector<16xi1>
    %reduce_sum3A_1014 = tpu.scan <sum>, %get3A_1011 masked %reduce_sum3A_1013 : vector<16xf32>, vector<16xi1> -> vector<16xf32>
    %reduce_sum3A_1015 = vector.extract %reduce_sum3A_1014[15] : f32 from vector<16xf32>
    %jit3A_1016 = arith.constant 0.000000e+00 : f32
    %broadcast_in_dim3A_1017 = vector.broadcast %reduce_sum3A_1015 : f32 to vector<16xf32>
    %broadcast_in_dim3A_1018 = vector.broadcast %jit3A_1016 : f32 to vector<16xf32>
    %select_n3A_1019 = arith.select %eq3A_1007, %broadcast_in_dim3A_1017, %broadcast_in_dim3A_1018 : vector<16xi1>, vector<16xf32>
    %add3A_1020 = arith.addf %add3A_988, %select_n3A_1019 : vector<16xf32>
    %eq3A_1021 = arith.constant 15 : i32
    %eq3A_1022 = vector.broadcast %eq3A_1021 : i32 to vector<16xi32>
    %eq3A_1023 = arith.cmpi eq, %iota3A, %eq3A_1022 : vector<16xi32>
    %get3A_1024 = arith.constant 31 : i32
    %get3A_1025 = arith.index_cast %get3A_1024 : i32 to index
    %get3A_1026 = arith.constant 0 : index
    %get3A_1027 = tpu.vector_load %arg15[%get3A_1025, %get3A_1026] {strides = array<i32>} : memref<32x16xf32, #tpu.memory_space<vmem>>, vector<16xf32>,
    %reduce_sum3A_1028 = arith.constant true
    %reduce_sum3A_1029 = vector.broadcast %reduce_sum3A_1028 : i1 to vector<16xi1>
    %reduce_sum3A_1030 = tpu.scan <sum>, %get3A_1027 masked %reduce_sum3A_1029 : vector<16xf32>, vector<16xi1> -> vector<16xf32>
    %reduce_sum3A_1031 = vector.extract %reduce_sum3A_1030[15] : f32 from vector<16xf32>
    %jit3A_1032 = arith.constant 0.000000e+00 : f32
    %broadcast_in_dim3A_1033 = vector.broadcast %reduce_sum3A_1031 : f32 to vector<16xf32>
    %broadcast_in_dim3A_1034 = vector.broadcast %jit3A_1032 : f32 to vector<16xf32>
    %select_n3A_1035 = arith.select %eq3A_1023, %broadcast_in_dim3A_1033, %broadcast_in_dim3A_1034 : vector<16xi1>, vector<16xf32>
    %add3A_1036 = arith.addf %add3A_1004, %select_n3A_1035 : vector<16xf32>
    %swap3A_1037 = arith.constant 0 : index
    %swap3A_1038 = tpu.vector_load %arg16[%swap3A_1037] {strides = array<i32>} : memref<48xf32, #tpu.memory_space<vmem>>, vector<16xf32>,
    tpu.vector_store %arg16[%swap3A_1037], %add3A_1020 {strides = array<i32>} : memref<48xf32, #tpu.memory_space<vmem>>, vector<16xf32>,
    %swap3A_1039 = arith.constant 16 : index
    %swap3A_1040 = tpu.vector_load %arg16[%swap3A_1039] {strides = array<i32>} : memref<48xf32, #tpu.memory_space<vmem>>, vector<16xf32>,
    tpu.vector_store %arg16[%swap3A_1039], %add3A_1036 {strides = array<i32>} : memref<48xf32, #tpu.memory_space<vmem>>, vector<16xf32>,
    %eq3A_1041 = arith.constant 0 : i32
    %eq3A_1042 = vector.broadcast %eq3A_1041 : i32 to vector<16xi32>
    %eq3A_1043 = arith.cmpi eq, %iota3A, %eq3A_1042 : vector<16xi32>
    %jit3A_1044 = arith.constant 0.000000e+00 : f32
    %broadcast_in_dim3A_1045 = vector.broadcast %reduce_sum3A_520 : f32 to vector<16xf32>
    %broadcast_in_dim3A_1046 = vector.broadcast %jit3A_1044 : f32 to vector<16xf32>
    %select_n3A_1047 = arith.select %eq3A_1043, %broadcast_in_dim3A_1045, %broadcast_in_dim3A_1046 : vector<16xi1>, vector<16xf32>
    %swap3A_1048 = arith.constant 32 : index
    %swap3A_1049 = tpu.vector_load %arg16[%swap3A_1048] {strides = array<i32>} : memref<48xf32, #tpu.memory_space<vmem>>, vector<16xf32>,
    tpu.vector_store %arg16[%swap3A_1048], %select_n3A_1047 {strides = array<i32>} : memref<48xf32, #tpu.memory_space<vmem>>, vector<16xf32>,
    %mul3A_1050 = arith.constant 2 : i32
    %mul3A_1051 = arith.muli %add3A, %mul3A_1050 : i32
    %add3A_1052 = arith.addi %mul3A_1051, %select_n3A_30 : i32
    "tpu.region"() ({
      %run_scoped3A_1053 = tpu.sem_alloc : memref<!tpu.dma_semaphore, #tpu.memory_space<semaphore_mem>>
      %dma_start3A = arith.constant 0 : i32
      %dma_start3A_1054 = tpu.memref_slice %arg8[%add3A_1052, %dma_start3A] : memref<32x48xf32, #tpu.memory_space<hbm>> -> memref<1x48xf32, #tpu.memory_space<hbm>>
      %dma_start3A_1055 = tpu.memref_squeeze %dma_start3A_1054 : memref<1x48xf32, #tpu.memory_space<hbm>> -> memref<48xf32, #tpu.memory_space<hbm>>
      %dma_start3A_1056 = arith.constant 0 : i32
      %dma_start3A_1057 = tpu.memref_slice %arg8[%add3A_1052, %dma_start3A_1056] : memref<32x48xf32, #tpu.memory_space<hbm>> -> memref<1x48xf32, #tpu.memory_space<hbm>>
      %dma_start3A_1058 = tpu.memref_squeeze %dma_start3A_1057 : memref<1x48xf32, #tpu.memory_space<hbm>> -> memref<48xf32, #tpu.memory_space<hbm>>
      tpu.enqueue_dma source(%arg16 : memref<48xf32, #tpu.memory_space<vmem>>) target(%dma_start3A_1058 : memref<48xf32, #tpu.memory_space<hbm>>) target_semaphore(%run_scoped3A_1053 : memref<!tpu.dma_semaphore, #tpu.memory_space<semaphore_mem>>)
      %dma_wait3A = arith.constant 0 : i32
      %dma_wait3A_1059 = tpu.memref_slice %arg8[%add3A_1052, %dma_wait3A] : memref<32x48xf32, #tpu.memory_space<hbm>> -> memref<1x48xf32, #tpu.memory_space<hbm>>
      %dma_wait3A_1060 = tpu.memref_squeeze %dma_wait3A_1059 : memref<1x48xf32, #tpu.memory_space<hbm>> -> memref<48xf32, #tpu.memory_space<hbm>>
      %dma_wait3A_1061 = arith.constant 0 : i32
      %dma_wait3A_1062 = tpu.memref_slice %arg8[%add3A_1052, %dma_wait3A_1061] : memref<32x48xf32, #tpu.memory_space<hbm>> -> memref<1x48xf32, #tpu.memory_space<hbm>>
      %dma_wait3A_1063 = tpu.memref_squeeze %dma_wait3A_1062 : memref<1x48xf32, #tpu.memory_space<hbm>> -> memref<48xf32, #tpu.memory_space<hbm>>
      tpu.wait_dma2 semaphore(%run_scoped3A_1053 : memref<!tpu.dma_semaphore, #tpu.memory_space<semaphore_mem>>) src(%arg16 : memref<48xf32, #tpu.memory_space<vmem>>) dst(%dma_wait3A_1063 : memref<48xf32, #tpu.memory_space<hbm>>)
      tpu.yield
    }) : () -> ()
    return
  }
}

#map = affine_map<(d0, d1) -> (0, 0)>
#map1 = affine_map<(d0, d1) -> (0)>
module attributes {stable_mosaic.version = 14 : i64} {
  func.func @_sc_k3(%arg0: i32, %arg1: i32, %arg2: memref<32x48xf32, #tpu.memory_space<hbm>>, %arg3: memref<16xi32, #tpu.memory_space<hbm>>, %arg4: memref<16x32xf32, #tpu.memory_space<hbm>>, %arg5: memref<48xf32, #tpu.memory_space<vmem>>, %arg6: memref<48xf32, #tpu.memory_space<vmem>>, %arg7: memref<16xi32, #tpu.memory_space<vmem>>, %arg8: memref<32xf32, #tpu.memory_space<vmem>>) attributes {dimension_semantics = [#tpu.dimension_semantics<core_parallel>, #tpu.dimension_semantics<subcore_parallel>], iteration_bounds = array<i64: 2, 16>, scalar_prefetch = 0 : i64, scratch_operands = 4 : i64, tpu.core_type = #tpu.core_type<sc_vector_subcore>, window_params = [{transform_indices = #map}, {transform_indices = #map1}, {transform_indices = #map}]} {
    %mul3A = arith.constant 8 : i32
    %mul3A_0 = arith.muli %arg0, %mul3A : i32
    %jit3A = arith.constant 2 : i32
    %div3A = arith.divsi %arg1, %jit3A : i32
    %sign3A = arith.constant 0 : i32
    %sign3A_1 = arith.cmpi sgt, %arg1, %sign3A : i32
    %sign3A_2 = arith.extui %sign3A_1 : i1 to i32
    %sign3A_3 = arith.constant 0 : i32
    %sign3A_4 = arith.cmpi slt, %arg1, %sign3A_3 : i32
    %sign3A_5 = arith.extui %sign3A_4 : i1 to i32
    %sign3A_6 = arith.subi %sign3A_2, %sign3A_5 : i32
    %sign3A_7 = arith.constant 0 : i32
    %sign3A_8 = arith.cmpi sgt, %jit3A, %sign3A_7 : i32
    %sign3A_9 = arith.extui %sign3A_8 : i1 to i32
    %sign3A_10 = arith.constant 0 : i32
    %sign3A_11 = arith.cmpi slt, %jit3A, %sign3A_10 : i32
    %sign3A_12 = arith.extui %sign3A_11 : i1 to i32
    %sign3A_13 = arith.subi %sign3A_9, %sign3A_12 : i32
    %ne3A = arith.cmpi ne, %sign3A_6, %sign3A_13 : i32
    %rem3A = arith.remsi %arg1, %jit3A : i32
    %ne3A_14 = arith.constant 0 : i32
    %ne3A_15 = arith.cmpi ne, %rem3A, %ne3A_14 : i32
    %and3A = arith.andi %ne3A, %ne3A_15 : i1
    %sub3A = arith.constant 1 : i32
    %sub3A_16 = arith.subi %div3A, %sub3A : i32
    %select_n3A = arith.select %and3A, %sub3A_16, %div3A : i32
    %add3A = arith.addi %mul3A_0, %select_n3A : i32
    %jit3A_17 = arith.constant 2 : i32
    %eq3A = arith.constant 0 : i32
    %eq3A_18 = arith.cmpi eq, %jit3A_17, %eq3A : i32
    %jit3A_19 = arith.constant 1 : i32
    %select_n3A_20 = arith.select %eq3A_18, %jit3A_19, %jit3A_17 : i32
    %rem3A_21 = arith.remsi %arg1, %select_n3A_20 : i32
    %ne3A_22 = arith.constant 0 : i32
    %ne3A_23 = arith.cmpi ne, %rem3A_21, %ne3A_22 : i32
    %lt3A = arith.constant 0 : i32
    %lt3A_24 = arith.cmpi slt, %rem3A_21, %lt3A : i32
    %lt3A_25 = arith.constant 0 : i32
    %lt3A_26 = arith.cmpi slt, %select_n3A_20, %lt3A_25 : i32
    %ne3A_27 = arith.xori %lt3A_24, %lt3A_26 : i1
    %and3A_28 = arith.andi %ne3A_27, %ne3A_23 : i1
    %add3A_29 = arith.addi %rem3A_21, %select_n3A_20 : i32
    %select_n3A_30 = arith.select %and3A_28, %add3A_29, %rem3A_21 : i32
    %eq3A_31 = arith.constant 0 : i32
    %eq3A_32 = arith.cmpi eq, %select_n3A_30, %eq3A_31 : i32
    %convert_element_type3A = arith.extui %eq3A_32 : i1 to i32
    %cond3A = arith.constant 0 : i32
    %cond3A_33 = arith.cmpi ne, %convert_element_type3A, %cond3A : i32
    scf.if %cond3A_33 {
      %mul3A_34 = arith.constant 2 : i32
      %mul3A_35 = arith.muli %add3A, %mul3A_34 : i32
      "tpu.region"() ({
        %run_scoped3A = tpu.sem_alloc : memref<!tpu.dma_semaphore, #tpu.memory_space<semaphore_mem>>
        %dma_start3A = arith.constant 0 : i32
        %dma_start3A_195 = tpu.memref_slice %arg2[%mul3A_35, %dma_start3A] : memref<32x48xf32, #tpu.memory_space<hbm>> -> memref<1x48xf32, #tpu.memory_space<hbm>>
        %dma_start3A_196 = tpu.memref_squeeze %dma_start3A_195 : memref<1x48xf32, #tpu.memory_space<hbm>> -> memref<48xf32, #tpu.memory_space<hbm>>
        %dma_start3A_197 = arith.constant 0 : i32
        %dma_start3A_198 = tpu.memref_slice %arg2[%mul3A_35, %dma_start3A_197] : memref<32x48xf32, #tpu.memory_space<hbm>> -> memref<1x48xf32, #tpu.memory_space<hbm>>
        %dma_start3A_199 = tpu.memref_squeeze %dma_start3A_198 : memref<1x48xf32, #tpu.memory_space<hbm>> -> memref<48xf32, #tpu.memory_space<hbm>>
        tpu.enqueue_dma source(%dma_start3A_199 : memref<48xf32, #tpu.memory_space<hbm>>) target(%arg5 : memref<48xf32, #tpu.memory_space<vmem>>) target_semaphore(%run_scoped3A : memref<!tpu.dma_semaphore, #tpu.memory_space<semaphore_mem>>)
        %dma_wait3A = arith.constant 0 : i32
        %dma_wait3A_200 = tpu.memref_slice %arg2[%mul3A_35, %dma_wait3A] : memref<32x48xf32, #tpu.memory_space<hbm>> -> memref<1x48xf32, #tpu.memory_space<hbm>>
        %dma_wait3A_201 = tpu.memref_squeeze %dma_wait3A_200 : memref<1x48xf32, #tpu.memory_space<hbm>> -> memref<48xf32, #tpu.memory_space<hbm>>
        %dma_wait3A_202 = arith.constant 0 : i32
        %dma_wait3A_203 = tpu.memref_slice %arg2[%mul3A_35, %dma_wait3A_202] : memref<32x48xf32, #tpu.memory_space<hbm>> -> memref<1x48xf32, #tpu.memory_space<hbm>>
        %dma_wait3A_204 = tpu.memref_squeeze %dma_wait3A_203 : memref<1x48xf32, #tpu.memory_space<hbm>> -> memref<48xf32, #tpu.memory_space<hbm>>
        tpu.wait_dma2 semaphore(%run_scoped3A : memref<!tpu.dma_semaphore, #tpu.memory_space<semaphore_mem>>) src(%dma_wait3A_204 : memref<48xf32, #tpu.memory_space<hbm>>) dst(%arg5 : memref<48xf32, #tpu.memory_space<vmem>>)
        tpu.yield
      }) : () -> ()
      %mul3A_36 = arith.constant 2 : i32
      %mul3A_37 = arith.muli %add3A, %mul3A_36 : i32
      %add3A_38 = arith.constant 1 : i32
      %add3A_39 = arith.addi %mul3A_37, %add3A_38 : i32
      "tpu.region"() ({
        %run_scoped3A = tpu.sem_alloc : memref<!tpu.dma_semaphore, #tpu.memory_space<semaphore_mem>>
        %dma_start3A = arith.constant 0 : i32
        %dma_start3A_195 = tpu.memref_slice %arg2[%add3A_39, %dma_start3A] : memref<32x48xf32, #tpu.memory_space<hbm>> -> memref<1x48xf32, #tpu.memory_space<hbm>>
        %dma_start3A_196 = tpu.memref_squeeze %dma_start3A_195 : memref<1x48xf32, #tpu.memory_space<hbm>> -> memref<48xf32, #tpu.memory_space<hbm>>
        %dma_start3A_197 = arith.constant 0 : i32
        %dma_start3A_198 = tpu.memref_slice %arg2[%add3A_39, %dma_start3A_197] : memref<32x48xf32, #tpu.memory_space<hbm>> -> memref<1x48xf32, #tpu.memory_space<hbm>>
        %dma_start3A_199 = tpu.memref_squeeze %dma_start3A_198 : memref<1x48xf32, #tpu.memory_space<hbm>> -> memref<48xf32, #tpu.memory_space<hbm>>
        tpu.enqueue_dma source(%dma_start3A_199 : memref<48xf32, #tpu.memory_space<hbm>>) target(%arg6 : memref<48xf32, #tpu.memory_space<vmem>>) target_semaphore(%run_scoped3A : memref<!tpu.dma_semaphore, #tpu.memory_space<semaphore_mem>>)
        %dma_wait3A = arith.constant 0 : i32
        %dma_wait3A_200 = tpu.memref_slice %arg2[%add3A_39, %dma_wait3A] : memref<32x48xf32, #tpu.memory_space<hbm>> -> memref<1x48xf32, #tpu.memory_space<hbm>>
        %dma_wait3A_201 = tpu.memref_squeeze %dma_wait3A_200 : memref<1x48xf32, #tpu.memory_space<hbm>> -> memref<48xf32, #tpu.memory_space<hbm>>
        %dma_wait3A_202 = arith.constant 0 : i32
        %dma_wait3A_203 = tpu.memref_slice %arg2[%add3A_39, %dma_wait3A_202] : memref<32x48xf32, #tpu.memory_space<hbm>> -> memref<1x48xf32, #tpu.memory_space<hbm>>
        %dma_wait3A_204 = tpu.memref_squeeze %dma_wait3A_203 : memref<1x48xf32, #tpu.memory_space<hbm>> -> memref<48xf32, #tpu.memory_space<hbm>>
        tpu.wait_dma2 semaphore(%run_scoped3A : memref<!tpu.dma_semaphore, #tpu.memory_space<semaphore_mem>>) src(%dma_wait3A_204 : memref<48xf32, #tpu.memory_space<hbm>>) dst(%arg6 : memref<48xf32, #tpu.memory_space<vmem>>)
        tpu.yield
      }) : () -> ()
      "tpu.region"() ({
        %run_scoped3A = tpu.sem_alloc : memref<!tpu.dma_semaphore, #tpu.memory_space<semaphore_mem>>
        tpu.enqueue_dma source(%arg3 : memref<16xi32, #tpu.memory_space<hbm>>) target(%arg7 : memref<16xi32, #tpu.memory_space<vmem>>) target_semaphore(%run_scoped3A : memref<!tpu.dma_semaphore, #tpu.memory_space<semaphore_mem>>)
        tpu.wait_dma2 semaphore(%run_scoped3A : memref<!tpu.dma_semaphore, #tpu.memory_space<semaphore_mem>>) src(%arg3 : memref<16xi32, #tpu.memory_space<hbm>>) dst(%arg7 : memref<16xi32, #tpu.memory_space<vmem>>)
        tpu.yield
      }) : () -> ()
      %get3A = arith.constant 0 : index
      %get3A_40 = tpu.vector_load %arg7[%get3A] {strides = array<i32>} : memref<16xi32, #tpu.memory_space<vmem>>, vector<16xi32>,
      %iota3A = tpu.iota {dimensions = array<i32: 0>} : vector<16xi32>
      %eq3A_41 = vector.broadcast %add3A : i32 to vector<16xi32>
      %eq3A_42 = arith.cmpi eq, %iota3A, %eq3A_41 : vector<16xi32>
      %jit3A_43 = arith.constant 0 : i32
      %broadcast_in_dim3A = vector.broadcast %jit3A_43 : i32 to vector<16xi32>
      %select_n3A_44 = arith.select %eq3A_42, %get3A_40, %broadcast_in_dim3A : vector<16xi1>, vector<16xi32>
      %reduce_sum3A = arith.constant true
      %reduce_sum3A_45 = vector.broadcast %reduce_sum3A : i1 to vector<16xi1>
      %reduce_sum3A_46 = tpu.scan <sum>, %select_n3A_44 masked %reduce_sum3A_45 : vector<16xi32>, vector<16xi1> -> vector<16xi32>
      %reduce_sum3A_47 = vector.extract %reduce_sum3A_46[15] : i32 from vector<16xi32>
      %get3A_48 = arith.constant 0 : index
      %get3A_49 = tpu.vector_load %arg5[%get3A_48] {strides = array<i32>} : memref<48xf32, #tpu.memory_space<vmem>>, vector<16xf32>,
      %get3A_50 = arith.constant 0 : index
      %get3A_51 = tpu.vector_load %arg6[%get3A_50] {strides = array<i32>} : memref<48xf32, #tpu.memory_space<vmem>>, vector<16xf32>,
      %add3A_52 = arith.addf %get3A_49, %get3A_51 : vector<16xf32>
      %get3A_53 = arith.constant 16 : index
      %get3A_54 = tpu.vector_load %arg5[%get3A_53] {strides = array<i32>} : memref<48xf32, #tpu.memory_space<vmem>>, vector<16xf32>,
      %get3A_55 = arith.constant 16 : index
      %get3A_56 = tpu.vector_load %arg6[%get3A_55] {strides = array<i32>} : memref<48xf32, #tpu.memory_space<vmem>>, vector<16xf32>,
      %add3A_57 = arith.addf %get3A_54, %get3A_56 : vector<16xf32>
      %get3A_58 = arith.constant 32 : index
      %get3A_59 = tpu.vector_load %arg5[%get3A_58] {strides = array<i32>} : memref<48xf32, #tpu.memory_space<vmem>>, vector<16xf32>,
      %iota3A_60 = tpu.iota {dimensions = array<i32: 0>} : vector<16xi32>
      %eq3A_61 = arith.constant 0 : i32
      %eq3A_62 = vector.broadcast %eq3A_61 : i32 to vector<16xi32>
      %eq3A_63 = arith.cmpi eq, %iota3A_60, %eq3A_62 : vector<16xi32>
      %jit3A_64 = arith.constant 0.000000e+00 : f32
      %broadcast_in_dim3A_65 = vector.broadcast %jit3A_64 : f32 to vector<16xf32>
      %select_n3A_66 = arith.select %eq3A_63, %get3A_59, %broadcast_in_dim3A_65 : vector<16xi1>, vector<16xf32>
      %reduce_sum3A_67 = arith.constant true
      %reduce_sum3A_68 = vector.broadcast %reduce_sum3A_67 : i1 to vector<16xi1>
      %reduce_sum3A_69 = tpu.scan <sum>, %select_n3A_66 masked %reduce_sum3A_68 : vector<16xf32>, vector<16xi1> -> vector<16xf32>
      %reduce_sum3A_70 = vector.extract %reduce_sum3A_69[15] : f32 from vector<16xf32>
      %get3A_71 = arith.constant 32 : index
      %get3A_72 = tpu.vector_load %arg6[%get3A_71] {strides = array<i32>} : memref<48xf32, #tpu.memory_space<vmem>>, vector<16xf32>,
      %iota3A_73 = tpu.iota {dimensions = array<i32: 0>} : vector<16xi32>
      %eq3A_74 = arith.constant 0 : i32
      %eq3A_75 = vector.broadcast %eq3A_74 : i32 to vector<16xi32>
      %eq3A_76 = arith.cmpi eq, %iota3A_73, %eq3A_75 : vector<16xi32>
      %jit3A_77 = arith.constant 0.000000e+00 : f32
      %broadcast_in_dim3A_78 = vector.broadcast %jit3A_77 : f32 to vector<16xf32>
      %select_n3A_79 = arith.select %eq3A_76, %get3A_72, %broadcast_in_dim3A_78 : vector<16xi1>, vector<16xf32>
      %reduce_sum3A_80 = arith.constant true
      %reduce_sum3A_81 = vector.broadcast %reduce_sum3A_80 : i1 to vector<16xi1>
      %reduce_sum3A_82 = tpu.scan <sum>, %select_n3A_79 masked %reduce_sum3A_81 : vector<16xf32>, vector<16xi1> -> vector<16xf32>
      %reduce_sum3A_83 = vector.extract %reduce_sum3A_82[15] : f32 from vector<16xf32>
      %add3A_84 = arith.addf %reduce_sum3A_70, %reduce_sum3A_83 : f32
      %convert_element_type3A_85 = arith.sitofp %reduce_sum3A_47 : i32 to f32
      %mul3A_86 = arith.mulf %add3A_84, %convert_element_type3A_85 : f32
      %broadcast_in_dim3A_87 = vector.broadcast %mul3A_86 : f32 to vector<16xf32>
      %bitcast3A = vector.bitcast %broadcast_in_dim3A_87 : vector<16xf32> to vector<16xi32>
      %shift_right_arithmetic3A = arith.constant 1 : i32
      %shift_right_arithmetic3A_88 = vector.broadcast %shift_right_arithmetic3A : i32 to vector<16xi32>
      %shift_right_arithmetic3A_89 = arith.shrsi %bitcast3A, %shift_right_arithmetic3A_88 : vector<16xi32>
      %sub3A_90 = arith.constant 1597463007 : i32
      %sub3A_91 = vector.broadcast %sub3A_90 : i32 to vector<16xi32>
      %sub3A_92 = arith.subi %sub3A_91, %shift_right_arithmetic3A_89 : vector<16xi32>
      %bitcast3A_93 = vector.bitcast %sub3A_92 : vector<16xi32> to vector<16xf32>
      %mul3A_94 = arith.constant 5.000000e-01 : f32
      %mul3A_95 = vector.broadcast %mul3A_94 : f32 to vector<16xf32>
      %mul3A_96 = arith.mulf %mul3A_95, %broadcast_in_dim3A_87 : vector<16xf32>
      %mul3A_97 = arith.mulf %mul3A_96, %bitcast3A_93 : vector<16xf32>
      %mul3A_98 = arith.mulf %mul3A_97, %bitcast3A_93 : vector<16xf32>
      %sub3A_99 = arith.constant 1.500000e+00 : f32
      %sub3A_100 = vector.broadcast %sub3A_99 : f32 to vector<16xf32>
      %sub3A_101 = arith.subf %sub3A_100, %mul3A_98 : vector<16xf32>
      %mul3A_102 = arith.mulf %bitcast3A_93, %sub3A_101 : vector<16xf32>
      %mul3A_103 = arith.constant 5.000000e-01 : f32
      %mul3A_104 = vector.broadcast %mul3A_103 : f32 to vector<16xf32>
      %mul3A_105 = arith.mulf %mul3A_104, %broadcast_in_dim3A_87 : vector<16xf32>
      %mul3A_106 = arith.mulf %mul3A_105, %mul3A_102 : vector<16xf32>
      %mul3A_107 = arith.mulf %mul3A_106, %mul3A_102 : vector<16xf32>
      %sub3A_108 = arith.constant 1.500000e+00 : f32
      %sub3A_109 = vector.broadcast %sub3A_108 : f32 to vector<16xf32>
      %sub3A_110 = arith.subf %sub3A_109, %mul3A_107 : vector<16xf32>
      %mul3A_111 = arith.mulf %mul3A_102, %sub3A_110 : vector<16xf32>
      %mul3A_112 = arith.constant 5.000000e-01 : f32
      %mul3A_113 = vector.broadcast %mul3A_112 : f32 to vector<16xf32>
      %mul3A_114 = arith.mulf %mul3A_113, %broadcast_in_dim3A_87 : vector<16xf32>
      %mul3A_115 = arith.mulf %mul3A_114, %mul3A_111 : vector<16xf32>
      %mul3A_116 = arith.mulf %mul3A_115, %mul3A_111 : vector<16xf32>
      %sub3A_117 = arith.constant 1.500000e+00 : f32
      %sub3A_118 = vector.broadcast %sub3A_117 : f32 to vector<16xf32>
      %sub3A_119 = arith.subf %sub3A_118, %mul3A_116 : vector<16xf32>
      %mul3A_120 = arith.mulf %mul3A_111, %sub3A_119 : vector<16xf32>
      %mul3A_121 = arith.constant 5.000000e-01 : f32
      %mul3A_122 = vector.broadcast %mul3A_121 : f32 to vector<16xf32>
      %mul3A_123 = arith.mulf %mul3A_122, %broadcast_in_dim3A_87 : vector<16xf32>
      %mul3A_124 = arith.mulf %mul3A_123, %mul3A_120 : vector<16xf32>
      %mul3A_125 = arith.mulf %mul3A_124, %mul3A_120 : vector<16xf32>
      %sub3A_126 = arith.constant 1.500000e+00 : f32
      %sub3A_127 = vector.broadcast %sub3A_126 : f32 to vector<16xf32>
      %sub3A_128 = arith.subf %sub3A_127, %mul3A_125 : vector<16xf32>
      %mul3A_129 = arith.mulf %mul3A_120, %sub3A_128 : vector<16xf32>
      %mul3A_130 = arith.mulf %mul3A_129, %mul3A_129 : vector<16xf32>
      %mul3A_131 = arith.mulf %add3A_52, %mul3A_130 : vector<16xf32>
      %mul3A_132 = arith.mulf %add3A_57, %mul3A_130 : vector<16xf32>
      %mul3A_133 = arith.mulf %mul3A_131, %mul3A_131 : vector<16xf32>
      %reduce_sum3A_134 = arith.constant true
      %reduce_sum3A_135 = vector.broadcast %reduce_sum3A_134 : i1 to vector<16xi1>
      %reduce_sum3A_136 = tpu.scan <sum>, %mul3A_133 masked %reduce_sum3A_135 : vector<16xf32>, vector<16xi1> -> vector<16xf32>
      %reduce_sum3A_137 = vector.extract %reduce_sum3A_136[15] : f32 from vector<16xf32>
      %mul3A_138 = arith.mulf %mul3A_132, %mul3A_132 : vector<16xf32>
      %reduce_sum3A_139 = arith.constant true
      %reduce_sum3A_140 = vector.broadcast %reduce_sum3A_139 : i1 to vector<16xi1>
      %reduce_sum3A_141 = tpu.scan <sum>, %mul3A_138 masked %reduce_sum3A_140 : vector<16xf32>, vector<16xi1> -> vector<16xf32>
      %reduce_sum3A_142 = vector.extract %reduce_sum3A_141[15] : f32 from vector<16xf32>
      %add3A_143 = arith.addf %reduce_sum3A_137, %reduce_sum3A_142 : f32
      %max3A = arith.constant 1.000000e-24 : f32
      %max3A_144 = arith.maximumf %add3A_143, %max3A : f32
      %broadcast_in_dim3A_145 = vector.broadcast %max3A_144 : f32 to vector<16xf32>
      %bitcast3A_146 = vector.bitcast %broadcast_in_dim3A_145 : vector<16xf32> to vector<16xi32>
      %shift_right_arithmetic3A_147 = arith.constant 1 : i32
      %shift_right_arithmetic3A_148 = vector.broadcast %shift_right_arithmetic3A_147 : i32 to vector<16xi32>
      %shift_right_arithmetic3A_149 = arith.shrsi %bitcast3A_146, %shift_right_arithmetic3A_148 : vector<16xi32>
      %sub3A_150 = arith.constant 1597463007 : i32
      %sub3A_151 = vector.broadcast %sub3A_150 : i32 to vector<16xi32>
      %sub3A_152 = arith.subi %sub3A_151, %shift_right_arithmetic3A_149 : vector<16xi32>
      %bitcast3A_153 = vector.bitcast %sub3A_152 : vector<16xi32> to vector<16xf32>
      %mul3A_154 = arith.constant 5.000000e-01 : f32
      %mul3A_155 = vector.broadcast %mul3A_154 : f32 to vector<16xf32>
      %mul3A_156 = arith.mulf %mul3A_155, %broadcast_in_dim3A_145 : vector<16xf32>
      %mul3A_157 = arith.mulf %mul3A_156, %bitcast3A_153 : vector<16xf32>
      %mul3A_158 = arith.mulf %mul3A_157, %bitcast3A_153 : vector<16xf32>
      %sub3A_159 = arith.constant 1.500000e+00 : f32
      %sub3A_160 = vector.broadcast %sub3A_159 : f32 to vector<16xf32>
      %sub3A_161 = arith.subf %sub3A_160, %mul3A_158 : vector<16xf32>
      %mul3A_162 = arith.mulf %bitcast3A_153, %sub3A_161 : vector<16xf32>
      %mul3A_163 = arith.constant 5.000000e-01 : f32
      %mul3A_164 = vector.broadcast %mul3A_163 : f32 to vector<16xf32>
      %mul3A_165 = arith.mulf %mul3A_164, %broadcast_in_dim3A_145 : vector<16xf32>
      %mul3A_166 = arith.mulf %mul3A_165, %mul3A_162 : vector<16xf32>
      %mul3A_167 = arith.mulf %mul3A_166, %mul3A_162 : vector<16xf32>
      %sub3A_168 = arith.constant 1.500000e+00 : f32
      %sub3A_169 = vector.broadcast %sub3A_168 : f32 to vector<16xf32>
      %sub3A_170 = arith.subf %sub3A_169, %mul3A_167 : vector<16xf32>
      %mul3A_171 = arith.mulf %mul3A_162, %sub3A_170 : vector<16xf32>
      %mul3A_172 = arith.constant 5.000000e-01 : f32
      %mul3A_173 = vector.broadcast %mul3A_172 : f32 to vector<16xf32>
      %mul3A_174 = arith.mulf %mul3A_173, %broadcast_in_dim3A_145 : vector<16xf32>
      %mul3A_175 = arith.mulf %mul3A_174, %mul3A_171 : vector<16xf32>
      %mul3A_176 = arith.mulf %mul3A_175, %mul3A_171 : vector<16xf32>
      %sub3A_177 = arith.constant 1.500000e+00 : f32
      %sub3A_178 = vector.broadcast %sub3A_177 : f32 to vector<16xf32>
      %sub3A_179 = arith.subf %sub3A_178, %mul3A_176 : vector<16xf32>
      %mul3A_180 = arith.mulf %mul3A_171, %sub3A_179 : vector<16xf32>
      %mul3A_181 = arith.constant 5.000000e-01 : f32
      %mul3A_182 = vector.broadcast %mul3A_181 : f32 to vector<16xf32>
      %mul3A_183 = arith.mulf %mul3A_182, %broadcast_in_dim3A_145 : vector<16xf32>
      %mul3A_184 = arith.mulf %mul3A_183, %mul3A_180 : vector<16xf32>
      %mul3A_185 = arith.mulf %mul3A_184, %mul3A_180 : vector<16xf32>
      %sub3A_186 = arith.constant 1.500000e+00 : f32
      %sub3A_187 = vector.broadcast %sub3A_186 : f32 to vector<16xf32>
      %sub3A_188 = arith.subf %sub3A_187, %mul3A_185 : vector<16xf32>
      %mul3A_189 = arith.mulf %mul3A_180, %sub3A_188 : vector<16xf32>
      %mul3A_190 = arith.mulf %mul3A_131, %mul3A_189 : vector<16xf32>
      %swap3A = arith.constant 0 : index
      %swap3A_191 = tpu.vector_load %arg8[%swap3A] {strides = array<i32>} : memref<32xf32, #tpu.memory_space<vmem>>, vector<16xf32>,
      tpu.vector_store %arg8[%swap3A], %mul3A_190 {strides = array<i32>} : memref<32xf32, #tpu.memory_space<vmem>>, vector<16xf32>,
      %mul3A_192 = arith.mulf %mul3A_132, %mul3A_189 : vector<16xf32>
      %swap3A_193 = arith.constant 16 : index
      %swap3A_194 = tpu.vector_load %arg8[%swap3A_193] {strides = array<i32>} : memref<32xf32, #tpu.memory_space<vmem>>, vector<16xf32>,
      tpu.vector_store %arg8[%swap3A_193], %mul3A_192 {strides = array<i32>} : memref<32xf32, #tpu.memory_space<vmem>>, vector<16xf32>,
      "tpu.region"() ({
        %run_scoped3A = tpu.sem_alloc : memref<!tpu.dma_semaphore, #tpu.memory_space<semaphore_mem>>
        %dma_start3A = arith.constant 0 : i32
        %dma_start3A_195 = tpu.memref_slice %arg4[%add3A, %dma_start3A] : memref<16x32xf32, #tpu.memory_space<hbm>> -> memref<1x32xf32, #tpu.memory_space<hbm>>
        %dma_start3A_196 = tpu.memref_squeeze %dma_start3A_195 : memref<1x32xf32, #tpu.memory_space<hbm>> -> memref<32xf32, #tpu.memory_space<hbm>>
        %dma_start3A_197 = arith.constant 0 : i32
        %dma_start3A_198 = tpu.memref_slice %arg4[%add3A, %dma_start3A_197] : memref<16x32xf32, #tpu.memory_space<hbm>> -> memref<1x32xf32, #tpu.memory_space<hbm>>
        %dma_start3A_199 = tpu.memref_squeeze %dma_start3A_198 : memref<1x32xf32, #tpu.memory_space<hbm>> -> memref<32xf32, #tpu.memory_space<hbm>>
        tpu.enqueue_dma source(%arg8 : memref<32xf32, #tpu.memory_space<vmem>>) target(%dma_start3A_199 : memref<32xf32, #tpu.memory_space<hbm>>) target_semaphore(%run_scoped3A : memref<!tpu.dma_semaphore, #tpu.memory_space<semaphore_mem>>)
        %dma_wait3A = arith.constant 0 : i32
        %dma_wait3A_200 = tpu.memref_slice %arg4[%add3A, %dma_wait3A] : memref<16x32xf32, #tpu.memory_space<hbm>> -> memref<1x32xf32, #tpu.memory_space<hbm>>
        %dma_wait3A_201 = tpu.memref_squeeze %dma_wait3A_200 : memref<1x32xf32, #tpu.memory_space<hbm>> -> memref<32xf32, #tpu.memory_space<hbm>>
        %dma_wait3A_202 = arith.constant 0 : i32
        %dma_wait3A_203 = tpu.memref_slice %arg4[%add3A, %dma_wait3A_202] : memref<16x32xf32, #tpu.memory_space<hbm>> -> memref<1x32xf32, #tpu.memory_space<hbm>>
        %dma_wait3A_204 = tpu.memref_squeeze %dma_wait3A_203 : memref<1x32xf32, #tpu.memory_space<hbm>> -> memref<32xf32, #tpu.memory_space<hbm>>
        tpu.wait_dma2 semaphore(%run_scoped3A : memref<!tpu.dma_semaphore, #tpu.memory_space<semaphore_mem>>) src(%arg8 : memref<32xf32, #tpu.memory_space<vmem>>) dst(%dma_wait3A_204 : memref<32xf32, #tpu.memory_space<hbm>>)
        tpu.yield
      }) : () -> ()
    } else {
    }
    return
  }
}

module attributes {stable_mosaic.version = 14 : i64} {
  func.func @_tc_k1_body(%arg0: i32, %arg1: memref<2048x32xf32, #tpu.memory_space<vmem>>, %arg2: memref<2x32xf32, #tpu.memory_space<vmem>>, %arg3: memref<2048xf32, #tpu.memory_space<vmem>>, %arg4: memref<2048xf32, #tpu.memory_space<vmem>>, %arg5: memref<1x128xf32, #tpu.memory_space<vmem>>) attributes {dimension_semantics = [#tpu.dimension_semantics<arbitrary>], iteration_bounds = array<i64: 64>, scalar_prefetch = 0 : i64, scratch_operands = 0 : i64, tpu.core_type = #tpu.core_type<tc>, window_params = [{transform_indices = @transform_0, window_bounds = array<i64: 2048, 32>}, {pipeline_mode = #tpu.pipeline_mode<synchronous>, transform_indices = @transform_1, window_bounds = array<i64: 2, 32>}, {transform_indices = @transform_2, window_bounds = array<i64: 2048>}, {transform_indices = @transform_3, window_bounds = array<i64: 2048>}, {pipeline_mode = #tpu.pipeline_mode<synchronous>, transform_indices = @transform_4, window_bounds = array<i64: 1, 128>}]} {
    %get3A = arith.constant 0 : index
    %get3A_0 = arith.constant 0 : index
    %get3A_1 = vector.load %arg1[%get3A, %get3A_0] : memref<2048x32xf32, #tpu.memory_space<vmem>>, vector<2048x32xf32>
    %get3A_2 = arith.constant 0 : index
    %get3A_3 = arith.constant 0 : index
    %get3A_4 = vector.load %arg2[%get3A_2, %get3A_3] : memref<2x32xf32, #tpu.memory_space<vmem>>, vector<1x32xf32>
    %get3A_5 = vector.shape_cast %get3A_4 : vector<1x32xf32> to vector<32xf32>
    %get3A_6 = arith.constant 1 : index
    %get3A_7 = arith.constant 0 : index
    %get3A_8 = vector.load %arg2[%get3A_6, %get3A_7] : memref<2x32xf32, #tpu.memory_space<vmem>>, vector<1x1xf32>
    %get3A_9 = vector.extract %get3A_8[0, 0] : f32 from vector<1x1xf32>
    %broadcast_in_dim3A = vector.shape_cast %get3A_5 : vector<32xf32> to vector<1x32xf32>
    %mul3A = vector.broadcast %broadcast_in_dim3A : vector<1x32xf32> to vector<2048x32xf32>
    %mul3A_10 = arith.mulf %get3A_1, %mul3A : vector<2048x32xf32>
    %reduce_sum3A = arith.constant dense<0.000000e+00> : vector<2048xf32>
    %reduce_sum3A_11 = vector.multi_reduction <add>, %mul3A_10, %reduce_sum3A [1] : vector<2048x32xf32> to vector<2048xf32>
    %add3A = vector.broadcast %get3A_9 : f32 to vector<2048xf32>
    %add3A_12 = arith.addf %reduce_sum3A_11, %add3A : vector<2048xf32>
    %reduce_sum3A_13 = arith.constant dense<0.000000e+00> : vector<2048xf32>
    %reduce_sum3A_14 = vector.multi_reduction <add>, %get3A_1, %reduce_sum3A_13 [1] : vector<2048x32xf32> to vector<2048xf32>
    %mul3A_15 = arith.constant 3.125000e-02 : f32
    %mul3A_16 = vector.broadcast %mul3A_15 : f32 to vector<2048xf32>
    %mul3A_17 = arith.mulf %reduce_sum3A_14, %mul3A_16 : vector<2048xf32>
    %mul3A_18 = arith.mulf %add3A_12, %mul3A_17 : vector<2048xf32>
    %swap3A = arith.constant 0 : index
    %swap3A_19 = vector.load %arg3[%swap3A] : memref<2048xf32, #tpu.memory_space<vmem>>, vector<2048xf32>
    tpu.vector_store %arg3[%swap3A], %mul3A_18 {strides = array<i32>} : memref<2048xf32, #tpu.memory_space<vmem>>, vector<2048xf32>,
    %swap3A_20 = arith.constant 0 : index
    %swap3A_21 = vector.load %arg4[%swap3A_20] : memref<2048xf32, #tpu.memory_space<vmem>>, vector<2048xf32>
    tpu.vector_store %arg4[%swap3A_20], %mul3A_17 {strides = array<i32>} : memref<2048xf32, #tpu.memory_space<vmem>>, vector<2048xf32>,
    %iota3A = tpu.iota {dimensions = array<i32: 1>} : vector<1x128xi32>
    %eq3A = arith.constant 0 : i32
    %eq3A_22 = vector.broadcast %eq3A : i32 to vector<1x128xi32>
    %eq3A_23 = arith.cmpi eq, %iota3A, %eq3A_22 : vector<1x128xi32>
    %reduce_sum3A_24 = vector.shape_cast %add3A_12 : vector<2048xf32> to vector<1x2048xf32>
    %reduce_sum3A_25 = arith.constant dense<0.000000e+00> : vector<1xf32>
    %reduce_sum3A_26 = vector.multi_reduction <add>, %reduce_sum3A_24, %reduce_sum3A_25 [1] : vector<1x2048xf32> to vector<1xf32>
    %reduce_sum3A_27 = vector.shape_cast %reduce_sum3A_26 : vector<1xf32> to vector<1x1xf32>
    %reduce_sum3A_28 = vector.extract %reduce_sum3A_27[0, 0] : f32 from vector<1x1xf32>
    %jit3A = arith.constant 0.000000e+00 : f32
    %broadcast_in_dim3A_29 = vector.broadcast %reduce_sum3A_28 : f32 to vector<1x128xf32>
    %broadcast_in_dim3A_30 = vector.broadcast %jit3A : f32 to vector<1x128xf32>
    %select_n3A = arith.select %eq3A_23, %broadcast_in_dim3A_29, %broadcast_in_dim3A_30 : vector<1x128xi1>, vector<1x128xf32>
    %eq3A_31 = arith.constant 1 : i32
    %eq3A_32 = vector.broadcast %eq3A_31 : i32 to vector<1x128xi32>
    %eq3A_33 = arith.cmpi eq, %iota3A, %eq3A_32 : vector<1x128xi32>
    %mul3A_34 = arith.mulf %add3A_12, %add3A_12 : vector<2048xf32>
    %reduce_sum3A_35 = vector.shape_cast %mul3A_34 : vector<2048xf32> to vector<1x2048xf32>
    %reduce_sum3A_36 = arith.constant dense<0.000000e+00> : vector<1xf32>
    %reduce_sum3A_37 = vector.multi_reduction <add>, %reduce_sum3A_35, %reduce_sum3A_36 [1] : vector<1x2048xf32> to vector<1xf32>
    %reduce_sum3A_38 = vector.shape_cast %reduce_sum3A_37 : vector<1xf32> to vector<1x1xf32>
    %reduce_sum3A_39 = vector.extract %reduce_sum3A_38[0, 0] : f32 from vector<1x1xf32>
    %jit3A_40 = arith.constant 0.000000e+00 : f32
    %broadcast_in_dim3A_41 = vector.broadcast %reduce_sum3A_39 : f32 to vector<1x128xf32>
    %broadcast_in_dim3A_42 = vector.broadcast %jit3A_40 : f32 to vector<1x128xf32>
    %select_n3A_43 = arith.select %eq3A_33, %broadcast_in_dim3A_41, %broadcast_in_dim3A_42 : vector<1x128xi1>, vector<1x128xf32>
    %add3A_44 = arith.addf %select_n3A, %select_n3A_43 : vector<1x128xf32>
    %eq3A_45 = arith.constant 0 : i32
    %eq3A_46 = arith.cmpi eq, %arg0, %eq3A_45 : i32
    %convert_element_type3A = arith.extui %eq3A_46 : i1 to i32
    %cond3A = arith.constant 0 : i32
    %cond3A_47 = arith.cmpi ne, %convert_element_type3A, %cond3A : i32
    scf.if %cond3A_47 {
      %broadcast_in_dim3A_55 = arith.constant 0.000000e+00 : f32
      %broadcast_in_dim3A_56 = vector.broadcast %broadcast_in_dim3A_55 : f32 to vector<1x128xf32>
      %swap3A_57 = arith.constant 0 : index
      %swap3A_58 = arith.constant 0 : index
      %swap3A_59 = vector.load %arg5[%swap3A_57, %swap3A_58] : memref<1x128xf32, #tpu.memory_space<vmem>>, vector<1x128xf32>
      tpu.vector_store %arg5[%swap3A_57, %swap3A_58], %broadcast_in_dim3A_56 {strides = array<i32>} : memref<1x128xf32, #tpu.memory_space<vmem>>, vector<1x128xf32>,
    } else {
    }
    %get3A_48 = arith.constant 0 : index
    %get3A_49 = arith.constant 0 : index
    %get3A_50 = vector.load %arg5[%get3A_48, %get3A_49] : memref<1x128xf32, #tpu.memory_space<vmem>>, vector<1x128xf32>
    %add3A_51 = arith.addf %get3A_50, %add3A_44 : vector<1x128xf32>
    %swap3A_52 = arith.constant 0 : index
    %swap3A_53 = arith.constant 0 : index
    %swap3A_54 = vector.load %arg5[%swap3A_52, %swap3A_53] : memref<1x128xf32, #tpu.memory_space<vmem>>, vector<1x128xf32>
    tpu.vector_store %arg5[%swap3A_52, %swap3A_53], %add3A_51 {strides = array<i32>} : memref<1x128xf32, #tpu.memory_space<vmem>>, vector<1x128xf32>,
    return
  }
  func.func @transform_0(%arg0: i32) -> (i32, i32) {
    %c0_i32 = arith.constant 0 : i32
    %c0_i32_0 = arith.constant 0 : i32
    return %arg0, %c0_i32 : i32, i32
  }
  func.func @transform_1(%arg0: i32) -> (i32, i32) {
    %c0_i32 = arith.constant 0 : i32
    %c0_i32_0 = arith.constant 0 : i32
    %c0_i32_1 = arith.constant 0 : i32
    return %c0_i32, %c0_i32_0 : i32, i32
  }
  func.func @transform_2(%arg0: i32) -> i32 {
    %c0_i32 = arith.constant 0 : i32
    return %arg0 : i32
  }
  func.func @transform_3(%arg0: i32) -> i32 {
    %c0_i32 = arith.constant 0 : i32
    return %arg0 : i32
  }
  func.func @transform_4(%arg0: i32) -> (i32, i32) {
    %c0_i32 = arith.constant 0 : i32
    %c0_i32_0 = arith.constant 0 : i32
    %c0_i32_1 = arith.constant 0 : i32
    return %c0_i32, %c0_i32_0 : i32, i32
  }
}

</mosaic_0001>

<sc_bundles>
// kernel: kernel.5.cloned.1.call-start
scs
__scs_entry_jumppad:
0x0: {  	(pc) =	sbr.rel $0x88, $3  }
0x1: {  	(tag) =	ssettag $0x0;
	lr =	simm.s32 $0x1  }
0x2: {  	[smem:$0x3F9B] =	sst lr;
	_ =	strace $0xD0000000  }
0x3: {  	_ = 	snop  }
0x4: {  	_ = 	snop  }
0x5: {  	_ = 	snop  }
0x6: {  	_ = 	snop  }
0x7: {  	_ = 	snop  }
__scs_overlays_trampoline_lowered:
0x8: {  	[smem:$0x3FAA] =	sst s0  }
0x9: {  	[smem:$0x3FAB] =	sst s1  }
0xa: {  	[smem:$0x3FAC] =	sst s2  }
0xb: {  	[smem:$0x3FAD] =	sst s3  }
0xc: {  	[smem:$0x3FAE] =	sst s4  }
0xd: {  	[smem:$0x3FAF] =	sst s5  }
0xe: {  	[smem:$0x3FB0] =	sst s6  }
0xf: {  	[smem:$0x3FB1] =	sst s7  }
0x10: {  	[smem:$0x3FB2] =	sst s8  }
0x11: {  	[smem:$0x3FB3] =	sst s9;
	s0 =	simm.s32 @!p0 $0x0  }
0x12: {  	s1 =	sld [smem:$0x3F99];
	s0 =	simm.s32 @p0 $0x1  }
0x13: {  	[smem:$0x3FB4] =	sst s0;
	s0 =	simm.s32 @!p1 $0x0  }
0x14: {  	s2 =	sld [smem:$0x3F98];
	s0 =	simm.s32 @p1 $0x1  }
0x15: {  	[smem:$0x3FB5] =	sst s0;
	s0 =	simm.s32 @!p2 $0x0  }
0x16: {  	s3 =	sld [smem:$0x3FDB];
	s0 =	simm.s32 @p2 $0x1  }
0x17: {  	s4 =	simm.s32 $0x1BF5;
	[smem:$0x3FB7] =	sst s0  }
0x18: {  	s0 =	sld [smem:$0x3F9A];
	_ =	swait.ge [sflag:s4], $0x0  }
0x19: {  	s7 =	sld [smem:$0x3F9B]  }
0x1a: {  	s8 =	sadd.s32 $0xFFFFE003, lr  }
0x1b: {  	s9 =	sadd.s32 $0xFFFFFEF7, lr;
	s5 =	simm.s32 $0xFFFFFFFF;
	p2 =	slt.u32 s8, $0xFFFFF086  }
0x1c: {  	p1 =	slt.u32 s9, $0xF7A;
	s5 =	simm.s32 @!p2 $0x0  }
0x1d: {  	s5 =	simm.s32 @p1 $0x1;
	p0 =	seq.s32 s7, s2  }
0x1e: {  	s7 =	smul.u32 @!p0 $0xF7A, s2;
	p2 =	seq.s32 @!p0 s5, $0x0  }
0x1f: {  	s9 =	smul.u32 $0xF7A, s1;
	s8 =	simm.s32 @!p0 $0x1BF5;
	p2 =	por !p2, p0  }
0x20: {  	[sflag:s8] =	ssyncset.s32 @!p0 $0xFFFFF086;
	s6 =	sadd.s32 @!p0 s3, s7;
	s7 =	simm.s32 @!p0 $0x108  }
0x21: {  	s3 =	sadd.s32 s3, s9;
	s6 =	sadd.s32 @!p0 $0x88, s6;
	s7 =	simm.s32 @p2 $0x1082  }
0x22: {  	[simem:s7], [sflag:s8] =	dma.local @!p0 [hbm:s6], $0xF7A  }
0x23: {  	s9 =	sor.u32 $0xD0000000, s2;
	s6 =	simm.s32 $0x108;
	_ =	swait.ge @!p0 [sflag:s8], $0x0  }
0x24: {  	s3 =	sadd.s32 $0x88, s3;
	s6 =	simm.s32 @!p1 $0x1082;
	[sflag:s4] =	ssyncset.s32 $0xFFFFF086  }
0x25: {  	[simem:s6], [sflag:s4] =	dma.local [hbm:s3], $0xF7A  }
0x26: {  	[smem:$0x3F9B] =	sst s1;
	(tag) =	ssettag s2;
	_ =	strace s9  }
0x27: {  	s1 =	sld [smem:$0x3FAB]  }
0x28: {  	s2 =	sld [smem:$0x3FAC]  }
0x29: {  	s4 =	sld [smem:$0x3FAE]  }
0x2a: {  	p0 =	seq.s32 s5, $0x0;
	s5 =	sld [smem:$0x3FAF]  }
0x2b: {  	s6 =	sld [smem:$0x3FB0]  }
0x2c: {  	s7 =	sld [smem:$0x3FB1]  }
0x2d: {  	s3 =	simm.s32 $0x108;
	s8 =	sld [smem:$0x3FB2]  }
0x2e: {  	s3 =	simm.s32 @!p0 $0x1082;
	s9 =	sld [smem:$0x3FB3]  }
0x2f: {  	lr =	sadd.s32 s0, s3;
	s0 =	sld [smem:$0x3FAA]  }
0x30: {  	s3 =	sld [smem:$0x3FAD]  }
0x31: {  	[smem:$0x3FB6] =	sst s10  }
0x32: {  	s10 =	sld [smem:$0x3FB4];
	_ =	sdelay $0x3  }
0x33: {  	p0 =	seq.s32 s10, $0x1;
	s10 =	sld [smem:$0x3FB6];
	_ =	sdelay $0x3  }
0x34: {  	[smem:$0x3FB6] =	sst s10  }
0x35: {  	s10 =	sld [smem:$0x3FB5];
	_ =	sdelay $0x3  }
0x36: {  	p1 =	seq.s32 s10, $0x1;
	s10 =	sld [smem:$0x3FB6];
	_ =	sdelay $0x3  }
0x37: {  	[smem:$0x3FB6] =	sst s10  }
0x38: {  	s10 =	sld [smem:$0x3FB7]  }
0x39: {  	_ = 	snop;
	(pc) =	sbr.ind lr, $3  }
0x3a: {  	_ = 	snop  }
0x3b: {  	_ = 	snop  }
0x3c: {  	p2 =	seq.s32 s10, $0x1;
	s10 =	sld [smem:$0x3FB6]  }
0x3d: {  	_ =	shalt  }
0x3e: {  	_ =	shalt  }
0x3f: {  	_ =	shalt  }
0x40: {  	_ =	shalt  }
0x41: {  	_ =	shalt  }
0x42: {  	_ =	shalt  }
0x43: {  	_ =	shalt  }
0x44: {  	_ =	shalt  }
0x45: {  	_ =	shalt  }
0x46: {  	_ =	shalt  }
0x47: {  	_ =	shalt  }
0x48: {  	_ =	shalt  }
0x49: {  	_ =	shalt  }
0x4a: {  	_ =	shalt  }
0x4b: {  	_ =	shalt  }
0x4c: {  	_ =	shalt  }
0x4d: {  	_ =	shalt  }
0x4e: {  	_ =	shalt  }
0x4f: {  	_ =	shalt  }
0x50: {  	_ =	shalt  }
0x51: {  	_ =	shalt  }
0x52: {  	_ =	shalt  }
0x53: {  	_ =	shalt  }
0x54: {  	_ =	shalt  }
0x55: {  	_ =	shalt  }
0x56: {  	_ =	shalt  }
0x57: {  	_ =	shalt  }
0x58: {  	_ =	shalt  }
0x59: {  	_ =	shalt  }
0x5a: {  	_ =	shalt  }
0x5b: {  	_ =	shalt  }
0x5c: {  	_ =	shalt  }
0x5d: {  	_ =	shalt  }
0x5e: {  	_ =	shalt  }
0x5f: {  	_ =	shalt  }
0x60: {  	_ =	shalt  }
0x61: {  	_ =	shalt  }
0x62: {  	_ =	shalt  }
0x63: {  	_ =	shalt  }
0x64: {  	_ =	shalt  }
0x65: {  	_ =	shalt  }
0x66: {  	_ =	shalt  }
0x67: {  	_ =	shalt  }
0x68: {  	_ =	shalt  }
0x69: {  	_ =	shalt  }
0x6a: {  	_ =	shalt  }
0x6b: {  	_ =	shalt  }
0x6c: {  	_ =	shalt  }
0x6d: {  	_ =	shalt  }
0x6e: {  	_ =	shalt  }
0x6f: {  	_ =	shalt  }
0x70: {  	_ =	shalt  }
0x71: {  	_ =	shalt  }
0x72: {  	_ =	shalt  }
0x73: {  	_ =	shalt  }
0x74: {  	_ =	shalt  }
0x75: {  	_ =	shalt  }
0x76: {  	_ =	shalt  }
0x77: {  	_ =	shalt  }
0x78: {  	_ =	shalt  }
0x79: {  	_ =	shalt  }
0x7a: {  	_ =	shalt  }
0x7b: {  	_ =	shalt  }
0x7c: {  	_ =	shalt  }
0x7d: {  	_ =	shalt  }
0x7e: {  	_ =	shalt  }
0x7f: {  	_ =	shalt  }
0x80: {  	_ =	shalt  }
0x81: {  	_ =	shalt  }
0x82: {  	_ =	shalt  }
0x83: {  	_ =	shalt  }
0x84: {  	_ =	shalt  }
0x85: {  	_ =	shalt  }
0x86: {  	_ =	shalt  }
0x87: {  	_ =	shalt  }
.Lfunc_end0:
.L_simem_size_0:
called_computation_lowered:
.L_overlay_start_0:
0x88: {  	s2 =	sld [smem:$0x3FD9]  }
0x89: {  	s3 =	sld [smem:$0x3FFE];
	_ =	sdelay $0x1  }
0x8a: {  	s1 =	srdreg.scid  }
0x8b: {  	s0 =	sand.u32 $0x1, s1  }
0x8c: {  	s17 =	sshll.u32 s0, $0xA;
	s2 =	sadd.s32 s3, s2  }
0x8d: {  	s2 =	sadd.s32 s2, s17  }
0x8e: {  	[smem:$0x3FC2] =	sst s2  }
0x8f: {  	_ = 	snop  }
0x90: {  	s2 =	sld [smem:$0x3FC9]  }
0x91: {  	s18 =	sld [smem:$0x3FC8]  }
0x92: {  	s4 =	sld [smem:$0x3FD0];
	(tm) =	ssettm $0x1  }
0x93: {  	s5 =	sld [smem:$0x3FFB];
	_ =	sdelay $0x3  }
0x94: {  	_ =	strace s5  }
0x95: {  	s5 =	sld [smem:$0x3FFC];
	_ =	sdelay $0x3  }
0x96: {  	_ =	strace s5  }
0x97: {  	s5 =	sld [smem:$0x3FFD];
	_ =	sdelay $0x3  }
0x98: {  	_ =	strace s5  }
0x99: {  	_ =	strace $0x8FFFFFFF  }
0x9a: {  	s19 =	sld [smem:$0x3FDB];
	_ =	sdelay $0x1  }
0x9b: {  	s6 =	simm.s32 $_scs_section_size  }
0x9c: {  	s7 =	simm.s32 $_size__tile_overlayer_lowered;
	s8 =	simm.s32 $_tile_overlayer_lowered  }
0x9d: {  	s22 =	simm.s32 $0x1BFF;
	s21 =	sshll.u32 s8, $0x1;
	s5 =	sadd.s32 s6, s19  }
0x9e: {  	s9 =	simm.s32 $0x0;
	s20 =	sshll.u32 s7, $0x1;
	s7 =	sadd.s32 s21, s5  }
0x9f: {  	[timem:s9], [sflag:s22] =	dma.local [hbm:s7], s20  }
0xa0: {  	_ =	swait.ge [sflag:s22], s20  }
0xa1: {  	s6 =	ssub.s32 $0x0, s20;
	[sflag:s22] =	ssyncset.done $0x0  }
0xa2: {  	[sflag:s22] =	ssyncadd.s32 s6;
	_ =	sdelay $0x1  }
0xa3: {  	s23 =	simm.s32 $0x1B8B  }
0xa4: {  	_ =	swait.ge [sflag:s23], $0x1  }
0xa5: {  	[sflag:s23] =	ssyncset.done $0x0  }
0xa6: {  	s25 =	simm.s32 $0x1B8E;
	s24 =	sld [smem:$0x3FFE];
	[sflag:s23] =	ssyncadd.s32 $0xFFFFFFFF  }
0xa7: {  	s26 =	simm.s32 $execute0_lowered;
	[smem:$0x3FD2] =	sst s25  }
0xa8: {  	s7 =	sshll.u32 s26, $0x1;
	_ =	strace $0x80000046;
	[dreg:$0x1] =	wrdreg $0xFFFFFFFF  }
0xa9: {  	s28 =	simm.s32 $_size_execute0_lowered;
	s5 =	sadd.s32 s5, s7;
	[dreg:$0x0] =	wrdreg $0x0  }
0xaa: {  	s7 =	sshll.u32 s28, $0x1;
	[dreg:$0x2] =	wrdreg s5  }
0xab: {  	[dreg:$0x3] =	wrdreg s7  }
0xac: {  	[dreg:$0x4] =	wrdreg $0xC0  }
0xad: {  	_ =	task [dreg:s9], $0x5FFFF  }
0xae: {  	[dreg:$0x1] =	wrdreg $0xFFFFFFFF  }
0xaf: {  	[dreg:$0x0] =	wrdreg $0x60  }
0xb0: {  	[dreg:$0x2] =	wrdreg s2  }
0xb1: {  	[dreg:$0x3] =	wrdreg s24  }
0xb2: {  	[dreg:$0x4] =	wrdreg s4  }
0xb3: {  	[dreg:$0x5] =	wrdreg s18  }
0xb4: {  	[dreg:$0x6] =	wrdreg $0x9  }
0xb5: {  	_ =	task.clear_ibuf [dreg:s9], $0x7FFFF;
	_ =	strace $0x90000046  }
0xb6: {  	s29 =	simm.s32 $0x9;
	_ =	strace $0x80000048  }
0xb7: {  	_ =	swait.ge [sflag:s29], $0x1  }
0xb8: {  	[sflag:s29] =	ssyncadd.s32 $0xFFFFFFFF  }
0xb9: {  	_ =	strace $0x90000048  }
0xba: {  	_ =	sfence  }
0xbb: {  	s30 =	sld [smem:$0x0];
	_ =	sdelay $0x2  }
0xbc: {  	s31 =	sshll.u32 s1, $0xD;
	s1 =	sshrl.u32 s1, $0x2  }
0xbd: {  	s3 =	sand.u32 $0x4000, s31;
	s1 =	sadd.s32 s1, s30  }
0xbe: {  	s0 =	sor.u32 s3, s0;
	s1 =	sshll.u32 s1, $0x11  }
0xbf: {  	s0 =	sor.u32 s1, s0  }
0xc0: {  	s0 =	sadd.s32 $0x8F2B, s0  }
0xc1: {  	[sflag:s0] =	ssyncadd.remote.s32 $0x1  }
0xc2: {  	_ =	sfence.sel $0xFFFF  }
0xc3: {  	[dreg:$0x0] =	wrdreg $0xFFFFFFFF;
	(pc) =	sbr.abs _section_cstart, $3  }
0xc4: {  	[dreg:$0x1] =	wrdreg $0xFFFFFFFF  }
0xc5: {  	_ =	task.clear_ibuf [dreg:s9], $0x2FFFF;
	_ =	strace $0x9FFFFFFF  }
0xc6: {  	(tm) =	ssettm $0x7FFFFFFF  }
0xc7: {  	_ =	shalt  }
tec
execute0_lowered:
.L_overlay_start_1:
0x0: {  	(tag) =	ssettag $0x1  }
0x1: {  	s0 =	rddreg [dreg:$0x1];
	s9 =	simm.s32 $0x0  }
0x2: {  	s5 =	stileid.u32;
	[smem:$0x7FF] =	sst s9;
	s4 =	sadd.s32 $0x9200, s0  }
0x3: {  	s10 =	simm.s32 $0x4580;
	_ =	strace $0x80000047;
	[dreg:$0x15] =	wrdreg s4  }
0x4: {  	s1 =	srdreg.scid;
	s12 =	simm.s32 $0x4600;
	[dreg:$0x5] =	wrdreg s10  }
0x5: {  	s13 =	simm.s32 $0x4680;
	s14 =	simm.s32 $0x4700;
	[dreg:$0x6] =	wrdreg s12  }
0x6: {  	s15 =	simm.s32 $0x4780;
	s16 =	simm.s32 $0x4800;
	[dreg:$0x7] =	wrdreg s13  }
0x7: {  	s17 =	simm.s32 $0x4880;
	s18 =	simm.s32 $0x4900;
	[dreg:$0x8] =	wrdreg s14  }
0x8: {  	s19 =	simm.s32 $0x4980;
	s20 =	simm.s32 $0x4A00;
	[dreg:$0x9] =	wrdreg s15  }
0x9: {  	s21 =	simm.s32 $0x4A80;
	s22 =	simm.s32 $0x4B00;
	[dreg:$0xa] =	wrdreg s16  }
0xa: {  	s23 =	simm.s32 $0x4B80;
	s2 =	sshll.u32 s5, $0x4;
	[dreg:$0xb] =	wrdreg s17  }
0xb: {  	s11 =	sshrl.u32 s5, $0x1;
	s5 =	sand.u32 $0x1, s5;
	[dreg:$0xc] =	wrdreg s18  }
0xc: {  	s24 =	simm.s32 $0x4C00;
	s25 =	simm.s32 $0x4C80;
	[dreg:$0x16] =	wrdreg s5  }
0xd: {  	s26 =	simm.s32 $0x4D00;
	s28 =	simm.s32 $0x5100;
	[dreg:$0xd] =	wrdreg s19  }
0xe: {  	s29 =	simm.s32 $0x5180;
	s30 =	simm.s32 $0x5200;
	[dreg:$0xe] =	wrdreg s20  }
0xf: {  	s31 =	simm.s32 $0x5280;
	s6 =	sadd.s32 $0x1200, s0;
	[dreg:$0xf] =	wrdreg s21  }
0x10: {  	s1 =	sand.u32 $0x1, s1;
	s7 =	sadd.s32 $0x5200, s0;
	[dreg:$0x10] =	wrdreg s22  }
0x11: {  	s2 =	sand.u32 $0x70, s2;
	s3 =	ssub.s32 $0x2, s1;
	[dreg:$0x11] =	wrdreg s23  }
0x12: {  	s1 =	sshll.u32 s1, $0x3;
	p0 =	seq.s32 s5, $0x0;
	[dreg:$0x12] =	wrdreg s24  }
0x13: {  	s13 =	simm.s32 $0x1;
	s18 =	simm.s32 $0x4000;
	[dreg:$0x13] =	wrdreg s25  }
0x14: {  	s19 =	simm.s32 $0x4200;
	[dreg:$0x14] =	wrdreg s26;
	s20 =	simm.s32 $0x4D80  }
0x15: {  	s21 =	simm.s32 $0x4E00;
	s22 =	simm.s32 $0x4E80;
	s23 =	simm.s32 $0x4F00  }
0x16: {  	s24 =	simm.s32 $0x4F80;
	s25 =	simm.s32 $0x5000;
	s26 =	simm.s32 $0x5080  }
0x17: {  	v0 =	vlaneseq.u32;
	s12 =	simm.s32 $0x5500;
	s5 =	simm.s32 $0x0;
	s1 =	sor.u32 s11, s1  }
.Ltmp0:
0x18: {  	vm1 =	vmmov $0x1;
	vm7 =	vcmask $0x1310;
	vm8 =	vcmask $0x1714;
	s8 =	sshrl.u32 s3, $0x1;
	s4 =	sshll.u32 s1, $0x5;
	(pc) =	sbr.rel .LBB2_1-.Ltmp0, $4  }
0x19: {  	vm9 =	vcmask $0x1B18;
	vm10 =	vcmask $0x1F1C;
	vm11 =	vcmask $0x2320;
	s0 =	sadd.s32 s2, s0;
	s2 =	ssub.s32 s3, s8;
	s4 =	sand.u32 $0x180, s4  }
0x1a: {  	vm12 =	vcmask $0x2724;
	vm13 =	vcmask $0x2B28;
	vm14 =	vcmask $0x2F2C;
	s3 =	simm.s32 $0x5480;
	s2 =	smax.u32 s2, $0x1;
	s0 =	sadd.s32 s4, s0  }
0x1b: {  	vm15 =	vcmask $0x3330;
	vm3 =	vcmask $0x3734;
	v1 =	vmov s1;
	[dreg:$0x18] =	wrdreg s2;
	s4 =	simm.s32 $0x5380;
	s0 =	sadd.s32 $0x9400, s0  }
0x1c: {  	vm2 =	vcmask $0x3B38;
	vm4 =	vmmov $0x7fff;
	vm0 =	veq.s32 v1, v0;
	s2 =	simm.s32 $0x5400;
	[dreg:$0x17] =	wrdreg s0;
	s0 =	simm.s32 $0x5300  }
.LBB2_12:
0x1d: {  	v1 =	vld [tilespmem:$0x4580]  }
0x1e: {  	v2 =	vld [tilespmem:$0x4D80]  }
0x1f: {  	v4 =	vld [tilespmem:$0x4600]  }
0x20: {  	v5 =	vld [tilespmem:$0x4E00]  }
0x21: {  	(xrf2) =	vadd.scan.msk.f32 $0xffff, v3;
	v3 =	vld [tilespmem:$0x4680]  }
0x22: {  	(xrf2) =	vadd.scan.msk.f32 $0xffff, v1  }
0x23: {  	v1 =	vld [tilespmem:$0x4E80];
	(xrf2) =	vadd.scan.msk.f32 $0xffff, v2  }
0x24: {  	v2 =	vld [tilespmem:$0x4700];
	(xrf2) =	vadd.scan.msk.f32 $0xffff, v4  }
0x25: {  	v27 =	vld [tilespmem:$0x4F00];
	(xrf2) =	vadd.scan.msk.f32 $0xffff, v5  }
0x26: {  	v28 =	vld [tilespmem:$0x4780];
	(xrf2) =	vadd.scan.msk.f32 $0xffff, v3  }
0x27: {  	v3 =	vld [tilespmem:$0x4F80]  }
0x28: {  	v6 =	vld [tilespmem:$0x4800];
	(xrf2) =	vadd.scan.msk.f32 $0xffff, v1  }
0x29: {  	(xrf2) =	vadd.scan.msk.f32 $0xffff, v2;
	v2 =	vld [tilespmem:$0x5000]  }
0x2a: {  	v29 =	vld [tilespmem:$0x4880];
	(xrf2) =	vadd.scan.msk.f32 $0xffff, v27  }
0x2b: {  	v30 =	vld [tilespmem:$0x5080];
	v1, _, _ =	vpop (xrf2);
	(xrf2) =	vadd.scan.msk.f32 $0xffff, v28  }
0x2c: {  	(xrf2) =	vadd.scan.msk.f32 $0xffff, v3;
	v3 =	vld [tilespmem:$0x4900];
	v7, _, _ =	vpop (xrf2)  }
0x2d: {  	v31 =	vld [tilespmem:$0x5100];
	(xrf2) =	vadd.scan.msk.f32 $0xffff, v6;
	v7 =	vbroadcast v7, $0xF;
	v8, _, _ =	vpop (xrf2)  }
0x2e: {  	(xrf2) =	vadd.scan.msk.f32 $0xffff, v2;
	v2 =	vld [tilespmem:$0x4980];
	v8 =	vbroadcast v8, $0xF;
	v9, _, _ =	vpop (xrf2)  }
0x2f: {  	v32 =	vld [tilespmem:$0x5180];
	vm5 =	vcmask $0x704;
	(xrf2) =	vadd.scan.msk.f32 $0xffff, v29;
	v7 =	vnsel vm1, $0x0, v7;
	v9 =	vbroadcast v9, $0xF;
	v10, _, _ =	vpop (xrf2)  }
0x30: {  	v33 =	vld [tilespmem:$0x4A00];
	(xrf2) =	vadd.scan.msk.f32 $0xffff, v30;
	v7 =	vadd.f32 $0.0e+00, v7;
	v8 =	vnsel vm1, $0x0, v8;
	v10 =	vbroadcast v10, $0xF;
	v11, _, _ =	vpop (xrf2)  }
0x31: {  	(xrf2) =	vadd.scan.msk.f32 $0xffff, v3;
	v3 =	vld [tilespmem:$0x5200];
	v8 =	vadd.f32 $0.0e+00, v8;
	v9 =	vnsel vm5, $0x0, v9;
	v11 =	vbroadcast v11, $0xF  }
0x32: {  	v34 =	vld [tilespmem:$0x4A80];
	v12, _, _ =	vpop (xrf2);
	(xrf2) =	vadd.scan.msk.f32 $0xffff, v31;
	v7 =	vadd.f32 v9, v7;
	v35 =	vnsel vm5, $0x0, v10;
	vm5 =	vcmask $0xB08  }
0x33: {  	v36 =	vbroadcast v12, $0xF;
	v37, _, _ =	vpop (xrf2);
	(xrf2) =	vadd.scan.msk.f32 $0xffff, v2;
	v2 =	vld [tilespmem:$0x5280];
	v38 =	vnsel vm5, $0x0, v11  }
0x34: {  	v41 =	vld [tilespmem:$0x4B00];
	v8 =	vadd.f32 v35, v8;
	v39 =	vbroadcast v37, $0xF;
	v40, _, _ =	vpop (xrf2);
	(xrf2) =	vadd.scan.msk.f32 $0xffff, v32;
	v7 =	vadd.f32 v38, v7  }
0x35: {  	v45 =	vld [tilespmem:$0x5300];
	v42 =	vnsel vm5, $0x0, v36;
	v43 =	vbroadcast v40, $0xF;
	v44, _, _ =	vpop (xrf2);
	(xrf2) =	vadd.scan.msk.f32 $0xffff, v33;
	vm5 =	vcmask $0xF0C  }
0x36: {  	v8 =	vadd.f32 v42, v8;
	v46 =	vnsel vm5, $0x0, v39;
	v47 =	vbroadcast v44, $0xF;
	v48, _, _ =	vpop (xrf2);
	(xrf2) =	vadd.scan.msk.f32 $0xffff, v3;
	v3 =	vld [tilespmem:$0x4B80]  }
0x37: {  	v52 =	vld [tilespmem:$0x5380];
	v7 =	vadd.f32 v46, v7;
	v49 =	vnsel vm5, $0x0, v43;
	v50 =	vbroadcast v48, $0xF;
	v51, _, _ =	vpop (xrf2);
	(xrf2) =	vadd.scan.msk.f32 $0xffff, v34  }
0x38: {  	v8 =	vadd.f32 v49, v8;
	v53 =	vnsel vm7, $0x0, v47;
	v54 =	vbroadcast v51, $0xF;
	v55, _, _ =	vpop (xrf2);
	(xrf2) =	vadd.scan.msk.f32 $0xffff, v2;
	v2 =	vld [tilespmem:$0x4C00]  }
0x39: {  	v59 =	vld [tilespmem:$0x5400];
	v7 =	vadd.f32 v53, v7;
	v56 =	vnsel vm7, $0x0, v50;
	v57 =	vbroadcast v55, $0xF;
	v58, _, _ =	vpop (xrf2);
	(xrf2) =	vadd.scan.msk.f32 $0xffff, v41  }
0x3a: {  	v63 =	vld [tilespmem:$0x4C80];
	v8 =	vadd.f32 v56, v8;
	v60 =	vnsel vm8, $0x0, v54;
	v61 =	vbroadcast v58, $0xF;
	v62, _, _ =	vpop (xrf2);
	(xrf2) =	vadd.scan.msk.f32 $0xffff, v45  }
0x3b: {  	v7 =	vadd.f32 v60, v7;
	v16 =	vnsel vm8, $0x0, v57;
	v17 =	vbroadcast v62, $0xF;
	v18, _, _ =	vpop (xrf2);
	(xrf2) =	vadd.scan.msk.f32 $0xffff, v3;
	v3 =	vld [tilespmem:$0x5480]  }
0x3c: {  	v8 =	vadd.f32 v16, v8;
	v19, _, _ =	vpop (xrf2);
	(xrf2) =	vadd.scan.msk.f32 $0xffff, v52;
	v20 =	vnsel vm9, $0x0, v61;
	v21 =	vbroadcast v18, $0xF  }
0x3d: {  	v6 =	vadd.f32 v20, v7;
	v22, _, _ =	vpop (xrf2);
	(xrf2) =	vadd.scan.msk.f32 $0xffff, v2;
	v2 =	vnsel vm9, $0x0, v17;
	v9 =	vbroadcast v19, $0xF  }
0x3e: {  	v25 =	vld [tilespmem:$0x4D00];
	v2 =	vadd.f32 v2, v8;
	v23 =	vnsel vm10, $0x0, v21;
	v7 =	vbroadcast v22, $0xF;
	v24, _, _ =	vpop (xrf2);
	(xrf2) =	vadd.scan.msk.f32 $0xffff, v59  }
0x3f: {  	v29 =	vld [tilespmem:$0x5500];
	v6 =	vadd.f32 v23, v6;
	v26 =	vnsel vm10, $0x0, v9;
	v27 =	vbroadcast v24, $0xF;
	v28, _, _ =	vpop (xrf2);
	(xrf2) =	vadd.scan.msk.f32 $0xffff, v63  }
0x40: {  	v2 =	vadd.f32 v26, v2;
	v7 =	vnsel vm11, $0x0, v7;
	v30 =	vbroadcast v28, $0xF;
	v31, _, _ =	vpop (xrf2);
	(xrf2) =	vadd.scan.msk.f32 $0xffff, v3  }
0x41: {  	v3, _, _ =	vpop (xrf2);
	v6 =	vadd.f32 v7, v6;
	v32 =	vnsel vm11, $0x0, v27;
	v33 =	vbroadcast v31, $0xF  }
0x42: {  	v34, _, _ =	vpop (xrf2);
	v2 =	vadd.f32 v32, v2;
	v35 =	vnsel vm12, $0x0, v30;
	v3 =	vbroadcast v3, $0xF  }
0x43: {  	v6 =	vadd.f32 v35, v6;
	v36, _, _ =	vpop (xrf2);
	(xrf2) =	vadd.scan.msk.f32 $0xffff, v25;
	v37 =	vnsel vm12, $0x0, v33;
	v38 =	vbroadcast v34, $0xF  }
0x44: {  	v2 =	vadd.f32 v37, v2;
	v3 =	vnsel vm13, $0x0, v3;
	v39 =	vbroadcast v36, $0xF;
	v40, _, _ =	vpop (xrf2);
	(xrf2) =	vadd.scan.msk.f32 $0xffff, v29  }
0x45: {  	v41, _, _ =	vpop (xrf2);
	v3 =	vadd.f32 v3, v6;
	v42 =	vnsel vm13, $0x0, v38;
	v7 =	vbroadcast v40, $0xF  }
0x46: {  	v43, _, _ =	vpop (xrf2);
	v2 =	vadd.f32 v42, v2;
	v4 =	vnsel vm14, $0x0, v39;
	v5 =	vbroadcast v41, $0xF  }
0x47: {  	v44, _, _ =	vpop (xrf2);
	v3 =	vadd.f32 v4, v3;
	v45 =	vnsel vm14, $0x0, v7;
	v46 =	vbroadcast v43, $0xF  }
0x48: {  	v47, _, _ =	vpop (xrf2);
	v2 =	vadd.f32 v45, v2;
	v48 =	vnsel vm15, $0x0, v5;
	v49 =	vbroadcast v44, $0xF  }
0x49: {  	v50, _, _ =	vpop (xrf2);
	v3 =	vadd.f32 v48, v3;
	v51 =	vnsel vm15, $0x0, v46;
	v52 =	vbroadcast v47, $0xF  }
0x4a: {  	v53, _, _ =	vpop (xrf2);
	v2 =	vadd.f32 v51, v2;
	v54 =	vnsel vm3, $0x0, v49;
	v55 =	vbroadcast v50, $0xF  }
0x4b: {  	v3 =	vadd.f32 v54, v3;
	v56 =	vnsel vm3, $0x0, v52;
	v57 =	vbroadcast v53, $0xF  }
0x4c: {  	v2 =	vadd.f32 v56, v2;
	v58 =	vnsel vm2, $0x0, v55  }
0x4d: {  	v1 =	vbroadcast v1, $0xF;
	v59, _, _ =	vpop (xrf2);
	v3 =	vadd.f32 v58, v3;
	v60 =	vnsel vm2, $0x0, v57  }
0x4e: {  	v2 =	vadd.f32 v60, v2;
	v61 =	vsel vm4, $0x0, v59;
	v62, _, _ =	vpop (xrf2)  }
0x4f: {  	v1 =	vnsel vm1, $0x0, v1;
	v3 =	vadd.f32 v61, v3;
	v63 =	vsel vm4, $0x0, v62  }
0x50: {  	[tilespmem:$0x55A0] =	vst v1;
	v2 =	vadd.f32 v63, v2  }
0x51: {  	[tilespmem:$0x5580] =	vst v3  }
0x52: {  	s9 =	simm.s32 $0x0;
	s1 =	rddreg [dreg:$0x17];
	s5 =	simm.s32 $0x5580;
	[tilespmem:$0x5590] =	vst v2  }
0x53: {  	[hbm4b:s1+s9] =	stream.linear.scatter [tilespmem:s5], [sflag:$0x1], $0x80, $0x38;
	[tilespmem:$0x5600] =	vst v63  }
0x54: {  	_ =	swait.ge [sflag:s13], $0x80  }
0x55: {  	s18 =	rddreg [dreg:$0x19]  }
0x56: {  	s19 =	rddreg [dreg:$0x18];
	s5 =	sadd.s32 $0x1, s18  }
0x57: {  	p1 =	sne.s32 s5, s19  }
.Ltmp1:
0x58: {  	_ = 	snop;
	(pc) =	sbr.rel @!p1 .LBB2_13-.Ltmp1, $3  }
0x59: {  	_ =	sdelay $0x1  }
0x5a: {  	[sflag:s13] =	ssyncset.done $0x0  }
0x5b: {  	[sflag:s13] =	ssyncadd.s32 $0xFFFFFF80;
	s18 =	simm.s32 $0x4000;
	s19 =	simm.s32 $0x4200  }
.LBB2_1:
0x5c: {  	[dreg:$0x19] =	wrdreg s5  }
0x5d: {  	s1 =	rddreg [dreg:$0x15];
	s11 =	simm.s32 $0x4400  }
0x5e: {  	[tilespmem:s11], [sflag:$0x1] =	stream.linear.gather [hbm4b:s1+s9], $0x80, $0x38;
	[tilespmem:$0x5600] =	vst v63  }
0x5f: {  	_ =	swait.ge [sflag:s13], $0x80  }
0x60: {  	[sflag:s13] =	ssyncset.done $0x0  }
0x61: {  	[sflag:s13] =	ssyncadd.s32 $0xFFFFFF80  }
0x62: {  	s15 =	simm.s32 $0x4480;
	s14 =	rddreg [dreg:$0x2]  }
0x63: {  	[tilespmem:s15], [sflag:$0x1] =	stream.linear.gather [hbm4b:s14+s9], $0x10, $0x38;
	[tilespmem:$0x5600] =	vst v63  }
0x64: {  	_ =	swait.ge [sflag:s13], $0x10  }
0x65: {  	[sflag:s13] =	ssyncset.done $0x0  }
0x66: {  	[sflag:s13] =	ssyncadd.s32 $0xFFFFFFF0  }
0x67: {  	v1 =	vld [tilespmem:$0x4480];
	_ =	sdelay $0x4  }
0x68: {  	vm5 =	vcmask $0x308;
	v2 =	vnsel vm1, $0x0, v1  }
0x69: {  	v1 =	vsel vm5, $0x0, v1;
	(xrf2) =	vadd.scan.msk.f32 $0xffff, v2  }
0x6a: {  	(xrf2) =	vadd.scan.msk.f32 $0xffff, v1;
	_ =	sdelay $0x8  }
0x6b: {  	v2 =	vld [tilespmem:$0x4420];
	v1, _, _ =	vpop (xrf2)  }
0x6c: {  	(v2sf) =	vpush v1, $0xF;
	v1, _, _ =	vpop (xrf2)  }
0x6d: {  	(v2sf) =	vpush v1, $0xF;
	_ =	sdelay $0x2  }
0x6e: {  	v1 =	vsel vm5, $0x0, v2;
	vm5 =	vcmask $0x70C  }
0x6f: {  	(xrf2) =	vadd.scan.msk.f32 $0xffff, v1;
	v1 =	vsel vm5, $0x0, v2  }
0x70: {  	(xrf2) =	vadd.scan.msk.f32 $0xffff, v1;
	_ =	sdelay $0x6  }
0x71: {  	s10 =	simm.s32 $0x4500;
	s8 =	rddreg [dreg:$0x3]  }
0x72: {  	[tilespmem:s10], [sflag:$0x1] =	stream.linear.gather [hbm4b:s8+s9], $0x80, $0x38;
	[tilespmem:$0x5600] =	vst v63  }
0x73: {  	v1, _, _ =	vpop (xrf2);
	s16 =	spop (v2sf)  }
0x74: {  	v2, _, _ =	vpop (xrf2);
	s17 =	spop (v2sf)  }
0x75: {  	_ =	swait.ge [sflag:s13], $0x80  }
0x76: {  	[sflag:s13] =	ssyncset.done $0x0  }
0x77: {  	[sflag:s13] =	ssyncadd.s32 $0xFFFFFF80  }
0x78: {  	v3 =	vld [tilespmem:$0x4500];
	_ =	sdelay $0x4  }
0x79: {  	s10 =	smul.f32 $7.629394530e-06, s16;
	(xrf0) =	vadd.scan.msk.s32 $0xffff, v3  }
0x7a: {  	s9 =	smul.f32 $7.629394530e-06, s17  }
0x7b: {  	s11 =	smul.f32 s10, s10;
	_ =	sdelay $0x1  }
0x7c: {  	s1 =	ssub.f32 s9, s11;
	_ =	sdelay $0x1  }
0x7d: {  	s1 =	sadd.f32 $9.999999740e-06, s1;
	v4, _, _ =	vpop (xrf0)  }
0x7e: {  	v3 =	vsub.s32 v4, v3  }
0x7f: {  	v5 =	vmov s1;
	v3 =	vnsel vm0, $0x0, v3  }
0x80: {  	(xrf0) =	vadd.scan.msk.s32 $0xffff, v3;
	v3 =	vshra.s32 v5, $0x1;
	v5 =	vmul.f32 $5.000000000e-01, v5  }
0x81: {  	v6 =	vsub.s32 $0x5F3759DF, v3  }
0x82: {  	v3 =	vmul.f32 v6, v5;
	_ =	sdelay $0x1  }
0x83: {  	v7 =	vmul.f32 v6, v3;
	_ =	sdelay $0x1  }
0x84: {  	v7 =	vsub.f32 $1.500000000e+00, v7  }
0x85: {  	v4 =	vnsel vm0, $0x0, v4;
	v3, _, _ =	vpop (xrf0)  }
0x86: {  	(xrf0) =	vadd.scan.msk.s32 $0xffff, v4;
	(v2sf) =	vpush v3, $0xF;
	v6 =	vmul.f32 v6, v7;
	_ =	sdelay $0x1  }
0x87: {  	v4 =	vmul.f32 v6, v5;
	_ =	sdelay $0x3  }
0x88: {  	v7 =	vmul.f32 v4, v6;
	v4, _, _ =	vpop (xrf0)  }
0x89: {  	(v2sf) =	vpush v4, $0xF  }
0x8a: {  	v7 =	vsub.f32 $1.500000000e+00, v7;
	_ =	sdelay $0x1  }
0x8b: {  	v6 =	vmul.f32 v7, v6;
	_ =	sdelay $0x1  }
0x8c: {  	v7 =	vmul.f32 v6, v5;
	_ =	sdelay $0x1  }
0x8d: {  	v7 =	vmul.f32 v7, v6  }
0x8e: {  	s5 =	spop (v2sf)  }
0x8f: {  	v7 =	vsub.f32 $1.500000000e+00, v7;
	s14 =	sand.u32 $0x1FF, s5  }
0x90: {  	s15 =	sshra.s32 s5, $0x1F;
	p1 =	slt.s32 s5, $0x1;
	p2 =	sne.s32 s14, $0x0  }
0x91: {  	v6 =	vmul.f32 v7, v6;
	s16 =	sshrl.u32 s15, $0x17;
	p1 =	por !p1, !p2  }
0x92: {  	s8 =	simm.s32 $0x1;
	s1 =	sadd.s32 s16, s5;
	p1 =	por !p1, !p1  }
0x93: {  	v5 =	vmul.f32 v6, v5;
	s1 =	sshra.s32 s1, $0x9;
	s8 =	simm.s32 @!p1 $0x0  }
0x94: {  	s8 =	ssub.s32 s1, s8  }
0x95: {  	v5 =	vmul.f32 v5, v6;
	s9 =	sshll.u32 s8, $0x9;
	s1 =	spop (v2sf)  }
0x96: {  	s11 =	ssub.s32 s1, s9  }
0x97: {  	v5 =	vsub.f32 $1.500000000e+00, v5;
	s11 =	sadd.s32 $0x1FF, s11  }
0x98: {  	s14 =	sand.u32 $0x1FF, s11  }
0x99: {  	v1 =	vbroadcast v1, $0xF;
	v5 =	vmul.f32 v5, v6;
	s17 =	sshra.s32 s11, $0x1F;
	p6 =	slt.s32 s11, $0x1;
	p5 =	sne.s32 s14, $0x0  }
0x9a: {  	s14 =	sshrl.u32 s17, $0x17;
	p1 =	por !p6, !p5  }
0x9b: {  	v1 =	vmul.f32 v5, v1;
	s11 =	sadd.s32 s14, s11;
	s14 =	simm.s32 $0x1;
	p1 =	por !p1, !p1  }
0x9c: {  	s11 =	sshra.s32 s11, $0x9;
	s14 =	simm.s32 @!p1 $0x0  }
0x9d: {  	v5 =	vmul.f32 s10, v1;
	s10 =	ssub.s32 s11, s14  }
0x9e: {  	p1 =	slt.s32 s10, $0x1  }
.Ltmp2:
0x9f: {  	_ = 	snop;
	(pc) =	sbr.rel @p1 .LBB2_2-.Ltmp2, $3  }
0xa0: {  	_ = 	snop  }
0xa1: {  	v2 =	vbroadcast v2, $0xF;
	_ =	sdelay $0x1  }
0xa2: {  	v2 =	vsub.f32 v2, v5  }
0xa3: {  	v3 =	vbroadcast v3, $0xF;
	v5 =	vbroadcast v4, $0xF;
	s11 =	simm.s32 $0x0;
	v4 =	vimm.f32 $-3.399999950e+38;
	s14 =	simm.s32 $0x0  }
.LBB2_4:
0xa4: {  	s15 =	sadd.s32 s8, s14  }
0xa5: {  	s15 =	sshll.u32 s15, $0x6  }
0xa6: {  	s15 =	sand.u32 $0x1FFFFFC0, s15  }
0xa7: {  	s16 =	sadd.s32 s6, s15  }
0xa8: {  	[tilespmem:s18], [sflag:$0x1] =	stream.linear.gather [hbm4b:s16+s11], $0x200, $0x38;
	[tilespmem:$0x5600] =	vst v63  }
0xa9: {  	_ =	swait.ge [sflag:s13], $0x200  }
0xaa: {  	[sflag:s13] =	ssyncset.done $0x0  }
0xab: {  	s15 =	sadd.s32 s7, s15;
	[sflag:s13] =	ssyncadd.s32 $0xFFFFFE00  }
0xac: {  	[tilespmem:s19], [sflag:$0x1] =	stream.linear.gather [hbm4b:s15+s11], $0x200, $0x38;
	[tilespmem:$0x5600] =	vst v63  }
0xad: {  	_ =	swait.ge [sflag:s13], $0x200  }
0xae: {  	[sflag:s13] =	ssyncset.done $0x0  }
0xaf: {  	s16 =	simm.s32 $0x0;
	[sflag:s13] =	ssyncadd.s32 $0xFFFFFE00  }
0xb0: {  	v6 =	vld [tilespmem:s16+$0x4000]  }
0xb1: {  	v7 =	vld [tilespmem:s16+$0x4200];
	_ =	sdelay $0x4  }
0xb2: {  	v6 =	vmul.f32 v6, v1;
	v7 =	vmul.f32 v7, v2  }
0xb3: {  	v8 =	vor.u32 s9, v0;
	s17 =	simm.s32 $0x10  }
0xb4: {  	vm5 =	vge.s32 v8, v3;
	vm6 =	vlt.s32 v8, v5;
	v8 =	vadd.f32 v7, v6;
	v6 =	vld [tilespmem:s17+$0x4000]  }
0xb5: {  	v7 =	vld [tilespmem:s17+$0x4200];
	_ =	sdelay $0x1  }
0xb6: {  	vm5 =	vmand vm5, vm6  }
0xb7: {  	s15 =	smov.u32 s9;
	s16 =	simm.s32 $0x80;
	v8 =	vnsel vm5, $0xFF7FC99E, v8  }
.LBB2_5:
0xb8: {  	s17 =	sshra.s32 s16, $0x2;
	v4 =	vmax.f32 v4, v8;
	p1 =	sne.s32 s16, $0x7C0  }
.Ltmp3:
0xb9: {  	s16 =	sadd.s32 $0x40, s16;
	v8 =	vmul.f32 v6, v1;
	s15 =	sadd.s32 $0x10, s15;
	v6 =	vld [tilespmem:s17+$0x4000];
	v9 =	vmul.f32 v7, v2;
	(pc) =	sbr.rel @p1 .LBB2_5-.Ltmp3, $4  }
0xba: {  	v10 =	vor.u32 s15, v0;
	v7 =	vld [tilespmem:s17+$0x4200]  }
0xbb: {  	vm5 =	vge.s32 v10, v3;
	vm6 =	vlt.s32 v10, v5;
	v8 =	vadd.f32 v9, v8  }
0xbc: {  	vm5 =	vmand vm5, vm6  }
0xbd: {  	v8 =	vnsel vm5, $0xFF7FC99E, v8  }
0xbe: {  	s14 =	sadd.s32 $0x1, s14  }
0xbf: {  	v6 =	vmul.f32 v6, v1;
	s15 =	sadd.s32 $0x10, s15;
	v7 =	vmul.f32 v7, v2;
	p1 =	sne.s32 s14, s10  }
.Ltmp4:
0xc0: {  	v9 =	vor.u32 s15, v0;
	(pc) =	sbr.rel @p1 .LBB2_4-.Ltmp4, $4  }
.Ltmp5:
0xc1: {  	vm5 =	vge.s32 v9, v3;
	vm6 =	vlt.s32 v9, v5;
	v6 =	vadd.f32 v7, v6;
	(pc) =	sbr.rel @!p1 .LBB2_7-.Ltmp5, $4  }
0xc2: {  	vm5 =	vmand vm5, vm6  }
0xc3: {  	v4 =	vmax.f32 v4, v8;
	v6 =	vnsel vm5, $0xFF7FC99E, v6  }
0xc4: {  	s9 =	sadd.s32 $0x200, s9;
	v4 =	vmax.f32 v4, v6  }
0xc5: {  	_ = 	snop  }
.LBB2_2:
0xc6: {  	v4 =	vimm.f32 $-3.399999950e+38  }
.LBB2_7:
0xc7: {  	v3 =	vimm.f32 $0.0e+00;
	s8 =	ssub.s32 s1, s5  }
0xc8: {  	[tilespmem:$0x4580] =	vst v3;
	s9 =	sadd.s32 $0x1, s8;
	p1 =	slt.u32 s8, $0x7FFFFFFF;
	s8 =	simm.s32 $0x1  }
0xc9: {  	[tilespmem:$0x4600] =	vst v3;
	s8 =	simm.s32 @!p1 $0x0;
	s10 =	sshra.s32 s9, $0x1F  }
0xca: {  	[tilespmem:$0x4680] =	vst v3;
	s19 =	sand.u32 $0x1, s9;
	s8 =	sadd.s32 s8, s10  }
0xcb: {  	[tilespmem:$0x4700] =	vst v3;
	p2 =	seq.s32 s19, $0x1;
	p3 =	sne.s32 s8, $0x1  }
0xcc: {  	[tilespmem:$0x4780] =	vst v3;
	s11 =	sshrl.u32 s9, $0x1F;
	p1 =	por !p3, !p2  }
0xcd: {  	[tilespmem:$0x4800] =	vst v3;
	s8 =	sadd.s32 s11, s9;
	s9 =	simm.s32 $0x1;
	p1 =	por !p1, !p1  }
0xce: {  	[tilespmem:$0x4880] =	vst v3;
	s8 =	sshra.s32 s8, $0x1;
	s9 =	simm.s32 @!p1 $0x0  }
0xcf: {  	s14 =	rddreg [dreg:$0x16];
	[tilespmem:$0x4900] =	vst v3;
	s8 =	ssub.s32 s8, s9  }
0xd0: {  	[tilespmem:$0x4980] =	vst v3;
	s9 =	smul.u32 s14, s8  }
0xd1: {  	[tilespmem:$0x4A00] =	vst v3  }
0xd2: {  	[tilespmem:$0x4A80] =	vst v3;
	s9 =	sadd.s32 s5, s9  }
0xd3: {  	[tilespmem:$0x4B00] =	vst v3;
	s15 =	sand.u32 $0x1FF, s9  }
0xd4: {  	[tilespmem:$0x4B80] =	vst v3;
	s11 =	sshra.s32 s9, $0x1F;
	p4 =	slt.s32 s9, $0x1;
	p5 =	sne.s32 s15, $0x0  }
0xd5: {  	[tilespmem:$0x4C00] =	vst v3;
	s16 =	sshrl.u32 s11, $0x17;
	p1 =	por !p4, !p5  }
0xd6: {  	[tilespmem:$0x4C80] =	vst v3;
	s11 =	simm.s32 $0x1;
	s10 =	sadd.s32 s16, s9;
	p1 =	por !p1, !p1  }
0xd7: {  	[tilespmem:$0x4D00] =	vst v3;
	s10 =	sshra.s32 s10, $0x9;
	s11 =	simm.s32 @!p1 $0x0  }
0xd8: {  	[tilespmem:$0x4D80] =	vst v3;
	s5 =	sadd.s32 s5, s8;
	s14 =	ssub.s32 s10, s11  }
0xd9: {  	[tilespmem:$0x4E00] =	vst v3;
	s1 =	smov.u32 @p0 s5;
	s17 =	sshll.u32 s14, $0x9  }
0xda: {  	[tilespmem:$0x4E80] =	vst v3;
	s5 =	ssub.s32 s1, s17  }
0xdb: {  	[tilespmem:$0x4F00] =	vst v3;
	s5 =	sadd.s32 $0x1FF, s5  }
0xdc: {  	[tilespmem:$0x4F80] =	vst v3;
	s18 =	sand.u32 $0x1FF, s5  }
0xdd: {  	[tilespmem:$0x5000] =	vst v3;
	s19 =	sshra.s32 s5, $0x1F;
	p3 =	slt.s32 s5, $0x1;
	p6 =	sne.s32 s18, $0x0  }
0xde: {  	[tilespmem:$0x5080] =	vst v3;
	s8 =	sshrl.u32 s19, $0x17;
	p2 =	por !p3, !p6  }
0xdf: {  	[tilespmem:$0x5100] =	vst v3;
	s5 =	sadd.s32 s8, s5;
	s8 =	simm.s32 $0x1;
	p2 =	por !p2, !p2  }
0xe0: {  	[tilespmem:$0x5180] =	vst v3;
	s5 =	sshra.s32 s5, $0x9;
	s8 =	simm.s32 @!p2 $0x0  }
0xe1: {  	(xrf0) =	vmax.scan.msk.f32 $0xffff, v4;
	[tilespmem:$0x5200] =	vst v3;
	s8 =	ssub.s32 s5, s8  }
0xe2: {  	[tilespmem:$0x5280] =	vst v3;
	p2 =	slt.s32 s8, $0x1  }
.Ltmp6:
0xe3: {  	[tilespmem:$0x5300] =	vst v3;
	(pc) =	sbr.rel @p2 .LBB2_12-.Ltmp6, $4  }
0xe4: {  	[tilespmem:$0x5380] =	vst v3  }
0xe5: {  	[tilespmem:$0x5400] =	vst v3  }
0xe6: {  	[tilespmem:$0x5480] =	vst v3  }
0xe7: {  	[tilespmem:$0x5500] =	vst v3;
	v4, _, _ =	vpop (xrf0)  }
0xe8: {  	s5 =	simm.s32 $0xFFFFFFFF  }
0xe9: {  	s5 =	simm.s32 @!p1 $0x0  }
0xea: {  	v4 =	vbroadcast v4, $0xF;
	s10 =	sshll.u32 s10, $0x9;
	s5 =	sshll.u32 s5, $0x9  }
0xeb: {  	v5 =	vmov s9;
	v6 =	vmov s1;
	s11 =	simm.s32 $0x0;
	v3 =	vimm.f32 $0.0e+00;
	s9 =	simm.s32 $0x0;
	s10 =	sadd.s32 s5, s10  }
.LBB2_9:
0xec: {  	s1 =	sadd.s32 s14, s9  }
0xed: {  	s1 =	sshll.u32 s1, $0x9  }
0xee: {  	s15 =	rddreg [dreg:$0x0];
	s5 =	sand.u32 $0x1FFFFE00, s1  }
0xef: {  	s19 =	simm.s32 $0x1000;
	s16 =	simm.s32 $0x100000;
	s5 =	sadd.s32 s15, s5  }
0xf0: {  	[tilespmem:s11], [sflag:$0x1] =	stream.strided.gather [hbm4b:s5+s19], $0x4000, s16, s19, $0x38;
	[tilespmem:$0x5600] =	vst v63  }
0xf1: {  	_ =	swait.ge [sflag:s13], $0x4000  }
0xf2: {  	s1 =	sshrl.u32 s1, $0x3;
	[sflag:s13] =	ssyncset.done $0x0  }
0xf3: {  	s17 =	sadd.s32 s6, s1;
	s5 =	simm.s32 $0x4000;
	[sflag:s13] =	ssyncadd.s32 $0xFFFFC000  }
0xf4: {  	[tilespmem:s5], [sflag:$0x1] =	stream.linear.gather [hbm4b:s17+s11], $0x200, $0x38;
	[tilespmem:$0x5600] =	vst v63  }
0xf5: {  	_ =	swait.ge [sflag:s13], $0x200  }
0xf6: {  	[sflag:s13] =	ssyncset.done $0x0  }
0xf7: {  	s1 =	sadd.s32 s7, s1;
	s15 =	simm.s32 $0x4200;
	[sflag:s13] =	ssyncadd.s32 $0xFFFFFE00  }
0xf8: {  	[tilespmem:s15], [sflag:$0x1] =	stream.linear.gather [hbm4b:s1+s11], $0x200, $0x38;
	[tilespmem:$0x5600] =	vst v63  }
0xf9: {  	_ =	swait.ge [sflag:s13], $0x200  }
0xfa: {  	[sflag:s13] =	ssyncset.done $0x0  }
0xfb: {  	[sflag:s13] =	ssyncadd.s32 $0xFFFFFE00  }
0xfc: {  	v7 =	vld [tilespmem:s15+$0x0]  }
0xfd: {  	v8 =	vld [tilespmem:s5+$0x0];
	_ =	sdelay $0x4  }
0xfe: {  	v7 =	vmul.f32 v7, v2;
	v8 =	vmul.f32 v8, v1;
	_ =	sdelay $0x1  }
0xff: {  	v7 =	vadd.f32 v7, v8;
	_ =	sdelay $0x1  }
0x100: {  	v7 =	vsub.f32 v7, v4;
	_ =	sdelay $0x1  }
0x101: {  	v7 =	vmin.f32 v7, $0.0e+00  }
0x102: {  	v7 =	vmul.f32 $1.442695020e+00, v7;
	_ =	sdelay $0x1  }
0x103: {  	(erf) = vpow2.f32 v7;
	_ =	sdelay $0x3  }
0x104: {  	s18 =	sand.u32 $0x70, s11;
	s19 =	sand.u32 $0xC00, s11  }
0x105: {  	s17 =	sadd.s32 $0x0, s10;
	s1 =	sor.u32 s18, s19  }
0x106: {  	v8 =	vor.u32 s17, v0;
	v7 =	vld [tilespmem:s1+$0x0];
	_ =	sdelay $0x1  }
0x107: {  	vm5 =	vge.s32 v8, v5;
	vm6 =	vlt.s32 v8, v6  }
0x108: {  	vm5 =	vmand vm5, vm6;
	v8 =	vpop (erf)  }
0x109: {  	v8 =	vnsel vm5, $0x0, v8  }
0x10a: {  	v7 =	vmul.f32 v8, v7  }
0x10b: {  	s18 =	rddreg [dreg:$0x5]  }
0x10c: {  	[tilespmem:s18+$0x0] =	vst.add.f32.msk $0xffff, v7  }
0x10d: {  	v7 =	vld [tilespmem:s1+$0x80];
	_ =	sdelay $0x4  }
0x10e: {  	v7 =	vmul.f32 v8, v7  }
0x10f: {  	s19 =	rddreg [dreg:$0x6]  }
0x110: {  	[tilespmem:s19+$0x0] =	vst.add.f32.msk $0xffff, v7  }
0x111: {  	v7 =	vld [tilespmem:s1+$0x100];
	_ =	sdelay $0x4  }
0x112: {  	v7 =	vmul.f32 v8, v7  }
0x113: {  	s17 =	rddreg [dreg:$0x7]  }
0x114: {  	[tilespmem:s17+$0x0] =	vst.add.f32.msk $0xffff, v7  }
0x115: {  	v7 =	vld [tilespmem:s1+$0x180];
	_ =	sdelay $0x4  }
0x116: {  	v7 =	vmul.f32 v7, v8  }
0x117: {  	s18 =	rddreg [dreg:$0x8]  }
0x118: {  	[tilespmem:s18+$0x0] =	vst.add.f32.msk $0xffff, v7  }
0x119: {  	v7 =	vld [tilespmem:s1+$0x200];
	_ =	sdelay $0x4  }
0x11a: {  	v7 =	vmul.f32 v7, v8  }
0x11b: {  	s19 =	rddreg [dreg:$0x9]  }
0x11c: {  	[tilespmem:s19+$0x0] =	vst.add.f32.msk $0xffff, v7  }
0x11d: {  	v7 =	vld [tilespmem:s1+$0x280];
	_ =	sdelay $0x4  }
0x11e: {  	v7 =	vmul.f32 v7, v8  }
0x11f: {  	s17 =	rddreg [dreg:$0xa]  }
0x120: {  	[tilespmem:s17+$0x0] =	vst.add.f32.msk $0xffff, v7  }
0x121: {  	v7 =	vld [tilespmem:s1+$0x300];
	_ =	sdelay $0x4  }
0x122: {  	v7 =	vmul.f32 v7, v8  }
0x123: {  	s18 =	rddreg [dreg:$0xb];
	s17 =	sor.u32 s11, s11  }
0x124: {  	s19 =	sor.u32 $0x380, s17;
	[tilespmem:s18+$0x0] =	vst.add.f32.msk $0xffff, v7  }
0x125: {  	v7 =	vld [tilespmem:s19+$0x0];
	_ =	sdelay $0x4  }
0x126: {  	v7 =	vmul.f32 v7, v8  }
0x127: {  	s17 =	rddreg [dreg:$0xc]  }
0x128: {  	[tilespmem:s17+$0x0] =	vst.add.f32.msk $0xffff, v7  }
0x129: {  	v7 =	vld [tilespmem:s1+$0x1000];
	_ =	sdelay $0x4  }
0x12a: {  	v7 =	vmul.f32 v7, v8  }
0x12b: {  	s18 =	rddreg [dreg:$0xd]  }
0x12c: {  	[tilespmem:s18+$0x0] =	vst.add.f32.msk $0xffff, v7  }
0x12d: {  	v7 =	vld [tilespmem:s1+$0x1080];
	_ =	sdelay $0x4  }
0x12e: {  	v7 =	vmul.f32 v7, v8  }
0x12f: {  	s19 =	rddreg [dreg:$0xe]  }
0x130: {  	[tilespmem:s19+$0x0] =	vst.add.f32.msk $0xffff, v7  }
0x131: {  	v7 =	vld [tilespmem:s1+$0x1100];
	_ =	sdelay $0x4  }
0x132: {  	v7 =	vmul.f32 v7, v8  }
0x133: {  	s17 =	rddreg [dreg:$0xf]  }
0x134: {  	[tilespmem:s17+$0x0] =	vst.add.f32.msk $0xffff, v7  }
0x135: {  	v7 =	vld [tilespmem:s1+$0x1180];
	_ =	sdelay $0x4  }
0x136: {  	v7 =	vmul.f32 v7, v8  }
0x137: {  	s18 =	rddreg [dreg:$0x10]  }
0x138: {  	[tilespmem:s18+$0x0] =	vst.add.f32.msk $0xffff, v7  }
0x139: {  	v7 =	vld [tilespmem:s1+$0x1200];
	_ =	sdelay $0x4  }
0x13a: {  	v7 =	vmul.f32 v7, v8  }
0x13b: {  	s19 =	rddreg [dreg:$0x11]  }
0x13c: {  	[tilespmem:s19+$0x0] =	vst.add.f32.msk $0xffff, v7  }
0x13d: {  	v7 =	vld [tilespmem:s1+$0x1280];
	_ =	sdelay $0x4  }
0x13e: {  	v7 =	vmul.f32 v7, v8  }
0x13f: {  	s17 =	rddreg [dreg:$0x12]  }
0x140: {  	[tilespmem:s17+$0x0] =	vst.add.f32.msk $0xffff, v7  }
0x141: {  	v7 =	vld [tilespmem:s1+$0x1300];
	_ =	sdelay $0x4  }
0x142: {  	v7 =	vmul.f32 v7, v8  }
0x143: {  	s18 =	rddreg [dreg:$0x13]  }
0x144: {  	[tilespmem:s18+$0x0] =	vst.add.f32.msk $0xffff, v7  }
0x145: {  	v7 =	vld [tilespmem:s1+$0x1380];
	_ =	sdelay $0x4  }
0x146: {  	v7 =	vmul.f32 v7, v8  }
0x147: {  	s19 =	rddreg [dreg:$0x14]  }
0x148: {  	[tilespmem:s19+$0x0] =	vst.add.f32.msk $0xffff, v7  }
0x149: {  	v7 =	vld [tilespmem:s1+$0x2000];
	_ =	sdelay $0x4  }
0x14a: {  	v7 =	vmul.f32 v7, v8;
	_ =	sdelay $0x1  }
0x14b: {  	[tilespmem:s20+$0x0] =	vst.add.f32.msk $0xffff, v7  }
0x14c: {  	v7 =	vld [tilespmem:s1+$0x2080];
	_ =	sdelay $0x4  }
0x14d: {  	v7 =	vmul.f32 v7, v8;
	_ =	sdelay $0x1  }
0x14e: {  	[tilespmem:s21+$0x0] =	vst.add.f32.msk $0xffff, v7  }
0x14f: {  	v7 =	vld [tilespmem:s1+$0x2100];
	_ =	sdelay $0x4  }
0x150: {  	v7 =	vmul.f32 v7, v8;
	_ =	sdelay $0x1  }
0x151: {  	[tilespmem:s22+$0x0] =	vst.add.f32.msk $0xffff, v7  }
0x152: {  	v7 =	vld [tilespmem:s1+$0x2180];
	_ =	sdelay $0x4  }
0x153: {  	v7 =	vmul.f32 v7, v8;
	_ =	sdelay $0x1  }
0x154: {  	[tilespmem:s23+$0x0] =	vst.add.f32.msk $0xffff, v7  }
0x155: {  	v7 =	vld [tilespmem:s1+$0x2200];
	_ =	sdelay $0x4  }
0x156: {  	v7 =	vmul.f32 v7, v8;
	_ =	sdelay $0x1  }
0x157: {  	[tilespmem:s24+$0x0] =	vst.add.f32.msk $0xffff, v7  }
0x158: {  	v7 =	vld [tilespmem:s1+$0x2280];
	_ =	sdelay $0x4  }
0x159: {  	v7 =	vmul.f32 v7, v8;
	_ =	sdelay $0x1  }
0x15a: {  	[tilespmem:s25+$0x0] =	vst.add.f32.msk $0xffff, v7  }
0x15b: {  	v7 =	vld [tilespmem:s1+$0x2300];
	_ =	sdelay $0x4  }
0x15c: {  	v7 =	vmul.f32 v7, v8;
	_ =	sdelay $0x1  }
0x15d: {  	[tilespmem:s26+$0x0] =	vst.add.f32.msk $0xffff, v7  }
0x15e: {  	v7 =	vld [tilespmem:s1+$0x2380];
	_ =	sdelay $0x4  }
0x15f: {  	v7 =	vmul.f32 v7, v8;
	_ =	sdelay $0x1  }
0x160: {  	[tilespmem:s28+$0x0] =	vst.add.f32.msk $0xffff, v7  }
0x161: {  	v7 =	vld [tilespmem:s1+$0x3000];
	_ =	sdelay $0x4  }
0x162: {  	v7 =	vmul.f32 v7, v8;
	_ =	sdelay $0x1  }
0x163: {  	[tilespmem:s29+$0x0] =	vst.add.f32.msk $0xffff, v7  }
0x164: {  	v7 =	vld [tilespmem:s1+$0x3080];
	_ =	sdelay $0x4  }
0x165: {  	v7 =	vmul.f32 v7, v8;
	_ =	sdelay $0x1  }
0x166: {  	[tilespmem:s30+$0x0] =	vst.add.f32.msk $0xffff, v7  }
0x167: {  	v7 =	vld [tilespmem:s1+$0x3100];
	_ =	sdelay $0x4  }
0x168: {  	v7 =	vmul.f32 v7, v8;
	_ =	sdelay $0x1  }
0x169: {  	[tilespmem:s31+$0x0] =	vst.add.f32.msk $0xffff, v7  }
0x16a: {  	v7 =	vld [tilespmem:s1+$0x3180];
	_ =	sdelay $0x4  }
0x16b: {  	v7 =	vmul.f32 v7, v8;
	_ =	sdelay $0x1  }
0x16c: {  	[tilespmem:s0+$0x0] =	vst.add.f32.msk $0xffff, v7  }
0x16d: {  	v7 =	vld [tilespmem:s1+$0x3200];
	_ =	sdelay $0x4  }
0x16e: {  	v7 =	vmul.f32 v7, v8;
	_ =	sdelay $0x1  }
0x16f: {  	[tilespmem:s4+$0x0] =	vst.add.f32.msk $0xffff, v7  }
0x170: {  	v7 =	vld [tilespmem:s1+$0x3280];
	_ =	sdelay $0x4  }
0x171: {  	v7 =	vmul.f32 v7, v8;
	_ =	sdelay $0x1  }
0x172: {  	[tilespmem:s2+$0x0] =	vst.add.f32.msk $0xffff, v7  }
0x173: {  	v7 =	vld [tilespmem:s1+$0x3300];
	_ =	sdelay $0x4  }
0x174: {  	v7 =	vmul.f32 v7, v8;
	_ =	sdelay $0x1  }
0x175: {  	[tilespmem:s3+$0x0] =	vst.add.f32.msk $0xffff, v7  }
0x176: {  	v7 =	vld [tilespmem:s1+$0x3380];
	_ =	sdelay $0x4  }
0x177: {  	s16 =	simm.s32 $0x0;
	v3 =	vadd.f32 v8, v3;
	s1 =	simm.s32 $0x10;
	v7 =	vmul.f32 v7, v8  }
.LBB2_10:
0x178: {  	_ = 	snop  }
0x179: {  	s15 =	sadd.s32 $0x10, s15;
	[tilespmem:s12+$0x0] =	vst.add.f32.msk $0xffff, v7  }
0x17a: {  	s5 =	sadd.s32 $0x10, s5;
	v7 =	vld [tilespmem:s15+$0x0]  }
0x17b: {  	v8 =	vld [tilespmem:s5+$0x0];
	_ =	sdelay $0x4  }
0x17c: {  	v7 =	vmul.f32 v7, v2;
	v8 =	vmul.f32 v8, v1;
	_ =	sdelay $0x1  }
0x17d: {  	v7 =	vadd.f32 v7, v8;
	_ =	sdelay $0x1  }
0x17e: {  	v7 =	vsub.f32 v7, v4;
	_ =	sdelay $0x1  }
0x17f: {  	v7 =	vmin.f32 v7, $0.0e+00  }
0x180: {  	v7 =	vmul.f32 $1.442695020e+00, v7;
	_ =	sdelay $0x1  }
0x181: {  	(erf) = vpow2.f32 v7;
	_ =	sdelay $0x2  }
0x182: {  	s16 =	sadd.s32 $0x80, s16;
	s18 =	smov.u32 s1  }
0x183: {  	s17 =	sand.u32 $0x70, s18;
	s19 =	sand.u32 $0xC00, s16  }
0x184: {  	s17 =	sor.u32 s17, s19  }
0x185: {  	s19 =	sadd.s32 s18, s10;
	v8 =	vld [tilespmem:s17+$0x0]  }
0x186: {  	v9 =	vor.u32 s19, v0  }
0x187: {  	vm5 =	vge.s32 v9, v5;
	vm6 =	vlt.s32 v9, v6  }
0x188: {  	vm5 =	vmand vm5, vm6;
	v7 =	vpop (erf)  }
0x189: {  	v7 =	vnsel vm5, $0x0, v7  }
0x18a: {  	v8 =	vmul.f32 v7, v8  }
0x18b: {  	s19 =	rddreg [dreg:$0x5]  }
0x18c: {  	[tilespmem:s19+$0x0] =	vst.add.f32.msk $0xffff, v8  }
0x18d: {  	v8 =	vld [tilespmem:s17+$0x80];
	_ =	sdelay $0x4  }
0x18e: {  	v8 =	vmul.f32 v7, v8  }
0x18f: {  	s19 =	rddreg [dreg:$0x6]  }
0x190: {  	[tilespmem:s19+$0x0] =	vst.add.f32.msk $0xffff, v8  }
0x191: {  	v8 =	vld [tilespmem:s17+$0x100];
	_ =	sdelay $0x4  }
0x192: {  	v8 =	vmul.f32 v7, v8  }
0x193: {  	s19 =	rddreg [dreg:$0x7]  }
0x194: {  	[tilespmem:s19+$0x0] =	vst.add.f32.msk $0xffff, v8  }
0x195: {  	v8 =	vld [tilespmem:s17+$0x180];
	_ =	sdelay $0x4  }
0x196: {  	v8 =	vmul.f32 v8, v7  }
0x197: {  	s19 =	rddreg [dreg:$0x8]  }
0x198: {  	[tilespmem:s19+$0x0] =	vst.add.f32.msk $0xffff, v8  }
0x199: {  	v8 =	vld [tilespmem:s17+$0x200];
	_ =	sdelay $0x4  }
0x19a: {  	v8 =	vmul.f32 v8, v7  }
0x19b: {  	s19 =	rddreg [dreg:$0x9]  }
0x19c: {  	[tilespmem:s19+$0x0] =	vst.add.f32.msk $0xffff, v8  }
0x19d: {  	v8 =	vld [tilespmem:s17+$0x280];
	_ =	sdelay $0x4  }
0x19e: {  	v8 =	vmul.f32 v8, v7  }
0x19f: {  	s19 =	rddreg [dreg:$0xa]  }
0x1a0: {  	[tilespmem:s19+$0x0] =	vst.add.f32.msk $0xffff, v8  }
0x1a1: {  	v8 =	vld [tilespmem:s17+$0x300];
	_ =	sdelay $0x4  }
0x1a2: {  	v8 =	vmul.f32 v8, v7  }
0x1a3: {  	s18 =	sor.u32 s16, s18;
	s19 =	rddreg [dreg:$0xb]  }
0x1a4: {  	s18 =	sor.u32 $0x380, s18;
	[tilespmem:s19+$0x0] =	vst.add.f32.msk $0xffff, v8  }
0x1a5: {  	v8 =	vld [tilespmem:s18+$0x0];
	_ =	sdelay $0x4  }
0x1a6: {  	v8 =	vmul.f32 v8, v7  }
0x1a7: {  	s19 =	rddreg [dreg:$0xc]  }
0x1a8: {  	[tilespmem:s19+$0x0] =	vst.add.f32.msk $0xffff, v8  }
0x1a9: {  	v8 =	vld [tilespmem:s17+$0x1000];
	_ =	sdelay $0x4  }
0x1aa: {  	v8 =	vmul.f32 v8, v7  }
0x1ab: {  	s19 =	rddreg [dreg:$0xd]  }
0x1ac: {  	[tilespmem:s19+$0x0] =	vst.add.f32.msk $0xffff, v8  }
0x1ad: {  	v8 =	vld [tilespmem:s17+$0x1080];
	_ =	sdelay $0x4  }
0x1ae: {  	v8 =	vmul.f32 v8, v7  }
0x1af: {  	s19 =	rddreg [dreg:$0xe]  }
0x1b0: {  	[tilespmem:s19+$0x0] =	vst.add.f32.msk $0xffff, v8  }
0x1b1: {  	v8 =	vld [tilespmem:s17+$0x1100];
	_ =	sdelay $0x4  }
0x1b2: {  	v8 =	vmul.f32 v8, v7  }
0x1b3: {  	s19 =	rddreg [dreg:$0xf]  }
0x1b4: {  	[tilespmem:s19+$0x0] =	vst.add.f32.msk $0xffff, v8  }
0x1b5: {  	v8 =	vld [tilespmem:s17+$0x1180];
	_ =	sdelay $0x4  }
0x1b6: {  	v8 =	vmul.f32 v8, v7  }
0x1b7: {  	s19 =	rddreg [dreg:$0x10]  }
0x1b8: {  	[tilespmem:s19+$0x0] =	vst.add.f32.msk $0xffff, v8  }
0x1b9: {  	v8 =	vld [tilespmem:s17+$0x1200];
	_ =	sdelay $0x4  }
0x1ba: {  	v8 =	vmul.f32 v8, v7  }
0x1bb: {  	s19 =	rddreg [dreg:$0x11]  }
0x1bc: {  	[tilespmem:s19+$0x0] =	vst.add.f32.msk $0xffff, v8  }
0x1bd: {  	v8 =	vld [tilespmem:s17+$0x1280];
	_ =	sdelay $0x4  }
0x1be: {  	v8 =	vmul.f32 v8, v7  }
0x1bf: {  	s19 =	rddreg [dreg:$0x12]  }
0x1c0: {  	[tilespmem:s19+$0x0] =	vst.add.f32.msk $0xffff, v8  }
0x1c1: {  	v8 =	vld [tilespmem:s17+$0x1300];
	_ =	sdelay $0x4  }
0x1c2: {  	v8 =	vmul.f32 v8, v7  }
0x1c3: {  	s19 =	rddreg [dreg:$0x13]  }
0x1c4: {  	[tilespmem:s19+$0x0] =	vst.add.f32.msk $0xffff, v8  }
0x1c5: {  	v8 =	vld [tilespmem:s17+$0x1380];
	_ =	sdelay $0x4  }
0x1c6: {  	v8 =	vmul.f32 v8, v7  }
0x1c7: {  	s19 =	rddreg [dreg:$0x14]  }
0x1c8: {  	[tilespmem:s19+$0x0] =	vst.add.f32.msk $0xffff, v8  }
0x1c9: {  	v8 =	vld [tilespmem:s17+$0x2000];
	_ =	sdelay $0x4  }
0x1ca: {  	v8 =	vmul.f32 v8, v7;
	_ =	sdelay $0x1  }
0x1cb: {  	[tilespmem:s20+$0x0] =	vst.add.f32.msk $0xffff, v8  }
0x1cc: {  	v8 =	vld [tilespmem:s17+$0x2080];
	_ =	sdelay $0x4  }
0x1cd: {  	v8 =	vmul.f32 v8, v7;
	_ =	sdelay $0x1  }
0x1ce: {  	[tilespmem:s21+$0x0] =	vst.add.f32.msk $0xffff, v8  }
0x1cf: {  	v8 =	vld [tilespmem:s17+$0x2100];
	_ =	sdelay $0x4  }
0x1d0: {  	v8 =	vmul.f32 v8, v7;
	_ =	sdelay $0x1  }
0x1d1: {  	[tilespmem:s22+$0x0] =	vst.add.f32.msk $0xffff, v8  }
0x1d2: {  	v8 =	vld [tilespmem:s17+$0x2180];
	_ =	sdelay $0x4  }
0x1d3: {  	v8 =	vmul.f32 v8, v7;
	_ =	sdelay $0x1  }
0x1d4: {  	[tilespmem:s23+$0x0] =	vst.add.f32.msk $0xffff, v8  }
0x1d5: {  	v8 =	vld [tilespmem:s17+$0x2200];
	_ =	sdelay $0x4  }
0x1d6: {  	v8 =	vmul.f32 v8, v7;
	_ =	sdelay $0x1  }
0x1d7: {  	[tilespmem:s24+$0x0] =	vst.add.f32.msk $0xffff, v8  }
0x1d8: {  	v8 =	vld [tilespmem:s17+$0x2280];
	_ =	sdelay $0x4  }
0x1d9: {  	v8 =	vmul.f32 v8, v7;
	_ =	sdelay $0x1  }
0x1da: {  	[tilespmem:s25+$0x0] =	vst.add.f32.msk $0xffff, v8  }
0x1db: {  	v8 =	vld [tilespmem:s17+$0x2300];
	_ =	sdelay $0x4  }
0x1dc: {  	v8 =	vmul.f32 v8, v7;
	_ =	sdelay $0x1  }
0x1dd: {  	[tilespmem:s26+$0x0] =	vst.add.f32.msk $0xffff, v8  }
0x1de: {  	v8 =	vld [tilespmem:s17+$0x2380];
	_ =	sdelay $0x4  }
0x1df: {  	v8 =	vmul.f32 v8, v7;
	_ =	sdelay $0x1  }
0x1e0: {  	[tilespmem:s28+$0x0] =	vst.add.f32.msk $0xffff, v8  }
0x1e1: {  	v8 =	vld [tilespmem:s17+$0x3000];
	_ =	sdelay $0x4  }
0x1e2: {  	v8 =	vmul.f32 v8, v7;
	_ =	sdelay $0x1  }
0x1e3: {  	[tilespmem:s29+$0x0] =	vst.add.f32.msk $0xffff, v8  }
0x1e4: {  	v8 =	vld [tilespmem:s17+$0x3080];
	_ =	sdelay $0x4  }
0x1e5: {  	v8 =	vmul.f32 v8, v7;
	_ =	sdelay $0x1  }
0x1e6: {  	[tilespmem:s30+$0x0] =	vst.add.f32.msk $0xffff, v8  }
0x1e7: {  	v8 =	vld [tilespmem:s17+$0x3100];
	_ =	sdelay $0x4  }
0x1e8: {  	v8 =	vmul.f32 v8, v7;
	_ =	sdelay $0x1  }
0x1e9: {  	[tilespmem:s31+$0x0] =	vst.add.f32.msk $0xffff, v8  }
0x1ea: {  	v8 =	vld [tilespmem:s17+$0x3180];
	_ =	sdelay $0x4  }
0x1eb: {  	v8 =	vmul.f32 v8, v7;
	_ =	sdelay $0x1  }
0x1ec: {  	[tilespmem:s0+$0x0] =	vst.add.f32.msk $0xffff, v8  }
0x1ed: {  	v8 =	vld [tilespmem:s17+$0x3200];
	_ =	sdelay $0x4  }
0x1ee: {  	v8 =	vmul.f32 v8, v7;
	_ =	sdelay $0x1  }
0x1ef: {  	[tilespmem:s4+$0x0] =	vst.add.f32.msk $0xffff, v8  }
0x1f0: {  	v8 =	vld [tilespmem:s17+$0x3280];
	_ =	sdelay $0x4  }
0x1f1: {  	v8 =	vmul.f32 v8, v7;
	_ =	sdelay $0x1  }
0x1f2: {  	[tilespmem:s2+$0x0] =	vst.add.f32.msk $0xffff, v8  }
0x1f3: {  	v8 =	vld [tilespmem:s17+$0x3300];
	_ =	sdelay $0x4  }
0x1f4: {  	v8 =	vmul.f32 v8, v7;
	_ =	sdelay $0x1  }
0x1f5: {  	[tilespmem:s3+$0x0] =	vst.add.f32.msk $0xffff, v8  }
0x1f6: {  	p1 =	sne.s32 s1, $0x1F0;
	v8 =	vld [tilespmem:s17+$0x3380]  }
.Ltmp7:
0x1f7: {  	_ = 	snop;
	(pc) =	sbr.rel @p1 .LBB2_10-.Ltmp7, $2  }
0x1f8: {  	_ =	sdelay $0x2  }
0x1f9: {  	s1 =	sadd.s32 $0x10, s1;
	v3 =	vadd.f32 v7, v3;
	v7 =	vmul.f32 v8, v7  }
0x1fa: {  	s9 =	sadd.s32 $0x1, s9  }
0x1fb: {  	p1 =	sne.s32 s9, s8  }
.Ltmp8:
0x1fc: {  	_ = 	snop;
	(pc) =	sbr.rel @p1 .LBB2_9-.Ltmp8, $4  }
.Ltmp9:
0x1fd: {  	_ = 	snop;
	(pc) =	sbr.rel @!p1 .LBB2_12-.Ltmp9, $4  }
0x1fe: {  	_ = 	snop  }
0x1ff: {  	_ = 	snop  }
0x200: {  	s10 =	sadd.s32 $0x200, s10;
	[tilespmem:s12+$0x0] =	vst.add.f32.msk $0xffff, v7  }
0x201: {  	_ = 	snop  }
.LBB2_13:
0x202: {  	_ =	sfence.sel $0x180000  }
0x203: {  	[bflag:$0x0] =	sbarrier.arrive $0xFFFF  }
0x204: {  	_ =	strace $0x90000047  }
0x205: {  	s0 =	stileid.u32;
	[bflag:$0x2] =	sbarrier.arrive $0xFFFF  }
0x206: {  	p0 =	sne.s32 s0, $0x0;
	s0 =	rddreg [dreg:$0x4]  }
0x207: {  	s0 =	sadd.s32 @!p0 $0x100000, s0  }
0x208: {  	[sflag:s0] =	ssyncadd.tile.s32 @!p0 $0x1;
	_ =	shalt  }
.Lfunc_end2:
_tile_overlayer_lowered:
.L_overlay_start_2:
0x209: {  	(tag) =	ssettag $0x2  }
0x20a: {  	s0 =	rddreg [dreg:$0x0];
	s2 =	stileid.u32  }
0x20b: {  	s1 =	rddreg [dreg:$0x1];
	p0 =	sne.s32 s2, $0x0  }
0x20c: {  	s3 =	rddreg [dreg:$0x2];
	[bflag:$0x3] =	sbarrier.arrive $0xFFFF;
	s2 =	simm.s32 @!p0 $0x1C01  }
0x20d: {  	[timem:s3], [sflag:s2] =	dma.local @!p0 [hbm:s0], s1  }
0x20e: {  	s0 =	simm.s32 @!p0 $0x1  }
0x20f: {  	_ =	swait.ge @!p0 [sflag:s0], s1  }
0x210: {  	s1 =	ssub.s32 @!p0 $0x0, s1;
	[sflag:s0] =	ssyncset.done @!p0 $0x0  }
0x211: {  	[sflag:s0] =	ssyncadd.s32 @!p0 s1  }
0x212: {  	[bflag:$0x3] =	sbarrier.arrive $0xFFFF  }
0x213: {  	_ =	shalt  }

// kernel: kernel.8.cloned.1.call-start
scs
__scs_entry_jumppad:
0x0: {  	(pc) =	sbr.rel $0x88, $3  }
0x1: {  	(tag) =	ssettag $0x0;
	lr =	simm.s32 $0x1  }
0x2: {  	[smem:$0x3F9B] =	sst lr;
	_ =	strace $0xD0000000  }
0x3: {  	_ = 	snop  }
0x4: {  	_ = 	snop  }
0x5: {  	_ = 	snop  }
0x6: {  	_ = 	snop  }
0x7: {  	_ = 	snop  }
__scs_overlays_trampoline_lowered:
0x8: {  	[smem:$0x3FAA] =	sst s0  }
0x9: {  	[smem:$0x3FAB] =	sst s1  }
0xa: {  	[smem:$0x3FAC] =	sst s2  }
0xb: {  	[smem:$0x3FAD] =	sst s3  }
0xc: {  	[smem:$0x3FAE] =	sst s4  }
0xd: {  	[smem:$0x3FAF] =	sst s5  }
0xe: {  	[smem:$0x3FB0] =	sst s6  }
0xf: {  	[smem:$0x3FB1] =	sst s7  }
0x10: {  	[smem:$0x3FB2] =	sst s8  }
0x11: {  	[smem:$0x3FB3] =	sst s9;
	s0 =	simm.s32 @!p0 $0x0  }
0x12: {  	s1 =	sld [smem:$0x3F99];
	s0 =	simm.s32 @p0 $0x1  }
0x13: {  	[smem:$0x3FB4] =	sst s0;
	s0 =	simm.s32 @!p1 $0x0  }
0x14: {  	s2 =	sld [smem:$0x3F98];
	s0 =	simm.s32 @p1 $0x1  }
0x15: {  	[smem:$0x3FB5] =	sst s0;
	s0 =	simm.s32 @!p2 $0x0  }
0x16: {  	s3 =	sld [smem:$0x3FDB];
	s0 =	simm.s32 @p2 $0x1  }
0x17: {  	s4 =	simm.s32 $0x1BF5;
	[smem:$0x3FB7] =	sst s0  }
0x18: {  	s0 =	sld [smem:$0x3F9A];
	_ =	swait.ge [sflag:s4], $0x0  }
0x19: {  	s7 =	sld [smem:$0x3F9B]  }
0x1a: {  	s8 =	sadd.s32 $0xFFFFE003, lr  }
0x1b: {  	s9 =	sadd.s32 $0xFFFFFEF7, lr;
	s5 =	simm.s32 $0xFFFFFFFF;
	p2 =	slt.u32 s8, $0xFFFFF086  }
0x1c: {  	p1 =	slt.u32 s9, $0xF7A;
	s5 =	simm.s32 @!p2 $0x0  }
0x1d: {  	s5 =	simm.s32 @p1 $0x1;
	p0 =	seq.s32 s7, s2  }
0x1e: {  	s7 =	smul.u32 @!p0 $0xF7A, s2;
	p2 =	seq.s32 @!p0 s5, $0x0  }
0x1f: {  	s9 =	smul.u32 $0xF7A, s1;
	s8 =	simm.s32 @!p0 $0x1BF5;
	p2 =	por !p2, p0  }
0x20: {  	[sflag:s8] =	ssyncset.s32 @!p0 $0xFFFFF086;
	s6 =	sadd.s32 @!p0 s3, s7;
	s7 =	simm.s32 @!p0 $0x108  }
0x21: {  	s3 =	sadd.s32 s3, s9;
	s6 =	sadd.s32 @!p0 $0x88, s6;
	s7 =	simm.s32 @p2 $0x1082  }
0x22: {  	[simem:s7], [sflag:s8] =	dma.local @!p0 [hbm:s6], $0xF7A  }
0x23: {  	s9 =	sor.u32 $0xD0000000, s2;
	s6 =	simm.s32 $0x108;
	_ =	swait.ge @!p0 [sflag:s8], $0x0  }
0x24: {  	s3 =	sadd.s32 $0x88, s3;
	s6 =	simm.s32 @!p1 $0x1082;
	[sflag:s4] =	ssyncset.s32 $0xFFFFF086  }
0x25: {  	[simem:s6], [sflag:s4] =	dma.local [hbm:s3], $0xF7A  }
0x26: {  	[smem:$0x3F9B] =	sst s1;
	(tag) =	ssettag s2;
	_ =	strace s9  }
0x27: {  	s1 =	sld [smem:$0x3FAB]  }
0x28: {  	s2 =	sld [smem:$0x3FAC]  }
0x29: {  	s4 =	sld [smem:$0x3FAE]  }
0x2a: {  	p0 =	seq.s32 s5, $0x0;
	s5 =	sld [smem:$0x3FAF]  }
0x2b: {  	s6 =	sld [smem:$0x3FB0]  }
0x2c: {  	s7 =	sld [smem:$0x3FB1]  }
0x2d: {  	s3 =	simm.s32 $0x108;
	s8 =	sld [smem:$0x3FB2]  }
0x2e: {  	s3 =	simm.s32 @!p0 $0x1082;
	s9 =	sld [smem:$0x3FB3]  }
0x2f: {  	lr =	sadd.s32 s0, s3;
	s0 =	sld [smem:$0x3FAA]  }
0x30: {  	s3 =	sld [smem:$0x3FAD]  }
0x31: {  	[smem:$0x3FB6] =	sst s10  }
0x32: {  	s10 =	sld [smem:$0x3FB4];
	_ =	sdelay $0x3  }
0x33: {  	p0 =	seq.s32 s10, $0x1;
	s10 =	sld [smem:$0x3FB6];
	_ =	sdelay $0x3  }
0x34: {  	[smem:$0x3FB6] =	sst s10  }
0x35: {  	s10 =	sld [smem:$0x3FB5];
	_ =	sdelay $0x3  }
0x36: {  	p1 =	seq.s32 s10, $0x1;
	s10 =	sld [smem:$0x3FB6];
	_ =	sdelay $0x3  }
0x37: {  	[smem:$0x3FB6] =	sst s10  }
0x38: {  	s10 =	sld [smem:$0x3FB7]  }
0x39: {  	_ = 	snop;
	(pc) =	sbr.ind lr, $3  }
0x3a: {  	_ = 	snop  }
0x3b: {  	_ = 	snop  }
0x3c: {  	p2 =	seq.s32 s10, $0x1;
	s10 =	sld [smem:$0x3FB6]  }
0x3d: {  	_ =	shalt  }
0x3e: {  	_ =	shalt  }
0x3f: {  	_ =	shalt  }
0x40: {  	_ =	shalt  }
0x41: {  	_ =	shalt  }
0x42: {  	_ =	shalt  }
0x43: {  	_ =	shalt  }
0x44: {  	_ =	shalt  }
0x45: {  	_ =	shalt  }
0x46: {  	_ =	shalt  }
0x47: {  	_ =	shalt  }
0x48: {  	_ =	shalt  }
0x49: {  	_ =	shalt  }
0x4a: {  	_ =	shalt  }
0x4b: {  	_ =	shalt  }
0x4c: {  	_ =	shalt  }
0x4d: {  	_ =	shalt  }
0x4e: {  	_ =	shalt  }
0x4f: {  	_ =	shalt  }
0x50: {  	_ =	shalt  }
0x51: {  	_ =	shalt  }
0x52: {  	_ =	shalt  }
0x53: {  	_ =	shalt  }
0x54: {  	_ =	shalt  }
0x55: {  	_ =	shalt  }
0x56: {  	_ =	shalt  }
0x57: {  	_ =	shalt  }
0x58: {  	_ =	shalt  }
0x59: {  	_ =	shalt  }
0x5a: {  	_ =	shalt  }
0x5b: {  	_ =	shalt  }
0x5c: {  	_ =	shalt  }
0x5d: {  	_ =	shalt  }
0x5e: {  	_ =	shalt  }
0x5f: {  	_ =	shalt  }
0x60: {  	_ =	shalt  }
0x61: {  	_ =	shalt  }
0x62: {  	_ =	shalt  }
0x63: {  	_ =	shalt  }
0x64: {  	_ =	shalt  }
0x65: {  	_ =	shalt  }
0x66: {  	_ =	shalt  }
0x67: {  	_ =	shalt  }
0x68: {  	_ =	shalt  }
0x69: {  	_ =	shalt  }
0x6a: {  	_ =	shalt  }
0x6b: {  	_ =	shalt  }
0x6c: {  	_ =	shalt  }
0x6d: {  	_ =	shalt  }
0x6e: {  	_ =	shalt  }
0x6f: {  	_ =	shalt  }
0x70: {  	_ =	shalt  }
0x71: {  	_ =	shalt  }
0x72: {  	_ =	shalt  }
0x73: {  	_ =	shalt  }
0x74: {  	_ =	shalt  }
0x75: {  	_ =	shalt  }
0x76: {  	_ =	shalt  }
0x77: {  	_ =	shalt  }
0x78: {  	_ =	shalt  }
0x79: {  	_ =	shalt  }
0x7a: {  	_ =	shalt  }
0x7b: {  	_ =	shalt  }
0x7c: {  	_ =	shalt  }
0x7d: {  	_ =	shalt  }
0x7e: {  	_ =	shalt  }
0x7f: {  	_ =	shalt  }
0x80: {  	_ =	shalt  }
0x81: {  	_ =	shalt  }
0x82: {  	_ =	shalt  }
0x83: {  	_ =	shalt  }
0x84: {  	_ =	shalt  }
0x85: {  	_ =	shalt  }
0x86: {  	_ =	shalt  }
0x87: {  	_ =	shalt  }
.Lfunc_end0:
.L_simem_size_0:
called_computation.1_lowered:
.L_overlay_start_0:
0x88: {  	s2 =	sld [smem:$0x3FD9]  }
0x89: {  	s3 =	sld [smem:$0x3FFE];
	_ =	sdelay $0x1  }
0x8a: {  	s1 =	srdreg.scid  }
0x8b: {  	s0 =	sand.u32 $0x1, s1  }
0x8c: {  	s17 =	sshll.u32 s0, $0xA;
	s2 =	sadd.s32 s3, s2  }
0x8d: {  	s2 =	sadd.s32 s2, s17  }
0x8e: {  	[smem:$0x3FC2] =	sst s2  }
0x8f: {  	_ = 	snop  }
0x90: {  	s2 =	sld [smem:$0x3FC8]  }
0x91: {  	s18 =	sld [smem:$0x3FD0];
	(tm) =	ssettm $0x1  }
0x92: {  	s4 =	sld [smem:$0x3FFB];
	_ =	sdelay $0x3  }
0x93: {  	_ =	strace s4  }
0x94: {  	s4 =	sld [smem:$0x3FFC];
	_ =	sdelay $0x3  }
0x95: {  	_ =	strace s4  }
0x96: {  	s4 =	sld [smem:$0x3FFD];
	_ =	sdelay $0x3  }
0x97: {  	_ =	strace s4  }
0x98: {  	_ =	strace $0x8FFFFFFF  }
0x99: {  	s19 =	sld [smem:$0x3FDB];
	_ =	sdelay $0x1  }
0x9a: {  	s5 =	simm.s32 $_scs_section_size  }
0x9b: {  	s6 =	simm.s32 $_size__tile_overlayer_lowered;
	s7 =	simm.s32 $_tile_overlayer_lowered  }
0x9c: {  	s22 =	simm.s32 $0x1BFF;
	s21 =	sshll.u32 s7, $0x1;
	s4 =	sadd.s32 s5, s19  }
0x9d: {  	s8 =	simm.s32 $0x0;
	s20 =	sshll.u32 s6, $0x1;
	s6 =	sadd.s32 s21, s4  }
0x9e: {  	[timem:s8], [sflag:s22] =	dma.local [hbm:s6], s20  }
0x9f: {  	_ =	swait.ge [sflag:s22], s20  }
0xa0: {  	s5 =	ssub.s32 $0x0, s20;
	[sflag:s22] =	ssyncset.done $0x0  }
0xa1: {  	[sflag:s22] =	ssyncadd.s32 s5;
	_ =	sdelay $0x1  }
0xa2: {  	s23 =	simm.s32 $0x1B8B  }
0xa3: {  	_ =	swait.ge [sflag:s23], $0x1  }
0xa4: {  	[sflag:s23] =	ssyncset.done $0x0  }
0xa5: {  	s25 =	simm.s32 $0x1B8E;
	s24 =	sld [smem:$0x3FFE];
	[sflag:s23] =	ssyncadd.s32 $0xFFFFFFFF  }
0xa6: {  	s26 =	simm.s32 $execute0_lowered;
	[smem:$0x3FD2] =	sst s25  }
0xa7: {  	s6 =	sshll.u32 s26, $0x1;
	_ =	strace $0x80000049;
	[dreg:$0x1] =	wrdreg $0xFFFFFFFF  }
0xa8: {  	s28 =	simm.s32 $_size_execute0_lowered;
	s4 =	sadd.s32 s4, s6;
	[dreg:$0x0] =	wrdreg $0x0  }
0xa9: {  	s6 =	sshll.u32 s28, $0x1;
	[dreg:$0x2] =	wrdreg s4  }
0xaa: {  	[dreg:$0x3] =	wrdreg s6  }
0xab: {  	[dreg:$0x4] =	wrdreg $0xC0  }
0xac: {  	_ =	task [dreg:s8], $0x5FFFF  }
0xad: {  	[dreg:$0x1] =	wrdreg $0xFFFFFFFF  }
0xae: {  	[dreg:$0x0] =	wrdreg $0x60  }
0xaf: {  	[dreg:$0x2] =	wrdreg s24  }
0xb0: {  	[dreg:$0x3] =	wrdreg s2  }
0xb1: {  	[dreg:$0x4] =	wrdreg s18  }
0xb2: {  	[dreg:$0x5] =	wrdreg $0x9  }
0xb3: {  	_ =	task.clear_ibuf [dreg:s8], $0x6FFFF;
	_ =	strace $0x90000049  }
0xb4: {  	s29 =	simm.s32 $0x9;
	_ =	strace $0x8000004B  }
0xb5: {  	_ =	swait.ge [sflag:s29], $0x1  }
0xb6: {  	[sflag:s29] =	ssyncadd.s32 $0xFFFFFFFF  }
0xb7: {  	_ =	strace $0x9000004B  }
0xb8: {  	_ =	sfence  }
0xb9: {  	s30 =	sld [smem:$0x0];
	_ =	sdelay $0x2  }
0xba: {  	s31 =	sshll.u32 s1, $0xD;
	s1 =	sshrl.u32 s1, $0x2  }
0xbb: {  	s3 =	sand.u32 $0x4000, s31;
	s1 =	sadd.s32 s1, s30  }
0xbc: {  	s0 =	sor.u32 s3, s0;
	s1 =	sshll.u32 s1, $0x11  }
0xbd: {  	s0 =	sor.u32 s1, s0  }
0xbe: {  	s0 =	sadd.s32 $0x8F2B, s0  }
0xbf: {  	[sflag:s0] =	ssyncadd.remote.s32 $0x1  }
0xc0: {  	_ =	sfence.sel $0xFFFF  }
0xc1: {  	[dreg:$0x0] =	wrdreg $0xFFFFFFFF;
	(pc) =	sbr.abs _section_cstart, $3  }
0xc2: {  	[dreg:$0x1] =	wrdreg $0xFFFFFFFF  }
0xc3: {  	_ =	task.clear_ibuf [dreg:s8], $0x2FFFF;
	_ =	strace $0x9FFFFFFF  }
0xc4: {  	(tm) =	ssettm $0x7FFFFFFF  }
0xc5: {  	_ =	shalt  }
tec
execute0_lowered:
.L_overlay_start_1:
0x0: {  	(tag) =	ssettag $0x1  }
0x1: {  	s1 =	stileid.u32  }
0x2: {  	s5 =	sand.u32 $0x1, s1  }
0x3: {  	p0 =	seq.s32 s5, $0x1  }
.Ltmp0:
0x4: {  	s4 =	rddreg [dreg:$0x0];
	(pc) =	sbr.rel @p0 .LBB2_4-.Ltmp0, $4  }
0x5: {  	s3 =	rddreg [dreg:$0x1]  }
0x6: {  	s9 =	rddreg [dreg:$0x2];
	s2 =	simm.s32 $0x0  }
0x7: {  	[smem:$0x7FF] =	sst s2  }
0x8: {  	s0 =	rddreg [dreg:$0x3];
	_ =	strace $0x8000004A  }
0x9: {  	s5 =	srdreg.scid  }
0xa: {  	s11 =	sand.u32 $0x1, s5  }
0xb: {  	s10 =	sshrl.u32 s1, $0x1;
	s5 =	sshll.u32 s11, $0x3  }
0xc: {  	s12 =	sor.u32 s10, s5  }
0xd: {  	s6 =	sshll.u32 s1, $0x4;
	s5 =	sshll.u32 s12, $0x5  }
0xe: {  	s6 =	sand.u32 $0x60, s6;
	s5 =	sand.u32 $0x180, s5  }
0xf: {  	s7 =	sadd.s32 $0x9400, s4;
	s6 =	sor.u32 s6, s5  }
0x10: {  	s4 =	simm.s32 $0x1;
	s5 =	sadd.s32 s7, s6  }
0x11: {  	[tilespmem:s2], [sflag:$0x1] =	stream.linear.gather [hbm4b:s5+s2], $0x80, $0x38;
	[tilespmem:$0x200] =	vst v63  }
0x12: {  	_ =	swait.ge [sflag:s4], $0x80  }
0x13: {  	s6 =	sadd.s32 s6, s7;
	[sflag:s4] =	ssyncset.done $0x0  }
0x14: {  	s7 =	simm.s32 $0x80;
	s6 =	sadd.s32 $0x10, s6;
	[sflag:s4] =	ssyncadd.s32 $0xFFFFFF80  }
0x15: {  	[tilespmem:s7], [sflag:$0x1] =	stream.linear.gather [hbm4b:s6+s2], $0x80, $0x38;
	[tilespmem:$0x200] =	vst v63  }
0x16: {  	_ =	swait.ge [sflag:s4], $0x80  }
0x17: {  	[sflag:s4] =	ssyncset.done $0x0  }
0x18: {  	s8 =	simm.s32 $0x100;
	[sflag:s4] =	ssyncadd.s32 $0xFFFFFF80  }
0x19: {  	[tilespmem:s8], [sflag:$0x1] =	stream.linear.gather [hbm4b:s3+s2], $0x80, $0x38;
	[tilespmem:$0x200] =	vst v63  }
0x1a: {  	_ =	swait.ge [sflag:s4], $0x80  }
0x1b: {  	[sflag:s4] =	ssyncset.done $0x0  }
0x1c: {  	[sflag:s4] =	ssyncadd.s32 $0xFFFFFF80  }
0x1d: {  	v0 =	vld [tilespmem:$0x20]  }
0x1e: {  	v1 =	vld [tilespmem:$0xA0];
	_ =	sdelay $0x1  }
0x1f: {  	v2 =	vld [tilespmem:$0x100]  }
0x20: {  	vm0 =	vmmov $0x1  }
0x21: {  	v0 =	vnsel vm0, $0x0, v0  }
0x22: {  	v4 =	vlaneseq.u32;
	v3 =	vmov s12;
	v1 =	vnsel vm0, $0x0, v1;
	(xrf2) =	vadd.scan.msk.f32 $0xffff, v0  }
0x23: {  	vm1 =	veq.s32 v3, v4;
	(xrf2) =	vadd.scan.msk.f32 $0xffff, v1  }
0x24: {  	v0 =	vnsel vm1, $0x0, v2  }
0x25: {  	(xrf0) =	vadd.scan.msk.s32 $0xffff, v0;
	_ =	sdelay $0x5  }
0x26: {  	v0, _, _ =	vpop (xrf0)  }
0x27: {  	(v2sf) =	vpush v0, $0xF;
	v0, _, _ =	vpop (xrf2)  }
0x28: {  	(v2sf) =	vpush v0, $0xF;
	v0, _, _ =	vpop (xrf2)  }
0x29: {  	(v2sf) =	vpush v0, $0xF;
	_ =	sdelay $0xc  }
0x2a: {  	s26 =	spop (v2sf)  }
0x2b: {  	s13 =	spop (v2sf)  }
0x2c: {  	s14 =	spop (v2sf)  }
0x2d: {  	s12 =	scvt.s32.f32 s26;
	s13 =	sadd.f32 s14, s13  }
0x2e: {  	_ = 	snop  }
0x2f: {  	s12 =	smul.f32 s12, s13;
	_ =	sdelay $0x1  }
0x30: {  	v0 =	vmov s12  }
0x31: {  	v1 =	vshra.s32 v0, $0x1;
	v0 =	vmul.f32 $5.000000000e-01, v0  }
0x32: {  	v1 =	vsub.s32 $0x5F3759DF, v1  }
0x33: {  	v2 =	vmul.f32 v1, v0;
	_ =	sdelay $0x1  }
0x34: {  	v2 =	vmul.f32 v1, v2;
	_ =	sdelay $0x1  }
0x35: {  	v2 =	vsub.f32 $1.500000000e+00, v2;
	_ =	sdelay $0x1  }
0x36: {  	v1 =	vmul.f32 v1, v2;
	_ =	sdelay $0x1  }
0x37: {  	v2 =	vmul.f32 v1, v0;
	_ =	sdelay $0x1  }
0x38: {  	v2 =	vmul.f32 v2, v1;
	_ =	sdelay $0x1  }
0x39: {  	v2 =	vsub.f32 $1.500000000e+00, v2;
	_ =	sdelay $0x1  }
0x3a: {  	v1 =	vmul.f32 v2, v1;
	_ =	sdelay $0x1  }
0x3b: {  	v2 =	vmul.f32 v1, v0;
	_ =	sdelay $0x1  }
0x3c: {  	v2 =	vmul.f32 v2, v1;
	_ =	sdelay $0x1  }
0x3d: {  	v2 =	vsub.f32 $1.500000000e+00, v2;
	_ =	sdelay $0x1  }
0x3e: {  	v1 =	vmul.f32 v2, v1;
	_ =	sdelay $0x1  }
0x3f: {  	v0 =	vmul.f32 v1, v0  }
0x40: {  	v3 =	vld [tilespmem:$0x80]  }
0x41: {  	v62 =	vld [tilespmem:$0x10];
	v0 =	vmul.f32 v0, v1  }
0x42: {  	v2 =	vld [tilespmem:$0x0]  }
0x43: {  	v5 =	vld [tilespmem:$0x90];
	v0 =	vsub.f32 $1.500000000e+00, v0;
	_ =	sdelay $0x1  }
0x44: {  	v0 =	vmul.f32 v0, v1;
	_ =	sdelay $0x1  }
0x45: {  	v1 =	vadd.f32 v3, v2;
	v2 =	vmul.f32 v0, v0  }
0x46: {  	v3 =	vadd.f32 v5, v62  }
0x47: {  	v0 =	vmul.f32 v2, v1  }
0x48: {  	v1 =	vmul.f32 v2, v3  }
0x49: {  	v2 =	vmul.f32 v0, v0  }
0x4a: {  	v3 =	vmul.f32 v1, v1  }
0x4b: {  	(xrf2) =	vadd.scan.msk.f32 $0xffff, v2  }
0x4c: {  	(xrf2) =	vadd.scan.msk.f32 $0xffff, v3;
	_ =	sdelay $0x8  }
0x4d: {  	v2, _, _ =	vpop (xrf2)  }
0x4e: {  	(v2sf) =	vpush v2, $0xF;
	v2, _, _ =	vpop (xrf2)  }
0x4f: {  	(v2sf) =	vpush v2, $0xF;
	_ =	sdelay $0xd  }
0x50: {  	s28 =	spop (v2sf)  }
0x51: {  	s29 =	spop (v2sf)  }
0x52: {  	s12 =	sadd.f32 s29, s28;
	_ =	sdelay $0x1  }
0x53: {  	s12 =	smax.f32 s12, $1.000000020e-24  }
0x54: {  	v2 =	vmov s12  }
0x55: {  	v3 =	vshra.s32 v2, $0x1;
	v2 =	vmul.f32 $5.000000000e-01, v2  }
0x56: {  	v3 =	vsub.s32 $0x5F3759DF, v3  }
0x57: {  	v63 =	vmul.f32 v3, v2;
	_ =	sdelay $0x1  }
0x58: {  	v4 =	vmul.f32 v3, v63;
	_ =	sdelay $0x1  }
0x59: {  	v4 =	vsub.f32 $1.500000000e+00, v4;
	_ =	sdelay $0x1  }
0x5a: {  	v3 =	vmul.f32 v3, v4;
	_ =	sdelay $0x1  }
0x5b: {  	v4 =	vmul.f32 v3, v2;
	_ =	sdelay $0x1  }
0x5c: {  	v4 =	vmul.f32 v4, v3;
	_ =	sdelay $0x1  }
0x5d: {  	v4 =	vsub.f32 $1.500000000e+00, v4;
	_ =	sdelay $0x1  }
0x5e: {  	v3 =	vmul.f32 v4, v3;
	_ =	sdelay $0x1  }
0x5f: {  	v4 =	vmul.f32 v3, v2;
	_ =	sdelay $0x1  }
0x60: {  	v4 =	vmul.f32 v4, v3;
	_ =	sdelay $0x1  }
0x61: {  	v4 =	vsub.f32 $1.500000000e+00, v4  }
0x62: {  	s30 =	ssub.s32 $0x2, s11  }
0x63: {  	s31 =	sshrl.u32 s30, $0x1;
	v3 =	vmul.f32 v4, v3  }
0x64: {  	s12 =	ssub.s32 s30, s31  }
0x65: {  	s12 =	smax.u32 s12, $0x1;
	v2 =	vmul.f32 v3, v2  }
0x66: {  	p0 =	sne.s32 s12, $0x1  }
.Ltmp1:
0x67: {  	v2 =	vmul.f32 v2, v3;
	(pc) =	sbr.rel @!p0 .LBB2_3-.Ltmp1, $4  }
0x68: {  	_ = 	snop  }
0x69: {  	s11 =	sshll.u32 s11, $0x7;
	v2 =	vsub.f32 $1.500000000e+00, v2  }
0x6a: {  	s10 =	sshll.u32 s10, $0x4;
	s9 =	sadd.s32 s9, s11  }
0x6b: {  	s9 =	sadd.s32 s10, s9;
	s10 =	simm.s32 $0x180;
	s11 =	sadd.s32 $0xFFFFFFFF, s12;
	v2 =	vmul.f32 v2, v3  }
.LBB2_2:
0x6c: {  	_ = 	snop  }
0x6d: {  	p0 =	sne.s32 s11, $0x1;
	s11 =	sadd.s32 $0xFFFFFFFF, s11;
	v0 =	vmul.f32 v2, v0;
	v1 =	vmul.f32 v2, v1;
	_ =	sdelay $0x1  }
0x6e: {  	[tilespmem:$0x180] =	vst v0  }
0x6f: {  	[tilespmem:$0x190] =	vst v1  }
0x70: {  	[hbm4b:s9+s2] =	stream.linear.scatter [tilespmem:s10], [sflag:$0x1], $0x80, $0x38;
	[tilespmem:$0x200] =	vst v63  }
0x71: {  	_ =	swait.ge [sflag:s4], $0x80  }
0x72: {  	[sflag:s4] =	ssyncset.done $0x0  }
0x73: {  	[sflag:s4] =	ssyncadd.s32 $0xFFFFFF80  }
0x74: {  	[tilespmem:s2], [sflag:$0x1] =	stream.linear.gather [hbm4b:s5+s2], $0x80, $0x38;
	[tilespmem:$0x200] =	vst v63  }
0x75: {  	_ =	swait.ge [sflag:s4], $0x80  }
0x76: {  	[sflag:s4] =	ssyncset.done $0x0  }
0x77: {  	[sflag:s4] =	ssyncadd.s32 $0xFFFFFF80  }
0x78: {  	[tilespmem:s7], [sflag:$0x1] =	stream.linear.gather [hbm4b:s6+s2], $0x80, $0x38;
	[tilespmem:$0x200] =	vst v63  }
0x79: {  	_ =	swait.ge [sflag:s4], $0x80  }
0x7a: {  	[sflag:s4] =	ssyncset.done $0x0  }
0x7b: {  	[sflag:s4] =	ssyncadd.s32 $0xFFFFFF80  }
0x7c: {  	[tilespmem:s8], [sflag:$0x1] =	stream.linear.gather [hbm4b:s3+s2], $0x80, $0x38;
	[tilespmem:$0x200] =	vst v63  }
0x7d: {  	_ =	swait.ge [sflag:s4], $0x80  }
0x7e: {  	[sflag:s4] =	ssyncset.done $0x0  }
0x7f: {  	[sflag:s4] =	ssyncadd.s32 $0xFFFFFF80  }
0x80: {  	v0 =	vld [tilespmem:$0x20]  }
0x81: {  	v1 =	vld [tilespmem:$0xA0]  }
0x82: {  	v2 =	vld [tilespmem:$0x100]  }
0x83: {  	v3 =	vld [tilespmem:$0x0]  }
0x84: {  	v4 =	vld [tilespmem:$0x80]  }
0x85: {  	v5 =	vld [tilespmem:$0x10];
	v0 =	vnsel vm0, $0x0, v0  }
0x86: {  	v6 =	vld [tilespmem:$0x90];
	v1 =	vnsel vm0, $0x0, v1;
	(xrf2) =	vadd.scan.msk.f32 $0xffff, v0  }
0x87: {  	v0 =	vnsel vm1, $0x0, v2  }
0x88: {  	(xrf0) =	vadd.scan.msk.s32 $0xffff, v0  }
0x89: {  	v0 =	vadd.f32 v4, v3;
	(xrf2) =	vadd.scan.msk.f32 $0xffff, v1;
	_ =	sdelay $0x1  }
0x8a: {  	v1 =	vadd.f32 v6, v5;
	_ =	sdelay $0x2  }
0x8b: {  	v2, _, _ =	vpop (xrf0)  }
0x8c: {  	(v2sf) =	vpush v2, $0xF  }
0x8d: {  	v2, _, _ =	vpop (xrf2);
	_ =	sdelay $0x2  }
0x8e: {  	(v2sf) =	vpush v2, $0xF;
	v2, _, _ =	vpop (xrf2)  }
0x8f: {  	(v2sf) =	vpush v2, $0xF;
	_ =	sdelay $0x9  }
0x90: {  	s12 =	spop (v2sf);
	_ =	sdelay $0x3  }
0x91: {  	s13 =	spop (v2sf)  }
0x92: {  	s14 =	spop (v2sf)  }
0x93: {  	s12 =	scvt.s32.f32 s12;
	s13 =	sadd.f32 s14, s13  }
0x94: {  	_ = 	snop  }
0x95: {  	s12 =	smul.f32 s12, s13;
	_ =	sdelay $0x1  }
0x96: {  	v2 =	vmov s12  }
0x97: {  	v3 =	vshra.s32 v2, $0x1;
	v2 =	vmul.f32 $5.000000000e-01, v2  }
0x98: {  	v3 =	vsub.s32 $0x5F3759DF, v3  }
0x99: {  	v4 =	vmul.f32 v3, v2;
	_ =	sdelay $0x1  }
0x9a: {  	v4 =	vmul.f32 v3, v4;
	_ =	sdelay $0x1  }
0x9b: {  	v4 =	vsub.f32 $1.500000000e+00, v4;
	_ =	sdelay $0x1  }
0x9c: {  	v3 =	vmul.f32 v3, v4;
	_ =	sdelay $0x1  }
0x9d: {  	v4 =	vmul.f32 v3, v2;
	_ =	sdelay $0x1  }
0x9e: {  	v4 =	vmul.f32 v4, v3;
	_ =	sdelay $0x1  }
0x9f: {  	v4 =	vsub.f32 $1.500000000e+00, v4;
	_ =	sdelay $0x1  }
0xa0: {  	v3 =	vmul.f32 v4, v3;
	_ =	sdelay $0x1  }
0xa1: {  	v4 =	vmul.f32 v3, v2;
	_ =	sdelay $0x1  }
0xa2: {  	v4 =	vmul.f32 v4, v3;
	_ =	sdelay $0x1  }
0xa3: {  	v4 =	vsub.f32 $1.500000000e+00, v4;
	_ =	sdelay $0x1  }
0xa4: {  	v3 =	vmul.f32 v4, v3;
	_ =	sdelay $0x1  }
0xa5: {  	v2 =	vmul.f32 v3, v2;
	_ =	sdelay $0x1  }
0xa6: {  	v2 =	vmul.f32 v2, v3;
	_ =	sdelay $0x1  }
0xa7: {  	v2 =	vsub.f32 $1.500000000e+00, v2;
	_ =	sdelay $0x1  }
0xa8: {  	v2 =	vmul.f32 v2, v3;
	_ =	sdelay $0x1  }
0xa9: {  	v2 =	vmul.f32 v2, v2;
	_ =	sdelay $0x1  }
0xaa: {  	v0 =	vmul.f32 v2, v0;
	v1 =	vmul.f32 v2, v1;
	_ =	sdelay $0x1  }
0xab: {  	v2 =	vmul.f32 v0, v0;
	v3 =	vmul.f32 v1, v1;
	_ =	sdelay $0x1  }
0xac: {  	(xrf2) =	vadd.scan.msk.f32 $0xffff, v2;
	_ =	sdelay $0x2  }
0xad: {  	(xrf2) =	vadd.scan.msk.f32 $0xffff, v3;
	_ =	sdelay $0x6  }
0xae: {  	v2, _, _ =	vpop (xrf2);
	_ =	sdelay $0x2  }
0xaf: {  	(v2sf) =	vpush v2, $0xF;
	v2, _, _ =	vpop (xrf2)  }
0xb0: {  	(v2sf) =	vpush v2, $0xF;
	_ =	sdelay $0xd  }
0xb1: {  	s12 =	spop (v2sf)  }
0xb2: {  	s13 =	spop (v2sf)  }
0xb3: {  	s12 =	sadd.f32 s13, s12;
	_ =	sdelay $0x1  }
0xb4: {  	s12 =	smax.f32 s12, $1.000000020e-24  }
0xb5: {  	v2 =	vmov s12  }
0xb6: {  	v3 =	vshra.s32 v2, $0x1;
	v2 =	vmul.f32 $5.000000000e-01, v2  }
0xb7: {  	v3 =	vsub.s32 $0x5F3759DF, v3  }
0xb8: {  	v4 =	vmul.f32 v3, v2;
	_ =	sdelay $0x1  }
0xb9: {  	v4 =	vmul.f32 v3, v4;
	_ =	sdelay $0x1  }
0xba: {  	v4 =	vsub.f32 $1.500000000e+00, v4;
	_ =	sdelay $0x1  }
0xbb: {  	v3 =	vmul.f32 v3, v4;
	_ =	sdelay $0x1  }
0xbc: {  	v4 =	vmul.f32 v3, v2;
	_ =	sdelay $0x1  }
0xbd: {  	v4 =	vmul.f32 v4, v3;
	_ =	sdelay $0x1  }
0xbe: {  	v4 =	vsub.f32 $1.500000000e+00, v4;
	_ =	sdelay $0x1  }
0xbf: {  	v3 =	vmul.f32 v4, v3;
	_ =	sdelay $0x1  }
0xc0: {  	v4 =	vmul.f32 v3, v2;
	_ =	sdelay $0x1  }
0xc1: {  	v4 =	vmul.f32 v4, v3;
	_ =	sdelay $0x1  }
0xc2: {  	v4 =	vsub.f32 $1.500000000e+00, v4;
	_ =	sdelay $0x1  }
0xc3: {  	v3 =	vmul.f32 v4, v3;
	_ =	sdelay $0x1  }
0xc4: {  	v2 =	vmul.f32 v3, v2;
	_ =	sdelay $0x1  }
.Ltmp2:
0xc5: {  	v2 =	vmul.f32 v2, v3;
	(pc) =	sbr.rel @p0 .LBB2_2-.Ltmp2, $3  }
0xc6: {  	_ = 	snop  }
0xc7: {  	v2 =	vsub.f32 $1.500000000e+00, v2;
	_ =	sdelay $0x1  }
0xc8: {  	v2 =	vmul.f32 v2, v3  }
.LBB2_3:
0xc9: {  	_ = 	snop  }
0xca: {  	v0 =	vmul.f32 v2, v0  }
0xcb: {  	v1 =	vmul.f32 v2, v1  }
0xcc: {  	[tilespmem:$0x180] =	vst v0  }
0xcd: {  	[tilespmem:$0x190] =	vst v1  }
0xce: {  	[hbm4b:s9+s2] =	stream.linear.scatter [tilespmem:s10], [sflag:$0x1], $0x80, $0x38;
	[tilespmem:$0x200] =	vst v63  }
0xcf: {  	_ =	swait.ge [sflag:s4], $0x80  }
0xd0: {  	[sflag:s4] =	ssyncset.done $0x0  }
0xd1: {  	[sflag:s4] =	ssyncadd.s32 $0xFFFFFF80  }
.LBB2_4:
0xd2: {  	_ =	sfence.sel $0x180000  }
0xd3: {  	[bflag:$0x0] =	sbarrier.arrive $0xFFFF  }
0xd4: {  	p0 =	sne.s32 s1, $0x0;
	_ =	strace $0x9000004A  }
0xd5: {  	s0 =	sadd.s32 @!p0 $0x100000, s0;
	[bflag:$0x2] =	sbarrier.arrive $0xFFFF  }
0xd6: {  	[sflag:s0] =	ssyncadd.tile.s32 @!p0 $0x1;
	_ =	shalt  }
.Lfunc_end2:
_tile_overlayer_lowered:
.L_overlay_start_2:
0xd7: {  	(tag) =	ssettag $0x2  }
0xd8: {  	s0 =	rddreg [dreg:$0x0];
	s2 =	stileid.u32  }
0xd9: {  	s1 =	rddreg [dreg:$0x1];
	p0 =	sne.s32 s2, $0x0  }
0xda: {  	s3 =	rddreg [dreg:$0x2];
	[bflag:$0x3] =	sbarrier.arrive $0xFFFF;
	s2 =	simm.s32 @!p0 $0x1C01  }
0xdb: {  	[timem:s3], [sflag:s2] =	dma.local @!p0 [hbm:s0], s1  }
0xdc: {  	s0 =	simm.s32 @!p0 $0x1  }
0xdd: {  	_ =	swait.ge @!p0 [sflag:s0], s1  }
0xde: {  	s1 =	ssub.s32 @!p0 $0x0, s1;
	[sflag:s0] =	ssyncset.done @!p0 $0x0  }
0xdf: {  	[sflag:s0] =	ssyncadd.s32 @!p0 s1  }
0xe0: {  	[bflag:$0x3] =	sbarrier.arrive $0xFFFF  }
0xe1: {  	_ =	shalt  }

</sc_bundles>
